<compile_context>
chip_gen: v7x
topology: tpu7x:2x2x1
jax: 0.10.2.dev20260603
libtpu: 0.0.44.dev20260713+nightly
codegen_flags: <defaults>
</compile_context>

<pallas_src>
import functools

import jax
import jax.numpy as jnp
from jax import lax
from jax.experimental import pallas as pl
from jax.experimental.pallas import tpu as pltpu
from jax.experimental.pallas import tpu_sc as plsc

N = 10000
E = 160000
D = 256
B = 16
HD = 128
NP = 10240
EP = 163840
NS = 16
EPT = EP // NS
CH = 128
NCH = EPT // CH
RPT = NP // NS
BLK = 1024

_F32 = jnp.float32
_HIGH = lax.Precision.DEFAULT


def _dot(a, b, dims=None):
    if dims is None:
        return jnp.dot(a, b, preferred_element_type=_F32, precision=_HIGH)
    return lax.dot_general(a, b, (dims, ((), ())),
                           preferred_element_type=_F32, precision=_HIGH)



def _sc_agg_kernel(h0_hbm, h1_hbm, sd_hbm, z_hbm, o0_hbm, o1_hbm,
                   idx0, idx1, idx2, idx3, rows0, rows1, acc,
                   is0, is1, is2, is3, gs0, gs1, ss0, ss1):
    cid = lax.axis_index("c")
    sid = lax.axis_index("s")
    idxs = (idx0, idx1, idx2, idx3)
    isems = (is0, is1, is2, is3)
    rows = (rows0, rows1)
    gsems = (gs0, gs1)
    ssems = (ss0, ss1)

    pltpu.sync_copy(z_hbm.at[pl.ds(sid * RPT, RPT)],
                    acc.at[pl.ds(sid * RPT, RPT)])
    plsc.subcore_barrier()

    base = sid * NCH

    def run(h_hbm, out_hbm):
        dummy = h_hbm.at[pl.ds(0, CH)]

        def fetch_idx(k, slot):
            pltpu.async_copy(sd_hbm.at[base + k], idxs[slot], isems[slot])

        def wait_idx(slot):
            pltpu.make_async_copy(sd_hbm.at[0], idxs[slot], isems[slot]).wait()

        def start_gather(slot, islot):
            pltpu.async_copy(h_hbm.at[idxs[islot].at[0]], rows[slot],
                             gsems[slot])

        def wait_gather(slot):
            pltpu.make_async_copy(dummy, rows[slot], gsems[slot]).wait()

        def start_scatter(slot, islot):
            pltpu.async_copy(rows[slot], acc.at[idxs[islot].at[1]],
                             ssems[slot], add=True)

        def wait_scatter(slot):
            pltpu.make_async_copy(dummy, rows[slot], ssems[slot]).wait()

        fetch_idx(0, 0)
        fetch_idx(1, 1)
        wait_idx(0)
        start_gather(0, 0)

        def body(g, carry):
            for u in range(4):
                k = 4 * g + u
                b = u % 2
                o = 1 - b

                wait_gather(b)
                start_scatter(b, u)

                @pl.when(k >= 1)
                def _():
                    wait_scatter(o)

                @pl.when(k + 2 < NCH)
                def _():
                    fetch_idx(k + 2, (u + 2) % 4)

                @pl.when(k + 1 < NCH)
                def _():
                    wait_idx((u + 1) % 4)
                    start_gather(o, (u + 1) % 4)

            return carry

        lax.fori_loop(0, NCH // 4, body, 0)
        wait_scatter((NCH - 1) % 2)
        plsc.subcore_barrier()
        pltpu.sync_copy(acc.at[pl.ds(sid * RPT, RPT)],
                        out_hbm.at[pl.ds(sid * RPT, RPT)])

    @pl.when(cid == 0)
    def _():
        run(h0_hbm, o0_hbm)

    @pl.when(cid == 1)
    def _():
        run(h1_hbm, o1_hbm)


def _sc_agg(h0, h1, sd3d, zeros):
    mesh = plsc.VectorSubcoreMesh(core_axis_name="c", subcore_axis_name="s")
    k = functools.partial(
        pl.kernel, mesh=mesh,
        out_type=[jax.ShapeDtypeStruct((NP, HD), _F32),
                  jax.ShapeDtypeStruct((NP, HD), _F32)],
        scratch_types=(
            [pltpu.VMEM((2, 128), jnp.int32)] * 4
            + [pltpu.VMEM((CH, HD), _F32)] * 2
            + [pltpu.VMEM_SHARED((NP, HD), _F32)]
            + [pltpu.SemaphoreType.DMA] * 8
        ),
    )(_sc_agg_kernel)
    return k(h0, h1, sd3d, zeros)



def _round1_body(a0, a1, wa, wb, b, o0, o1):
    h = _dot(a0[...], wa[...]) + _dot(a1[...], wb[...]) + b[...]
    h = jnp.maximum(h, 0.0)
    o0[...] = h[:, :HD]
    o1[...] = h[:, HD:]


def _round1(a0, a1, wa, wb, b):
    return pl.pallas_call(
        _round1_body,
        grid=(NP // BLK,),
        in_specs=[
            pl.BlockSpec((BLK, HD), lambda i: (i, 0)),
            pl.BlockSpec((BLK, HD), lambda i: (i, 0)),
            pl.BlockSpec((HD, D), lambda i: (0, 0)),
            pl.BlockSpec((HD, D), lambda i: (0, 0)),
            pl.BlockSpec((1, D), lambda i: (0, 0)),
        ],
        out_specs=[pl.BlockSpec((BLK, HD), lambda i: (i, 0))] * 2,
        out_shape=[jax.ShapeDtypeStruct((NP, HD), _F32)] * 2,
    )(a0, a1, wa, wb, b)


def _sigmoid(x):
    return 1.0 / (1.0 + jnp.exp(-x))


def _round2_body(a0, a1, wa, wb, b, gpw, gpb, gid, h_ref, hg_ref):
    i = pl.program_id(0)
    h = _dot(a0[...], wa[...]) + _dot(a1[...], wb[...]) + b[...]
    h = jnp.maximum(h, 0.0)
    h_ref[...] = h
    y = _dot(h, gpw[...]) + gpb[...]
    iota = lax.broadcasted_iota(jnp.int32, (BLK, B), 1)
    mask = (gid[...] == iota).astype(_F32)
    part = _dot(mask, y, dims=((0,), (0,)))

    @pl.when(i == 0)
    def _():
        hg_ref[...] = part

    @pl.when(i > 0)
    def _():
        hg_ref[...] += part


def _round2(a0, a1, wa, wb, b, gpw, gpb, gid_col):
    return pl.pallas_call(
        _round2_body,
        grid=(NP // BLK,),
        in_specs=[
            pl.BlockSpec((BLK, HD), lambda i: (i, 0)),
            pl.BlockSpec((BLK, HD), lambda i: (i, 0)),
            pl.BlockSpec((HD, D), lambda i: (0, 0)),
            pl.BlockSpec((HD, D), lambda i: (0, 0)),
            pl.BlockSpec((1, D), lambda i: (0, 0)),
            pl.BlockSpec((D, D), lambda i: (0, 0)),
            pl.BlockSpec((1, D), lambda i: (0, 0)),
            pl.BlockSpec((BLK, 1), lambda i: (i, 0)),
        ],
        out_specs=[
            pl.BlockSpec((BLK, D), lambda i: (i, 0)),
            pl.BlockSpec((B, D), lambda i: (0, 0)),
        ],
        out_shape=[
            jax.ShapeDtypeStruct((NP, D), _F32),
            jax.ShapeDtypeStruct((B, D), _F32),
        ],
    )(a0, a1, wa, wb, b, gpw, gpb, gid_col)


def _score_body(h, hg, gid,
                fanw1, fanb1, fanw2, fanb2, fiw1, fib1, fiw2, fib2,
                faea, faec, faeb1, faew2, faeb2,
                fsa, fsc, fsb1, fsw2, fsb2,
                sc_ref, pnode_ref, pedge_ref):
    g = hg[...]
    t = _sigmoid(_dot(g, fanw1[...]) + fanb1[...])
    logits = _dot(t, fanw2[...]) + fanb2[...]
    m = jnp.max(logits, axis=1, keepdims=True)
    e = jnp.exp(logits - m)
    pnode_ref[...] = e / jnp.sum(e, axis=1, keepdims=True)
    t = _sigmoid(_dot(g, fiw1[...]) + fib1[...])
    hv = _dot(t, fiw2[...]) + fib2[...]
    t = _sigmoid(_dot(g, faea[...]) + _dot(hv, faec[...]) + faeb1[...])
    pedge_ref[...] = _sigmoid(_dot(t, faew2[...]) + faeb2[...])
    iota = lax.broadcasted_iota(jnp.int32, (BLK, B), 1)
    mask = (gid[...] == iota).astype(_F32)
    hvn = _dot(mask, hv)
    t = _sigmoid(_dot(h[...], fsa[...]) + _dot(hvn, fsc[...]) + fsb1[...])
    sc_ref[...] = _dot(t, fsw2[...]) + fsb2[...]


def _score(h, hg, gid_col, p):
    fan, fi, fae, fs = p["fan"], p["finit"], p["fae"], p["fs"]
    args = [
        h, hg, gid_col,
        fan["W1"], fan["b1"][None, :], fan["W2"], fan["b2"][None, :],
        fi["W1"], fi["b1"][None, :], fi["W2"], fi["b2"][None, :],
        fae["W1"][:D], fae["W1"][D:], fae["b1"][None, :],
        fae["W2"], fae["b2"][None, :],
        fs["W1"][:D], fs["W1"][D:], fs["b1"][None, :],
        fs["W2"], fs["b2"][None, :],
    ]
    in_specs = [
        pl.BlockSpec((BLK, D), lambda i: (i, 0)),
        pl.BlockSpec((B, D), lambda i: (0, 0)),
        pl.BlockSpec((BLK, 1), lambda i: (i, 0)),
    ] + [pl.BlockSpec(a.shape, lambda i: (0, 0)) for a in args[3:]]
    return pl.pallas_call(
        _score_body,
        grid=(NP // BLK,),
        in_specs=in_specs,
        out_specs=[
            pl.BlockSpec((BLK, 1), lambda i: (i, 0)),
            pl.BlockSpec((B, 2), lambda i: (0, 0)),
            pl.BlockSpec((B, 1), lambda i: (0, 0)),
        ],
        out_shape=[
            jax.ShapeDtypeStruct((NP, 1), _F32),
            jax.ShapeDtypeStruct((B, 2), _F32),
            jax.ShapeDtypeStruct((B, 1), _F32),
        ],
    )(*args)


def _softmax_body(sc_ref, gid_ref, s_ref):
    sc = sc_ref[...]
    iota = lax.broadcasted_iota(jnp.int32, (NP, B), 1)
    maskb = gid_ref[...] == iota
    mask = maskb.astype(_F32)
    m = jnp.max(jnp.where(maskb, sc, -1e30), axis=0)
    mrow = _dot(mask, m[None, :], dims=((1,), (1,)))
    e = jnp.exp(sc - mrow)
    z = _dot(e, mask, dims=((0,), (0,)))
    zrow = _dot(mask, z, dims=((1,), (1,)))
    s_ref[...] = e / zrow


def _softmax(score, gid_col):
    full = lambda s: pl.BlockSpec(s, lambda: (0, 0))
    return pl.pallas_call(
        _softmax_body,
        in_specs=[full((NP, 1)), full((NP, 1))],
        out_specs=full((NP, 1)),
        out_shape=jax.ShapeDtypeStruct((NP, 1), _F32),
    )(score, gid_col)



def kernel(x, edge_index, graph_ids, params):
    pad_e = EP - E
    pad_n = NP - N
    src = jnp.concatenate(
        [edge_index[0], (jnp.arange(pad_e, dtype=jnp.int32) * 97) % N])
    dst = jnp.concatenate(
        [edge_index[1], N + (jnp.arange(pad_e, dtype=jnp.int32) % pad_n)])
    sd3d = jnp.stack(
        [src.reshape(EP // 128, 128), dst.reshape(EP // 128, 128)], axis=1)

    gid_col = jnp.concatenate(
        [graph_ids, jnp.full((pad_n,), B, jnp.int32)])[:, None]
    zeros = jnp.zeros((NP, HD), _F32)

    a0, a1 = _sc_agg(x[:, :HD], x[:, HD:], sd3d, zeros)
    w0 = params["gcn_W"][0]
    h0, h1 = _round1(a0, a1, w0[:HD], w0[HD:], params["gcn_b"][0][None, :])

    a0, a1 = _sc_agg(h0, h1, sd3d, zeros)
    w1 = params["gcn_W"][1]
    h, hg = _round2(a0, a1, w1[:HD], w1[HD:], params["gcn_b"][1][None, :],
                    params["gp_W"], params["gp_b"][None, :], gid_col)
    score, p_node, p_edge = _score(h, hg, gid_col, params)
    s = _softmax(score, gid_col)
    return (p_node, p_edge, s[:N, 0])

# --- scband reference (transcript-rebuilt; emitter-appended) ---
"""Pipeline reference for scband-dgmg-30210799960536 (READ-ONLY COPY).

The authoritative reference and input builder live on the scoring server;
editing this copy changes nothing except your own understanding.
"""

import jax, jax.numpy as jnp
import numpy as np

N = 10000
E = 160000
D = 256
B = 16
T = 2


def _mlp_params(key, din, dout):
    k1, k2 = jax.random.split(key)
    return {
        "W1": 0.02 * jax.random.normal(k1, (din, din), dtype=jnp.float32),
        "b1": jnp.zeros((din,), dtype=jnp.float32),
        "W2": 0.02 * jax.random.normal(k2, (din, dout), dtype=jnp.float32),
        "b2": jnp.zeros((dout,), dtype=jnp.float32),
    }


def setup_inputs(seed: int = 0) -> dict:
    key = jax.random.key(seed)
    ks = jax.random.split(key, 10)
    x = jax.random.normal(ks[0], (N, D), dtype=jnp.float32)
    edge_index = jax.random.randint(ks[1], (2, E), 0, N, dtype=jnp.int32)
    graph_ids = jnp.sort(jax.random.randint(ks[2], (N,), 0, B, dtype=jnp.int32))
    params = {
        "gcn_W": 0.02 * jax.random.normal(ks[3], (T, D, D), dtype=jnp.float32),
        "gcn_b": jnp.zeros((T, D), dtype=jnp.float32),
        "gp_W": 0.02 * jax.random.normal(ks[4], (D, D), dtype=jnp.float32),
        "gp_b": jnp.zeros((D,), dtype=jnp.float32),
        "fan": _mlp_params(ks[5], D, 2),
        "fae": _mlp_params(ks[6], 2 * D, 1),
        "fs": _mlp_params(ks[7], 2 * D, 1),
        "finit": _mlp_params(ks[8], D, D),
    }
    return {"x": x, "edge_index": edge_index, "graph_ids": graph_ids, "params": params}


def _mlp_apply(p, x):
    h = jax.nn.sigmoid(x @ p["W1"] + p["b1"])
    return h @ p["W2"] + p["b2"]


def reference(x, edge_index, graph_ids, params):
    src = edge_index[0]
    dst = edge_index[1]
    h = x
    # T rounds of GCN message passing (gather on src, scatter-add on dst)
    for t in range(T):
        msgs = jnp.take(h, src, axis=0)
        agg = jax.ops.segment_sum(msgs, dst, num_segments=N)
        h = jax.nn.relu(agg @ params["gcn_W"][t] + params["gcn_b"][t])
    # graph-level representation: sum of projected node features per graph
    hG = jax.ops.segment_sum(h @ params["gp_W"] + params["gp_b"], graph_ids, num_segments=B)
    # fan head: add-node decision probabilities
    p_node = jax.nn.softmax(_mlp_apply(params["fan"], hG), axis=1)
    # finit: init embedding for candidate new node per graph
    hv = _mlp_apply(params["finit"], hG)
    # fae head: add-edge probability from [hG, hv]
    p_edge = jax.nn.sigmoid(_mlp_apply(params["fae"], jnp.concatenate([hG, hv], axis=1)))
    # fs head: destination-node selection softmax over nodes within each graph
    huv = jnp.concatenate([h, jnp.take(hv, graph_ids, axis=0)], axis=1)
    score = _mlp_apply(params["fs"], huv)[:, 0]
    m = jax.ops.segment_max(score, graph_ids, num_segments=B)
    e = jnp.exp(score - jnp.take(m, graph_ids, axis=0))
    z = jax.ops.segment_sum(e, graph_ids, num_segments=B)
    s = e / jnp.take(z, graph_ids, axis=0)
    return (p_node, p_edge, s)

if __name__ == "__main__":
    import jax
    _d = setup_inputs()
    print(jax.jit(kernel)(*tuple(_d.values())))

</pallas_src>

<mosaic_0001>
#map = affine_map<(d0, d1) -> (0, 0)>
#map1 = affine_map<(d0, d1) -> (0, 0, 0)>
module attributes {stable_mosaic.version = 14 : i64} {
  func.func @_sc_agg_kernel(%arg0: i32, %arg1: i32, %arg2: memref<10000x128xf32, #tpu.memory_space<hbm>>, %arg3: memref<10000x128xf32, #tpu.memory_space<hbm>>, %arg4: memref<1280x2x128xi32, #tpu.memory_space<hbm>>, %arg5: memref<10240x128xf32, #tpu.memory_space<hbm>>, %arg6: memref<10240x128xf32, #tpu.memory_space<hbm>>, %arg7: memref<10240x128xf32, #tpu.memory_space<hbm>>, %arg8: memref<2x128xi32, #tpu.memory_space<vmem>>, %arg9: memref<2x128xi32, #tpu.memory_space<vmem>>, %arg10: memref<2x128xi32, #tpu.memory_space<vmem>>, %arg11: memref<2x128xi32, #tpu.memory_space<vmem>>, %arg12: memref<128x128xf32, #tpu.memory_space<vmem>>, %arg13: memref<128x128xf32, #tpu.memory_space<vmem>>, %arg14: memref<10240x128xf32, #tpu.memory_space<vmem_shared>>, %arg15: memref<!tpu.dma_semaphore, #tpu.memory_space<semaphore_mem>>, %arg16: memref<!tpu.dma_semaphore, #tpu.memory_space<semaphore_mem>>, %arg17: memref<!tpu.dma_semaphore, #tpu.memory_space<semaphore_mem>>, %arg18: memref<!tpu.dma_semaphore, #tpu.memory_space<semaphore_mem>>, %arg19: memref<!tpu.dma_semaphore, #tpu.memory_space<semaphore_mem>>, %arg20: memref<!tpu.dma_semaphore, #tpu.memory_space<semaphore_mem>>, %arg21: memref<!tpu.dma_semaphore, #tpu.memory_space<semaphore_mem>>, %arg22: memref<!tpu.dma_semaphore, #tpu.memory_space<semaphore_mem>>) attributes {dimension_semantics = [#tpu.dimension_semantics<core_parallel>, #tpu.dimension_semantics<subcore_parallel>], iteration_bounds = array<i64: 2, 16>, scalar_prefetch = 0 : i64, scratch_operands = 15 : i64, tpu.core_type = #tpu.core_type<sc_vector_subcore>, window_params = [{transform_indices = #map}, {transform_indices = #map}, {transform_indices = #map1}, {transform_indices = #map}, {transform_indices = #map}, {transform_indices = #map}]} {
    %mul3A = arith.constant 640 : i32
    %mul3A_0 = arith.muli %arg1, %mul3A : i32
    %mul3A_1 = arith.constant 640 : i32
    %mul3A_2 = arith.muli %arg1, %mul3A_1 : i32
    "tpu.region"() ({
      %run_scoped3A = tpu.sem_alloc : memref<!tpu.dma_semaphore, #tpu.memory_space<semaphore_mem>>
      %dma_start3A = arith.constant 0 : i32
      %dma_start3A_12 = tpu.memref_slice %arg14[%mul3A_2, %dma_start3A] : memref<10240x128xf32, #tpu.memory_space<vmem_shared>> -> memref<640x128xf32, #tpu.memory_space<vmem_shared>>
      %dma_start3A_13 = arith.constant 0 : i32
      %dma_start3A_14 = tpu.memref_slice %arg5[%mul3A_0, %dma_start3A_13] : memref<10240x128xf32, #tpu.memory_space<hbm>> -> memref<640x128xf32, #tpu.memory_space<hbm>>
      tpu.enqueue_dma source(%dma_start3A_14 : memref<640x128xf32, #tpu.memory_space<hbm>>) target(%dma_start3A_12 : memref<640x128xf32, #tpu.memory_space<vmem_shared>>) target_semaphore(%run_scoped3A : memref<!tpu.dma_semaphore, #tpu.memory_space<semaphore_mem>>)
      %dma_wait3A = arith.constant 0 : i32
      %dma_wait3A_15 = tpu.memref_slice %arg14[%mul3A_2, %dma_wait3A] : memref<10240x128xf32, #tpu.memory_space<vmem_shared>> -> memref<640x128xf32, #tpu.memory_space<vmem_shared>>
      %dma_wait3A_16 = arith.constant 0 : i32
      %dma_wait3A_17 = tpu.memref_slice %arg5[%mul3A_0, %dma_wait3A_16] : memref<10240x128xf32, #tpu.memory_space<hbm>> -> memref<640x128xf32, #tpu.memory_space<hbm>>
      tpu.wait_dma2 semaphore(%run_scoped3A : memref<!tpu.dma_semaphore, #tpu.memory_space<semaphore_mem>>) src(%dma_wait3A_17 : memref<640x128xf32, #tpu.memory_space<hbm>>) dst(%dma_wait3A_15 : memref<640x128xf32, #tpu.memory_space<vmem_shared>>)
      tpu.yield
    }) : () -> ()
    %barrier3A = arith.constant 0 : index
    tpu.barrier barrier_id(%barrier3A)
    %mul3A_3 = arith.constant 80 : i32
    %mul3A_4 = arith.muli %arg1, %mul3A_3 : i32
    %eq3A = arith.constant 0 : i32
    %eq3A_5 = arith.cmpi eq, %arg0, %eq3A : i32
    %convert_element_type3A = arith.extui %eq3A_5 : i1 to i32
    %cond3A = arith.constant 0 : i32
    %cond3A_6 = arith.cmpi ne, %convert_element_type3A, %cond3A : i32
    scf.if %cond3A_6 {
      %add3A = arith.constant 0 : i32
      %add3A_12 = arith.addi %mul3A_4, %add3A : i32
      %dma_start3A = arith.constant 0 : i32
      %dma_start3A_13 = arith.constant 0 : i32
      %dma_start3A_14 = tpu.memref_slice %arg4[%add3A_12, %dma_start3A, %dma_start3A_13] : memref<1280x2x128xi32, #tpu.memory_space<hbm>> -> memref<1x2x128xi32, #tpu.memory_space<hbm>>
      %dma_start3A_15 = tpu.memref_squeeze %dma_start3A_14 : memref<1x2x128xi32, #tpu.memory_space<hbm>> -> memref<2x128xi32, #tpu.memory_space<hbm>>
      %dma_start3A_16 = arith.constant 0 : i32
      %dma_start3A_17 = arith.constant 0 : i32
      %dma_start3A_18 = tpu.memref_slice %arg4[%add3A_12, %dma_start3A_16, %dma_start3A_17] : memref<1280x2x128xi32, #tpu.memory_space<hbm>> -> memref<1x2x128xi32, #tpu.memory_space<hbm>>
      %dma_start3A_19 = tpu.memref_squeeze %dma_start3A_18 : memref<1x2x128xi32, #tpu.memory_space<hbm>> -> memref<2x128xi32, #tpu.memory_space<hbm>>
      tpu.enqueue_dma source(%dma_start3A_19 : memref<2x128xi32, #tpu.memory_space<hbm>>) target(%arg8 : memref<2x128xi32, #tpu.memory_space<vmem>>) target_semaphore(%arg15 : memref<!tpu.dma_semaphore, #tpu.memory_space<semaphore_mem>>)
      %add3A_20 = arith.constant 1 : i32
      %add3A_21 = arith.addi %mul3A_4, %add3A_20 : i32
      %dma_start3A_22 = arith.constant 0 : i32
      %dma_start3A_23 = arith.constant 0 : i32
      %dma_start3A_24 = tpu.memref_slice %arg4[%add3A_21, %dma_start3A_22, %dma_start3A_23] : memref<1280x2x128xi32, #tpu.memory_space<hbm>> -> memref<1x2x128xi32, #tpu.memory_space<hbm>>
      %dma_start3A_25 = tpu.memref_squeeze %dma_start3A_24 : memref<1x2x128xi32, #tpu.memory_space<hbm>> -> memref<2x128xi32, #tpu.memory_space<hbm>>
      %dma_start3A_26 = arith.constant 0 : i32
      %dma_start3A_27 = arith.constant 0 : i32
      %dma_start3A_28 = tpu.memref_slice %arg4[%add3A_21, %dma_start3A_26, %dma_start3A_27] : memref<1280x2x128xi32, #tpu.memory_space<hbm>> -> memref<1x2x128xi32, #tpu.memory_space<hbm>>
      %dma_start3A_29 = tpu.memref_squeeze %dma_start3A_28 : memref<1x2x128xi32, #tpu.memory_space<hbm>> -> memref<2x128xi32, #tpu.memory_space<hbm>>
      tpu.enqueue_dma source(%dma_start3A_29 : memref<2x128xi32, #tpu.memory_space<hbm>>) target(%arg9 : memref<2x128xi32, #tpu.memory_space<vmem>>) target_semaphore(%arg16 : memref<!tpu.dma_semaphore, #tpu.memory_space<semaphore_mem>>)
      %dma_wait3A = arith.constant 0 : i32
      %dma_wait3A_30 = arith.constant 0 : i32
      %dma_wait3A_31 = arith.constant 0 : i32
      %dma_wait3A_32 = tpu.memref_slice %arg4[%dma_wait3A, %dma_wait3A_30, %dma_wait3A_31] : memref<1280x2x128xi32, #tpu.memory_space<hbm>> -> memref<1x2x128xi32, #tpu.memory_space<hbm>>
      %dma_wait3A_33 = tpu.memref_squeeze %dma_wait3A_32 : memref<1x2x128xi32, #tpu.memory_space<hbm>> -> memref<2x128xi32, #tpu.memory_space<hbm>>
      %dma_wait3A_34 = arith.constant 0 : i32
      %dma_wait3A_35 = arith.constant 0 : i32
      %dma_wait3A_36 = tpu.memref_slice %arg4[%dma_wait3A, %dma_wait3A_34, %dma_wait3A_35] : memref<1280x2x128xi32, #tpu.memory_space<hbm>> -> memref<1x2x128xi32, #tpu.memory_space<hbm>>
      %dma_wait3A_37 = tpu.memref_squeeze %dma_wait3A_36 : memref<1x2x128xi32, #tpu.memory_space<hbm>> -> memref<2x128xi32, #tpu.memory_space<hbm>>
      tpu.wait_dma2 semaphore(%arg15 : memref<!tpu.dma_semaphore, #tpu.memory_space<semaphore_mem>>) src(%dma_wait3A_37 : memref<2x128xi32, #tpu.memory_space<hbm>>) dst(%arg8 : memref<2x128xi32, #tpu.memory_space<vmem>>)
      %dma_start3A_38 = arith.constant 0 : i32
      %dma_start3A_39 = arith.constant 0 : i32
      %dma_start3A_40 = tpu.memref_slice %arg8[%dma_start3A_38, %dma_start3A_39] : memref<2x128xi32, #tpu.memory_space<vmem>> -> memref<1x128xi32, #tpu.memory_space<vmem>>
      %dma_start3A_41 = tpu.memref_squeeze %dma_start3A_40 : memref<1x128xi32, #tpu.memory_space<vmem>> -> memref<128xi32, #tpu.memory_space<vmem>>
      %dma_start3A_42 = arith.constant 0 : i32
      %dma_start3A_43 = arith.constant 0 : i32
      %dma_start3A_44 = tpu.memref_slice %arg2[%dma_start3A_42, %dma_start3A_43] : memref<10000x128xf32, #tpu.memory_space<hbm>> -> memref<10000x128xf32, #tpu.memory_space<hbm>>
      tpu.enqueue_indirect_dma source(%dma_start3A_44 : memref<10000x128xf32, #tpu.memory_space<hbm>>) target(%arg12 : memref<128x128xf32, #tpu.memory_space<vmem>>) offsets(%dma_start3A_41 : memref<128xi32, #tpu.memory_space<vmem>>) semaphore(%arg19 : memref<!tpu.dma_semaphore, #tpu.memory_space<semaphore_mem>>)
      %scan3A = arith.constant 0 : i32
      %scan3A_45 = arith.constant 0 : i32
      %scan3A_46 = arith.constant 20 : i32
      %scan3A_47 = arith.addi %scan3A_45, %scan3A_46 : i32
      %scan3A_48 = arith.constant 1 : i32
      scf.for %scan3A_61 = %scan3A_45 to %scan3A_47 step %scan3A_48  : i32 {
        %mul3A_62 = arith.constant 4 : i32
        %mul3A_63 = arith.muli %mul3A_62, %scan3A_61 : i32
        %add3A_64 = arith.constant 0 : i32
        %add3A_65 = arith.addi %mul3A_63, %add3A_64 : i32
        %dma_wait3A_66 = arith.constant 0 : i32
        %dma_wait3A_67 = arith.constant 0 : i32
        %dma_wait3A_68 = tpu.memref_slice %arg2[%dma_wait3A_66, %dma_wait3A_67] : memref<10000x128xf32, #tpu.memory_space<hbm>> -> memref<128x128xf32, #tpu.memory_space<hbm>>
        %dma_wait3A_69 = arith.constant 0 : i32
        %dma_wait3A_70 = arith.constant 0 : i32
        %dma_wait3A_71 = tpu.memref_slice %arg2[%dma_wait3A_69, %dma_wait3A_70] : memref<10000x128xf32, #tpu.memory_space<hbm>> -> memref<128x128xf32, #tpu.memory_space<hbm>>
        tpu.wait_dma2 semaphore(%arg19 : memref<!tpu.dma_semaphore, #tpu.memory_space<semaphore_mem>>) src(%dma_wait3A_71 : memref<128x128xf32, #tpu.memory_space<hbm>>) dst(%arg12 : memref<128x128xf32, #tpu.memory_space<vmem>>)
        %dma_start3A_72 = arith.constant 1 : i32
        %dma_start3A_73 = arith.constant 0 : i32
        %dma_start3A_74 = tpu.memref_slice %arg8[%dma_start3A_72, %dma_start3A_73] : memref<2x128xi32, #tpu.memory_space<vmem>> -> memref<1x128xi32, #tpu.memory_space<vmem>>
        %dma_start3A_75 = tpu.memref_squeeze %dma_start3A_74 : memref<1x128xi32, #tpu.memory_space<vmem>> -> memref<128xi32, #tpu.memory_space<vmem>>
        %dma_start3A_76 = arith.constant 0 : i32
        %dma_start3A_77 = arith.constant 0 : i32
        %dma_start3A_78 = tpu.memref_slice %arg14[%dma_start3A_76, %dma_start3A_77] : memref<10240x128xf32, #tpu.memory_space<vmem_shared>> -> memref<10240x128xf32, #tpu.memory_space<vmem_shared>>
        tpu.enqueue_indirect_dma source(%arg12 : memref<128x128xf32, #tpu.memory_space<vmem>>) target(%dma_start3A_78 : memref<10240x128xf32, #tpu.memory_space<vmem_shared>>) offsets(%dma_start3A_75 : memref<128xi32, #tpu.memory_space<vmem>>) semaphore(%arg21 : memref<!tpu.dma_semaphore, #tpu.memory_space<semaphore_mem>>) {add = true}
        %ge3A = arith.constant 1 : i32
        %ge3A_79 = arith.cmpi sge, %add3A_65, %ge3A : i32
        %convert_element_type3A_80 = arith.extui %ge3A_79 : i1 to i32
        %cond3A_81 = arith.constant 0 : i32
        %cond3A_82 = arith.cmpi ne, %convert_element_type3A_80, %cond3A_81 : i32
        scf.if %cond3A_82 {
          %dma_wait3A_204 = arith.constant 0 : i32
          %dma_wait3A_205 = arith.constant 0 : i32
          %dma_wait3A_206 = tpu.memref_slice %arg2[%dma_wait3A_204, %dma_wait3A_205] : memref<10000x128xf32, #tpu.memory_space<hbm>> -> memref<128x128xf32, #tpu.memory_space<hbm>>
          %dma_wait3A_207 = arith.constant 0 : i32
          %dma_wait3A_208 = arith.constant 0 : i32
          %dma_wait3A_209 = tpu.memref_slice %arg2[%dma_wait3A_207, %dma_wait3A_208] : memref<10000x128xf32, #tpu.memory_space<hbm>> -> memref<128x128xf32, #tpu.memory_space<hbm>>
          tpu.wait_dma2 semaphore(%arg22 : memref<!tpu.dma_semaphore, #tpu.memory_space<semaphore_mem>>) src(%dma_wait3A_209 : memref<128x128xf32, #tpu.memory_space<hbm>>) dst(%arg13 : memref<128x128xf32, #tpu.memory_space<vmem>>)
        } else {
        }
        %add3A_83 = arith.constant 2 : i32
        %add3A_84 = arith.addi %add3A_65, %add3A_83 : i32
        %lt3A = arith.constant 80 : i32
        %lt3A_85 = arith.cmpi slt, %add3A_84, %lt3A : i32
        %convert_element_type3A_86 = arith.extui %lt3A_85 : i1 to i32
        %cond3A_87 = arith.constant 0 : i32
        %cond3A_88 = arith.cmpi ne, %convert_element_type3A_86, %cond3A_87 : i32
        scf.if %cond3A_88 {
          %add3A_204 = arith.constant 2 : i32
          %add3A_205 = arith.addi %add3A_65, %add3A_204 : i32
          %add3A_206 = arith.addi %mul3A_4, %add3A_205 : i32
          %dma_start3A_207 = arith.constant 0 : i32
          %dma_start3A_208 = arith.constant 0 : i32
          %dma_start3A_209 = tpu.memref_slice %arg4[%add3A_206, %dma_start3A_207, %dma_start3A_208] : memref<1280x2x128xi32, #tpu.memory_space<hbm>> -> memref<1x2x128xi32, #tpu.memory_space<hbm>>
          %dma_start3A_210 = tpu.memref_squeeze %dma_start3A_209 : memref<1x2x128xi32, #tpu.memory_space<hbm>> -> memref<2x128xi32, #tpu.memory_space<hbm>>
          %dma_start3A_211 = arith.constant 0 : i32
          %dma_start3A_212 = arith.constant 0 : i32
          %dma_start3A_213 = tpu.memref_slice %arg4[%add3A_206, %dma_start3A_211, %dma_start3A_212] : memref<1280x2x128xi32, #tpu.memory_space<hbm>> -> memref<1x2x128xi32, #tpu.memory_space<hbm>>
          %dma_start3A_214 = tpu.memref_squeeze %dma_start3A_213 : memref<1x2x128xi32, #tpu.memory_space<hbm>> -> memref<2x128xi32, #tpu.memory_space<hbm>>
          tpu.enqueue_dma source(%dma_start3A_214 : memref<2x128xi32, #tpu.memory_space<hbm>>) target(%arg10 : memref<2x128xi32, #tpu.memory_space<vmem>>) target_semaphore(%arg17 : memref<!tpu.dma_semaphore, #tpu.memory_space<semaphore_mem>>)
        } else {
        }
        %add3A_89 = arith.constant 1 : i32
        %add3A_90 = arith.addi %add3A_65, %add3A_89 : i32
        %lt3A_91 = arith.constant 80 : i32
        %lt3A_92 = arith.cmpi slt, %add3A_90, %lt3A_91 : i32
        %convert_element_type3A_93 = arith.extui %lt3A_92 : i1 to i32
        %cond3A_94 = arith.constant 0 : i32
        %cond3A_95 = arith.cmpi ne, %convert_element_type3A_93, %cond3A_94 : i32
        scf.if %cond3A_95 {
          %dma_wait3A_204 = arith.constant 0 : i32
          %dma_wait3A_205 = arith.constant 0 : i32
          %dma_wait3A_206 = arith.constant 0 : i32
          %dma_wait3A_207 = tpu.memref_slice %arg4[%dma_wait3A_204, %dma_wait3A_205, %dma_wait3A_206] : memref<1280x2x128xi32, #tpu.memory_space<hbm>> -> memref<1x2x128xi32, #tpu.memory_space<hbm>>
          %dma_wait3A_208 = tpu.memref_squeeze %dma_wait3A_207 : memref<1x2x128xi32, #tpu.memory_space<hbm>> -> memref<2x128xi32, #tpu.memory_space<hbm>>
          %dma_wait3A_209 = arith.constant 0 : i32
          %dma_wait3A_210 = arith.constant 0 : i32
          %dma_wait3A_211 = tpu.memref_slice %arg4[%dma_wait3A_204, %dma_wait3A_209, %dma_wait3A_210] : memref<1280x2x128xi32, #tpu.memory_space<hbm>> -> memref<1x2x128xi32, #tpu.memory_space<hbm>>
          %dma_wait3A_212 = tpu.memref_squeeze %dma_wait3A_211 : memref<1x2x128xi32, #tpu.memory_space<hbm>> -> memref<2x128xi32, #tpu.memory_space<hbm>>
          tpu.wait_dma2 semaphore(%arg16 : memref<!tpu.dma_semaphore, #tpu.memory_space<semaphore_mem>>) src(%dma_wait3A_212 : memref<2x128xi32, #tpu.memory_space<hbm>>) dst(%arg9 : memref<2x128xi32, #tpu.memory_space<vmem>>)
          %dma_start3A_213 = arith.constant 0 : i32
          %dma_start3A_214 = arith.constant 0 : i32
          %dma_start3A_215 = tpu.memref_slice %arg9[%dma_start3A_213, %dma_start3A_214] : memref<2x128xi32, #tpu.memory_space<vmem>> -> memref<1x128xi32, #tpu.memory_space<vmem>>
          %dma_start3A_216 = tpu.memref_squeeze %dma_start3A_215 : memref<1x128xi32, #tpu.memory_space<vmem>> -> memref<128xi32, #tpu.memory_space<vmem>>
          %dma_start3A_217 = arith.constant 0 : i32
          %dma_start3A_218 = arith.constant 0 : i32
          %dma_start3A_219 = tpu.memref_slice %arg2[%dma_start3A_217, %dma_start3A_218] : memref<10000x128xf32, #tpu.memory_space<hbm>> -> memref<10000x128xf32, #tpu.memory_space<hbm>>
          tpu.enqueue_indirect_dma source(%dma_start3A_219 : memref<10000x128xf32, #tpu.memory_space<hbm>>) target(%arg13 : memref<128x128xf32, #tpu.memory_space<vmem>>) offsets(%dma_start3A_216 : memref<128xi32, #tpu.memory_space<vmem>>) semaphore(%arg20 : memref<!tpu.dma_semaphore, #tpu.memory_space<semaphore_mem>>)
        } else {
        }
        %mul3A_96 = arith.constant 4 : i32
        %mul3A_97 = arith.muli %mul3A_96, %scan3A_61 : i32
        %add3A_98 = arith.constant 1 : i32
        %add3A_99 = arith.addi %mul3A_97, %add3A_98 : i32
        %dma_wait3A_100 = arith.constant 0 : i32
        %dma_wait3A_101 = arith.constant 0 : i32
        %dma_wait3A_102 = tpu.memref_slice %arg2[%dma_wait3A_100, %dma_wait3A_101] : memref<10000x128xf32, #tpu.memory_space<hbm>> -> memref<128x128xf32, #tpu.memory_space<hbm>>
        %dma_wait3A_103 = arith.constant 0 : i32
        %dma_wait3A_104 = arith.constant 0 : i32
        %dma_wait3A_105 = tpu.memref_slice %arg2[%dma_wait3A_103, %dma_wait3A_104] : memref<10000x128xf32, #tpu.memory_space<hbm>> -> memref<128x128xf32, #tpu.memory_space<hbm>>
        tpu.wait_dma2 semaphore(%arg20 : memref<!tpu.dma_semaphore, #tpu.memory_space<semaphore_mem>>) src(%dma_wait3A_105 : memref<128x128xf32, #tpu.memory_space<hbm>>) dst(%arg13 : memref<128x128xf32, #tpu.memory_space<vmem>>)
        %dma_start3A_106 = arith.constant 1 : i32
        %dma_start3A_107 = arith.constant 0 : i32
        %dma_start3A_108 = tpu.memref_slice %arg9[%dma_start3A_106, %dma_start3A_107] : memref<2x128xi32, #tpu.memory_space<vmem>> -> memref<1x128xi32, #tpu.memory_space<vmem>>
        %dma_start3A_109 = tpu.memref_squeeze %dma_start3A_108 : memref<1x128xi32, #tpu.memory_space<vmem>> -> memref<128xi32, #tpu.memory_space<vmem>>
        %dma_start3A_110 = arith.constant 0 : i32
        %dma_start3A_111 = arith.constant 0 : i32
        %dma_start3A_112 = tpu.memref_slice %arg14[%dma_start3A_110, %dma_start3A_111] : memref<10240x128xf32, #tpu.memory_space<vmem_shared>> -> memref<10240x128xf32, #tpu.memory_space<vmem_shared>>
        tpu.enqueue_indirect_dma source(%arg13 : memref<128x128xf32, #tpu.memory_space<vmem>>) target(%dma_start3A_112 : memref<10240x128xf32, #tpu.memory_space<vmem_shared>>) offsets(%dma_start3A_109 : memref<128xi32, #tpu.memory_space<vmem>>) semaphore(%arg22 : memref<!tpu.dma_semaphore, #tpu.memory_space<semaphore_mem>>) {add = true}
        %ge3A_113 = arith.constant 1 : i32
        %ge3A_114 = arith.cmpi sge, %add3A_99, %ge3A_113 : i32
        %convert_element_type3A_115 = arith.extui %ge3A_114 : i1 to i32
        %cond3A_116 = arith.constant 0 : i32
        %cond3A_117 = arith.cmpi ne, %convert_element_type3A_115, %cond3A_116 : i32
        scf.if %cond3A_117 {
          %dma_wait3A_204 = arith.constant 0 : i32
          %dma_wait3A_205 = arith.constant 0 : i32
          %dma_wait3A_206 = tpu.memref_slice %arg2[%dma_wait3A_204, %dma_wait3A_205] : memref<10000x128xf32, #tpu.memory_space<hbm>> -> memref<128x128xf32, #tpu.memory_space<hbm>>
          %dma_wait3A_207 = arith.constant 0 : i32
          %dma_wait3A_208 = arith.constant 0 : i32
          %dma_wait3A_209 = tpu.memref_slice %arg2[%dma_wait3A_207, %dma_wait3A_208] : memref<10000x128xf32, #tpu.memory_space<hbm>> -> memref<128x128xf32, #tpu.memory_space<hbm>>
          tpu.wait_dma2 semaphore(%arg21 : memref<!tpu.dma_semaphore, #tpu.memory_space<semaphore_mem>>) src(%dma_wait3A_209 : memref<128x128xf32, #tpu.memory_space<hbm>>) dst(%arg12 : memref<128x128xf32, #tpu.memory_space<vmem>>)
        } else {
        }
        %add3A_118 = arith.constant 2 : i32
        %add3A_119 = arith.addi %add3A_99, %add3A_118 : i32
        %lt3A_120 = arith.constant 80 : i32
        %lt3A_121 = arith.cmpi slt, %add3A_119, %lt3A_120 : i32
        %convert_element_type3A_122 = arith.extui %lt3A_121 : i1 to i32
        %cond3A_123 = arith.constant 0 : i32
        %cond3A_124 = arith.cmpi ne, %convert_element_type3A_122, %cond3A_123 : i32
        scf.if %cond3A_124 {
          %add3A_204 = arith.constant 2 : i32
          %add3A_205 = arith.addi %add3A_99, %add3A_204 : i32
          %add3A_206 = arith.addi %mul3A_4, %add3A_205 : i32
          %dma_start3A_207 = arith.constant 0 : i32
          %dma_start3A_208 = arith.constant 0 : i32
          %dma_start3A_209 = tpu.memref_slice %arg4[%add3A_206, %dma_start3A_207, %dma_start3A_208] : memref<1280x2x128xi32, #tpu.memory_space<hbm>> -> memref<1x2x128xi32, #tpu.memory_space<hbm>>
          %dma_start3A_210 = tpu.memref_squeeze %dma_start3A_209 : memref<1x2x128xi32, #tpu.memory_space<hbm>> -> memref<2x128xi32, #tpu.memory_space<hbm>>
          %dma_start3A_211 = arith.constant 0 : i32
          %dma_start3A_212 = arith.constant 0 : i32
          %dma_start3A_213 = tpu.memref_slice %arg4[%add3A_206, %dma_start3A_211, %dma_start3A_212] : memref<1280x2x128xi32, #tpu.memory_space<hbm>> -> memref<1x2x128xi32, #tpu.memory_space<hbm>>
          %dma_start3A_214 = tpu.memref_squeeze %dma_start3A_213 : memref<1x2x128xi32, #tpu.memory_space<hbm>> -> memref<2x128xi32, #tpu.memory_space<hbm>>
          tpu.enqueue_dma source(%dma_start3A_214 : memref<2x128xi32, #tpu.memory_space<hbm>>) target(%arg11 : memref<2x128xi32, #tpu.memory_space<vmem>>) target_semaphore(%arg18 : memref<!tpu.dma_semaphore, #tpu.memory_space<semaphore_mem>>)
        } else {
        }
        %add3A_125 = arith.constant 1 : i32
        %add3A_126 = arith.addi %add3A_99, %add3A_125 : i32
        %lt3A_127 = arith.constant 80 : i32
        %lt3A_128 = arith.cmpi slt, %add3A_126, %lt3A_127 : i32
        %convert_element_type3A_129 = arith.extui %lt3A_128 : i1 to i32
        %cond3A_130 = arith.constant 0 : i32
        %cond3A_131 = arith.cmpi ne, %convert_element_type3A_129, %cond3A_130 : i32
        scf.if %cond3A_131 {
          %dma_wait3A_204 = arith.constant 0 : i32
          %dma_wait3A_205 = arith.constant 0 : i32
          %dma_wait3A_206 = arith.constant 0 : i32
          %dma_wait3A_207 = tpu.memref_slice %arg4[%dma_wait3A_204, %dma_wait3A_205, %dma_wait3A_206] : memref<1280x2x128xi32, #tpu.memory_space<hbm>> -> memref<1x2x128xi32, #tpu.memory_space<hbm>>
          %dma_wait3A_208 = tpu.memref_squeeze %dma_wait3A_207 : memref<1x2x128xi32, #tpu.memory_space<hbm>> -> memref<2x128xi32, #tpu.memory_space<hbm>>
          %dma_wait3A_209 = arith.constant 0 : i32
          %dma_wait3A_210 = arith.constant 0 : i32
          %dma_wait3A_211 = tpu.memref_slice %arg4[%dma_wait3A_204, %dma_wait3A_209, %dma_wait3A_210] : memref<1280x2x128xi32, #tpu.memory_space<hbm>> -> memref<1x2x128xi32, #tpu.memory_space<hbm>>
          %dma_wait3A_212 = tpu.memref_squeeze %dma_wait3A_211 : memref<1x2x128xi32, #tpu.memory_space<hbm>> -> memref<2x128xi32, #tpu.memory_space<hbm>>
          tpu.wait_dma2 semaphore(%arg17 : memref<!tpu.dma_semaphore, #tpu.memory_space<semaphore_mem>>) src(%dma_wait3A_212 : memref<2x128xi32, #tpu.memory_space<hbm>>) dst(%arg10 : memref<2x128xi32, #tpu.memory_space<vmem>>)
          %dma_start3A_213 = arith.constant 0 : i32
          %dma_start3A_214 = arith.constant 0 : i32
          %dma_start3A_215 = tpu.memref_slice %arg10[%dma_start3A_213, %dma_start3A_214] : memref<2x128xi32, #tpu.memory_space<vmem>> -> memref<1x128xi32, #tpu.memory_space<vmem>>
          %dma_start3A_216 = tpu.memref_squeeze %dma_start3A_215 : memref<1x128xi32, #tpu.memory_space<vmem>> -> memref<128xi32, #tpu.memory_space<vmem>>
          %dma_start3A_217 = arith.constant 0 : i32
          %dma_start3A_218 = arith.constant 0 : i32
          %dma_start3A_219 = tpu.memref_slice %arg2[%dma_start3A_217, %dma_start3A_218] : memref<10000x128xf32, #tpu.memory_space<hbm>> -> memref<10000x128xf32, #tpu.memory_space<hbm>>
          tpu.enqueue_indirect_dma source(%dma_start3A_219 : memref<10000x128xf32, #tpu.memory_space<hbm>>) target(%arg12 : memref<128x128xf32, #tpu.memory_space<vmem>>) offsets(%dma_start3A_216 : memref<128xi32, #tpu.memory_space<vmem>>) semaphore(%arg19 : memref<!tpu.dma_semaphore, #tpu.memory_space<semaphore_mem>>)
        } else {
        }
        %mul3A_132 = arith.constant 4 : i32
        %mul3A_133 = arith.muli %mul3A_132, %scan3A_61 : i32
        %add3A_134 = arith.constant 2 : i32
        %add3A_135 = arith.addi %mul3A_133, %add3A_134 : i32
        %dma_wait3A_136 = arith.constant 0 : i32
        %dma_wait3A_137 = arith.constant 0 : i32
        %dma_wait3A_138 = tpu.memref_slice %arg2[%dma_wait3A_136, %dma_wait3A_137] : memref<10000x128xf32, #tpu.memory_space<hbm>> -> memref<128x128xf32, #tpu.memory_space<hbm>>
        %dma_wait3A_139 = arith.constant 0 : i32
        %dma_wait3A_140 = arith.constant 0 : i32
        %dma_wait3A_141 = tpu.memref_slice %arg2[%dma_wait3A_139, %dma_wait3A_140] : memref<10000x128xf32, #tpu.memory_space<hbm>> -> memref<128x128xf32, #tpu.memory_space<hbm>>
        tpu.wait_dma2 semaphore(%arg19 : memref<!tpu.dma_semaphore, #tpu.memory_space<semaphore_mem>>) src(%dma_wait3A_141 : memref<128x128xf32, #tpu.memory_space<hbm>>) dst(%arg12 : memref<128x128xf32, #tpu.memory_space<vmem>>)
        %dma_start3A_142 = arith.constant 1 : i32
        %dma_start3A_143 = arith.constant 0 : i32
        %dma_start3A_144 = tpu.memref_slice %arg10[%dma_start3A_142, %dma_start3A_143] : memref<2x128xi32, #tpu.memory_space<vmem>> -> memref<1x128xi32, #tpu.memory_space<vmem>>
        %dma_start3A_145 = tpu.memref_squeeze %dma_start3A_144 : memref<1x128xi32, #tpu.memory_space<vmem>> -> memref<128xi32, #tpu.memory_space<vmem>>
        %dma_start3A_146 = arith.constant 0 : i32
        %dma_start3A_147 = arith.constant 0 : i32
        %dma_start3A_148 = tpu.memref_slice %arg14[%dma_start3A_146, %dma_start3A_147] : memref<10240x128xf32, #tpu.memory_space<vmem_shared>> -> memref<10240x128xf32, #tpu.memory_space<vmem_shared>>
        tpu.enqueue_indirect_dma source(%arg12 : memref<128x128xf32, #tpu.memory_space<vmem>>) target(%dma_start3A_148 : memref<10240x128xf32, #tpu.memory_space<vmem_shared>>) offsets(%dma_start3A_145 : memref<128xi32, #tpu.memory_space<vmem>>) semaphore(%arg21 : memref<!tpu.dma_semaphore, #tpu.memory_space<semaphore_mem>>) {add = true}
        %ge3A_149 = arith.constant 1 : i32
        %ge3A_150 = arith.cmpi sge, %add3A_135, %ge3A_149 : i32
        %convert_element_type3A_151 = arith.extui %ge3A_150 : i1 to i32
        %cond3A_152 = arith.constant 0 : i32
        %cond3A_153 = arith.cmpi ne, %convert_element_type3A_151, %cond3A_152 : i32
        scf.if %cond3A_153 {
          %dma_wait3A_204 = arith.constant 0 : i32
          %dma_wait3A_205 = arith.constant 0 : i32
          %dma_wait3A_206 = tpu.memref_slice %arg2[%dma_wait3A_204, %dma_wait3A_205] : memref<10000x128xf32, #tpu.memory_space<hbm>> -> memref<128x128xf32, #tpu.memory_space<hbm>>
          %dma_wait3A_207 = arith.constant 0 : i32
          %dma_wait3A_208 = arith.constant 0 : i32
          %dma_wait3A_209 = tpu.memref_slice %arg2[%dma_wait3A_207, %dma_wait3A_208] : memref<10000x128xf32, #tpu.memory_space<hbm>> -> memref<128x128xf32, #tpu.memory_space<hbm>>
          tpu.wait_dma2 semaphore(%arg22 : memref<!tpu.dma_semaphore, #tpu.memory_space<semaphore_mem>>) src(%dma_wait3A_209 : memref<128x128xf32, #tpu.memory_space<hbm>>) dst(%arg13 : memref<128x128xf32, #tpu.memory_space<vmem>>)
        } else {
        }
        %add3A_154 = arith.constant 2 : i32
        %add3A_155 = arith.addi %add3A_135, %add3A_154 : i32
        %lt3A_156 = arith.constant 80 : i32
        %lt3A_157 = arith.cmpi slt, %add3A_155, %lt3A_156 : i32
        %convert_element_type3A_158 = arith.extui %lt3A_157 : i1 to i32
        %cond3A_159 = arith.constant 0 : i32
        %cond3A_160 = arith.cmpi ne, %convert_element_type3A_158, %cond3A_159 : i32
        scf.if %cond3A_160 {
          %add3A_204 = arith.constant 2 : i32
          %add3A_205 = arith.addi %add3A_135, %add3A_204 : i32
          %add3A_206 = arith.addi %mul3A_4, %add3A_205 : i32
          %dma_start3A_207 = arith.constant 0 : i32
          %dma_start3A_208 = arith.constant 0 : i32
          %dma_start3A_209 = tpu.memref_slice %arg4[%add3A_206, %dma_start3A_207, %dma_start3A_208] : memref<1280x2x128xi32, #tpu.memory_space<hbm>> -> memref<1x2x128xi32, #tpu.memory_space<hbm>>
          %dma_start3A_210 = tpu.memref_squeeze %dma_start3A_209 : memref<1x2x128xi32, #tpu.memory_space<hbm>> -> memref<2x128xi32, #tpu.memory_space<hbm>>
          %dma_start3A_211 = arith.constant 0 : i32
          %dma_start3A_212 = arith.constant 0 : i32
          %dma_start3A_213 = tpu.memref_slice %arg4[%add3A_206, %dma_start3A_211, %dma_start3A_212] : memref<1280x2x128xi32, #tpu.memory_space<hbm>> -> memref<1x2x128xi32, #tpu.memory_space<hbm>>
          %dma_start3A_214 = tpu.memref_squeeze %dma_start3A_213 : memref<1x2x128xi32, #tpu.memory_space<hbm>> -> memref<2x128xi32, #tpu.memory_space<hbm>>
          tpu.enqueue_dma source(%dma_start3A_214 : memref<2x128xi32, #tpu.memory_space<hbm>>) target(%arg8 : memref<2x128xi32, #tpu.memory_space<vmem>>) target_semaphore(%arg15 : memref<!tpu.dma_semaphore, #tpu.memory_space<semaphore_mem>>)
        } else {
        }
        %add3A_161 = arith.constant 1 : i32
        %add3A_162 = arith.addi %add3A_135, %add3A_161 : i32
        %lt3A_163 = arith.constant 80 : i32
        %lt3A_164 = arith.cmpi slt, %add3A_162, %lt3A_163 : i32
        %convert_element_type3A_165 = arith.extui %lt3A_164 : i1 to i32
        %cond3A_166 = arith.constant 0 : i32
        %cond3A_167 = arith.cmpi ne, %convert_element_type3A_165, %cond3A_166 : i32
        scf.if %cond3A_167 {
          %dma_wait3A_204 = arith.constant 0 : i32
          %dma_wait3A_205 = arith.constant 0 : i32
          %dma_wait3A_206 = arith.constant 0 : i32
          %dma_wait3A_207 = tpu.memref_slice %arg4[%dma_wait3A_204, %dma_wait3A_205, %dma_wait3A_206] : memref<1280x2x128xi32, #tpu.memory_space<hbm>> -> memref<1x2x128xi32, #tpu.memory_space<hbm>>
          %dma_wait3A_208 = tpu.memref_squeeze %dma_wait3A_207 : memref<1x2x128xi32, #tpu.memory_space<hbm>> -> memref<2x128xi32, #tpu.memory_space<hbm>>
          %dma_wait3A_209 = arith.constant 0 : i32
          %dma_wait3A_210 = arith.constant 0 : i32
          %dma_wait3A_211 = tpu.memref_slice %arg4[%dma_wait3A_204, %dma_wait3A_209, %dma_wait3A_210] : memref<1280x2x128xi32, #tpu.memory_space<hbm>> -> memref<1x2x128xi32, #tpu.memory_space<hbm>>
          %dma_wait3A_212 = tpu.memref_squeeze %dma_wait3A_211 : memref<1x2x128xi32, #tpu.memory_space<hbm>> -> memref<2x128xi32, #tpu.memory_space<hbm>>
          tpu.wait_dma2 semaphore(%arg18 : memref<!tpu.dma_semaphore, #tpu.memory_space<semaphore_mem>>) src(%dma_wait3A_212 : memref<2x128xi32, #tpu.memory_space<hbm>>) dst(%arg11 : memref<2x128xi32, #tpu.memory_space<vmem>>)
          %dma_start3A_213 = arith.constant 0 : i32
          %dma_start3A_214 = arith.constant 0 : i32
          %dma_start3A_215 = tpu.memref_slice %arg11[%dma_start3A_213, %dma_start3A_214] : memref<2x128xi32, #tpu.memory_space<vmem>> -> memref<1x128xi32, #tpu.memory_space<vmem>>
          %dma_start3A_216 = tpu.memref_squeeze %dma_start3A_215 : memref<1x128xi32, #tpu.memory_space<vmem>> -> memref<128xi32, #tpu.memory_space<vmem>>
          %dma_start3A_217 = arith.constant 0 : i32
          %dma_start3A_218 = arith.constant 0 : i32
          %dma_start3A_219 = tpu.memref_slice %arg2[%dma_start3A_217, %dma_start3A_218] : memref<10000x128xf32, #tpu.memory_space<hbm>> -> memref<10000x128xf32, #tpu.memory_space<hbm>>
          tpu.enqueue_indirect_dma source(%dma_start3A_219 : memref<10000x128xf32, #tpu.memory_space<hbm>>) target(%arg13 : memref<128x128xf32, #tpu.memory_space<vmem>>) offsets(%dma_start3A_216 : memref<128xi32, #tpu.memory_space<vmem>>) semaphore(%arg20 : memref<!tpu.dma_semaphore, #tpu.memory_space<semaphore_mem>>)
        } else {
        }
        %mul3A_168 = arith.constant 4 : i32
        %mul3A_169 = arith.muli %mul3A_168, %scan3A_61 : i32
        %add3A_170 = arith.constant 3 : i32
        %add3A_171 = arith.addi %mul3A_169, %add3A_170 : i32
        %dma_wait3A_172 = arith.constant 0 : i32
        %dma_wait3A_173 = arith.constant 0 : i32
        %dma_wait3A_174 = tpu.memref_slice %arg2[%dma_wait3A_172, %dma_wait3A_173] : memref<10000x128xf32, #tpu.memory_space<hbm>> -> memref<128x128xf32, #tpu.memory_space<hbm>>
        %dma_wait3A_175 = arith.constant 0 : i32
        %dma_wait3A_176 = arith.constant 0 : i32
        %dma_wait3A_177 = tpu.memref_slice %arg2[%dma_wait3A_175, %dma_wait3A_176] : memref<10000x128xf32, #tpu.memory_space<hbm>> -> memref<128x128xf32, #tpu.memory_space<hbm>>
        tpu.wait_dma2 semaphore(%arg20 : memref<!tpu.dma_semaphore, #tpu.memory_space<semaphore_mem>>) src(%dma_wait3A_177 : memref<128x128xf32, #tpu.memory_space<hbm>>) dst(%arg13 : memref<128x128xf32, #tpu.memory_space<vmem>>)
        %dma_start3A_178 = arith.constant 1 : i32
        %dma_start3A_179 = arith.constant 0 : i32
        %dma_start3A_180 = tpu.memref_slice %arg11[%dma_start3A_178, %dma_start3A_179] : memref<2x128xi32, #tpu.memory_space<vmem>> -> memref<1x128xi32, #tpu.memory_space<vmem>>
        %dma_start3A_181 = tpu.memref_squeeze %dma_start3A_180 : memref<1x128xi32, #tpu.memory_space<vmem>> -> memref<128xi32, #tpu.memory_space<vmem>>
        %dma_start3A_182 = arith.constant 0 : i32
        %dma_start3A_183 = arith.constant 0 : i32
        %dma_start3A_184 = tpu.memref_slice %arg14[%dma_start3A_182, %dma_start3A_183] : memref<10240x128xf32, #tpu.memory_space<vmem_shared>> -> memref<10240x128xf32, #tpu.memory_space<vmem_shared>>
        tpu.enqueue_indirect_dma source(%arg13 : memref<128x128xf32, #tpu.memory_space<vmem>>) target(%dma_start3A_184 : memref<10240x128xf32, #tpu.memory_space<vmem_shared>>) offsets(%dma_start3A_181 : memref<128xi32, #tpu.memory_space<vmem>>) semaphore(%arg22 : memref<!tpu.dma_semaphore, #tpu.memory_space<semaphore_mem>>) {add = true}
        %ge3A_185 = arith.constant 1 : i32
        %ge3A_186 = arith.cmpi sge, %add3A_171, %ge3A_185 : i32
        %convert_element_type3A_187 = arith.extui %ge3A_186 : i1 to i32
        %cond3A_188 = arith.constant 0 : i32
        %cond3A_189 = arith.cmpi ne, %convert_element_type3A_187, %cond3A_188 : i32
        scf.if %cond3A_189 {
          %dma_wait3A_204 = arith.constant 0 : i32
          %dma_wait3A_205 = arith.constant 0 : i32
          %dma_wait3A_206 = tpu.memref_slice %arg2[%dma_wait3A_204, %dma_wait3A_205] : memref<10000x128xf32, #tpu.memory_space<hbm>> -> memref<128x128xf32, #tpu.memory_space<hbm>>
          %dma_wait3A_207 = arith.constant 0 : i32
          %dma_wait3A_208 = arith.constant 0 : i32
          %dma_wait3A_209 = tpu.memref_slice %arg2[%dma_wait3A_207, %dma_wait3A_208] : memref<10000x128xf32, #tpu.memory_space<hbm>> -> memref<128x128xf32, #tpu.memory_space<hbm>>
          tpu.wait_dma2 semaphore(%arg21 : memref<!tpu.dma_semaphore, #tpu.memory_space<semaphore_mem>>) src(%dma_wait3A_209 : memref<128x128xf32, #tpu.memory_space<hbm>>) dst(%arg12 : memref<128x128xf32, #tpu.memory_space<vmem>>)
        } else {
        }
        %add3A_190 = arith.constant 2 : i32
        %add3A_191 = arith.addi %add3A_171, %add3A_190 : i32
        %lt3A_192 = arith.constant 80 : i32
        %lt3A_193 = arith.cmpi slt, %add3A_191, %lt3A_192 : i32
        %convert_element_type3A_194 = arith.extui %lt3A_193 : i1 to i32
        %cond3A_195 = arith.constant 0 : i32
        %cond3A_196 = arith.cmpi ne, %convert_element_type3A_194, %cond3A_195 : i32
        scf.if %cond3A_196 {
          %add3A_204 = arith.constant 2 : i32
          %add3A_205 = arith.addi %add3A_171, %add3A_204 : i32
          %add3A_206 = arith.addi %mul3A_4, %add3A_205 : i32
          %dma_start3A_207 = arith.constant 0 : i32
          %dma_start3A_208 = arith.constant 0 : i32
          %dma_start3A_209 = tpu.memref_slice %arg4[%add3A_206, %dma_start3A_207, %dma_start3A_208] : memref<1280x2x128xi32, #tpu.memory_space<hbm>> -> memref<1x2x128xi32, #tpu.memory_space<hbm>>
          %dma_start3A_210 = tpu.memref_squeeze %dma_start3A_209 : memref<1x2x128xi32, #tpu.memory_space<hbm>> -> memref<2x128xi32, #tpu.memory_space<hbm>>
          %dma_start3A_211 = arith.constant 0 : i32
          %dma_start3A_212 = arith.constant 0 : i32
          %dma_start3A_213 = tpu.memref_slice %arg4[%add3A_206, %dma_start3A_211, %dma_start3A_212] : memref<1280x2x128xi32, #tpu.memory_space<hbm>> -> memref<1x2x128xi32, #tpu.memory_space<hbm>>
          %dma_start3A_214 = tpu.memref_squeeze %dma_start3A_213 : memref<1x2x128xi32, #tpu.memory_space<hbm>> -> memref<2x128xi32, #tpu.memory_space<hbm>>
          tpu.enqueue_dma source(%dma_start3A_214 : memref<2x128xi32, #tpu.memory_space<hbm>>) target(%arg9 : memref<2x128xi32, #tpu.memory_space<vmem>>) target_semaphore(%arg16 : memref<!tpu.dma_semaphore, #tpu.memory_space<semaphore_mem>>)
        } else {
        }
        %add3A_197 = arith.constant 1 : i32
        %add3A_198 = arith.addi %add3A_171, %add3A_197 : i32
        %lt3A_199 = arith.constant 80 : i32
        %lt3A_200 = arith.cmpi slt, %add3A_198, %lt3A_199 : i32
        %convert_element_type3A_201 = arith.extui %lt3A_200 : i1 to i32
        %cond3A_202 = arith.constant 0 : i32
        %cond3A_203 = arith.cmpi ne, %convert_element_type3A_201, %cond3A_202 : i32
        scf.if %cond3A_203 {
          %dma_wait3A_204 = arith.constant 0 : i32
          %dma_wait3A_205 = arith.constant 0 : i32
          %dma_wait3A_206 = arith.constant 0 : i32
          %dma_wait3A_207 = tpu.memref_slice %arg4[%dma_wait3A_204, %dma_wait3A_205, %dma_wait3A_206] : memref<1280x2x128xi32, #tpu.memory_space<hbm>> -> memref<1x2x128xi32, #tpu.memory_space<hbm>>
          %dma_wait3A_208 = tpu.memref_squeeze %dma_wait3A_207 : memref<1x2x128xi32, #tpu.memory_space<hbm>> -> memref<2x128xi32, #tpu.memory_space<hbm>>
          %dma_wait3A_209 = arith.constant 0 : i32
          %dma_wait3A_210 = arith.constant 0 : i32
          %dma_wait3A_211 = tpu.memref_slice %arg4[%dma_wait3A_204, %dma_wait3A_209, %dma_wait3A_210] : memref<1280x2x128xi32, #tpu.memory_space<hbm>> -> memref<1x2x128xi32, #tpu.memory_space<hbm>>
          %dma_wait3A_212 = tpu.memref_squeeze %dma_wait3A_211 : memref<1x2x128xi32, #tpu.memory_space<hbm>> -> memref<2x128xi32, #tpu.memory_space<hbm>>
          tpu.wait_dma2 semaphore(%arg15 : memref<!tpu.dma_semaphore, #tpu.memory_space<semaphore_mem>>) src(%dma_wait3A_212 : memref<2x128xi32, #tpu.memory_space<hbm>>) dst(%arg8 : memref<2x128xi32, #tpu.memory_space<vmem>>)
          %dma_start3A_213 = arith.constant 0 : i32
          %dma_start3A_214 = arith.constant 0 : i32
          %dma_start3A_215 = tpu.memref_slice %arg8[%dma_start3A_213, %dma_start3A_214] : memref<2x128xi32, #tpu.memory_space<vmem>> -> memref<1x128xi32, #tpu.memory_space<vmem>>
          %dma_start3A_216 = tpu.memref_squeeze %dma_start3A_215 : memref<1x128xi32, #tpu.memory_space<vmem>> -> memref<128xi32, #tpu.memory_space<vmem>>
          %dma_start3A_217 = arith.constant 0 : i32
          %dma_start3A_218 = arith.constant 0 : i32
          %dma_start3A_219 = tpu.memref_slice %arg2[%dma_start3A_217, %dma_start3A_218] : memref<10000x128xf32, #tpu.memory_space<hbm>> -> memref<10000x128xf32, #tpu.memory_space<hbm>>
          tpu.enqueue_indirect_dma source(%dma_start3A_219 : memref<10000x128xf32, #tpu.memory_space<hbm>>) target(%arg12 : memref<128x128xf32, #tpu.memory_space<vmem>>) offsets(%dma_start3A_216 : memref<128xi32, #tpu.memory_space<vmem>>) semaphore(%arg19 : memref<!tpu.dma_semaphore, #tpu.memory_space<semaphore_mem>>)
        } else {
        }
      }
      %scan3A_49 = arith.constant 20 : i32
      %dma_wait3A_50 = arith.constant 0 : i32
      %dma_wait3A_51 = arith.constant 0 : i32
      %dma_wait3A_52 = tpu.memref_slice %arg2[%dma_wait3A_50, %dma_wait3A_51] : memref<10000x128xf32, #tpu.memory_space<hbm>> -> memref<128x128xf32, #tpu.memory_space<hbm>>
      %dma_wait3A_53 = arith.constant 0 : i32
      %dma_wait3A_54 = arith.constant 0 : i32
      %dma_wait3A_55 = tpu.memref_slice %arg2[%dma_wait3A_53, %dma_wait3A_54] : memref<10000x128xf32, #tpu.memory_space<hbm>> -> memref<128x128xf32, #tpu.memory_space<hbm>>
      tpu.wait_dma2 semaphore(%arg22 : memref<!tpu.dma_semaphore, #tpu.memory_space<semaphore_mem>>) src(%dma_wait3A_55 : memref<128x128xf32, #tpu.memory_space<hbm>>) dst(%arg13 : memref<128x128xf32, #tpu.memory_space<vmem>>)
      %barrier3A_56 = arith.constant 0 : index
      tpu.barrier barrier_id(%barrier3A_56)
      %mul3A_57 = arith.constant 640 : i32
      %mul3A_58 = arith.muli %arg1, %mul3A_57 : i32
      %mul3A_59 = arith.constant 640 : i32
      %mul3A_60 = arith.muli %arg1, %mul3A_59 : i32
      "tpu.region"() ({
        %run_scoped3A = tpu.sem_alloc : memref<!tpu.dma_semaphore, #tpu.memory_space<semaphore_mem>>
        %dma_start3A_61 = arith.constant 0 : i32
        %dma_start3A_62 = tpu.memref_slice %arg6[%mul3A_60, %dma_start3A_61] : memref<10240x128xf32, #tpu.memory_space<hbm>> -> memref<640x128xf32, #tpu.memory_space<hbm>>
        %dma_start3A_63 = arith.constant 0 : i32
        %dma_start3A_64 = tpu.memref_slice %arg14[%mul3A_58, %dma_start3A_63] : memref<10240x128xf32, #tpu.memory_space<vmem_shared>> -> memref<640x128xf32, #tpu.memory_space<vmem_shared>>
        tpu.enqueue_dma source(%dma_start3A_64 : memref<640x128xf32, #tpu.memory_space<vmem_shared>>) target(%dma_start3A_62 : memref<640x128xf32, #tpu.memory_space<hbm>>) target_semaphore(%run_scoped3A : memref<!tpu.dma_semaphore, #tpu.memory_space<semaphore_mem>>)
        %dma_wait3A_65 = arith.constant 0 : i32
        %dma_wait3A_66 = tpu.memref_slice %arg6[%mul3A_60, %dma_wait3A_65] : memref<10240x128xf32, #tpu.memory_space<hbm>> -> memref<640x128xf32, #tpu.memory_space<hbm>>
        %dma_wait3A_67 = arith.constant 0 : i32
        %dma_wait3A_68 = tpu.memref_slice %arg14[%mul3A_58, %dma_wait3A_67] : memref<10240x128xf32, #tpu.memory_space<vmem_shared>> -> memref<640x128xf32, #tpu.memory_space<vmem_shared>>
        tpu.wait_dma2 semaphore(%run_scoped3A : memref<!tpu.dma_semaphore, #tpu.memory_space<semaphore_mem>>) src(%dma_wait3A_68 : memref<640x128xf32, #tpu.memory_space<vmem_shared>>) dst(%dma_wait3A_66 : memref<640x128xf32, #tpu.memory_space<hbm>>)
        tpu.yield
      }) : () -> ()
    } else {
    }
    %eq3A_7 = arith.constant 1 : i32
    %eq3A_8 = arith.cmpi eq, %arg0, %eq3A_7 : i32
    %convert_element_type3A_9 = arith.extui %eq3A_8 : i1 to i32
    %cond3A_10 = arith.constant 0 : i32
    %cond3A_11 = arith.cmpi ne, %convert_element_type3A_9, %cond3A_10 : i32
    scf.if %cond3A_11 {
      %add3A = arith.constant 0 : i32
      %add3A_12 = arith.addi %mul3A_4, %add3A : i32
      %dma_start3A = arith.constant 0 : i32
      %dma_start3A_13 = arith.constant 0 : i32
      %dma_start3A_14 = tpu.memref_slice %arg4[%add3A_12, %dma_start3A, %dma_start3A_13] : memref<1280x2x128xi32, #tpu.memory_space<hbm>> -> memref<1x2x128xi32, #tpu.memory_space<hbm>>
      %dma_start3A_15 = tpu.memref_squeeze %dma_start3A_14 : memref<1x2x128xi32, #tpu.memory_space<hbm>> -> memref<2x128xi32, #tpu.memory_space<hbm>>
      %dma_start3A_16 = arith.constant 0 : i32
      %dma_start3A_17 = arith.constant 0 : i32
      %dma_start3A_18 = tpu.memref_slice %arg4[%add3A_12, %dma_start3A_16, %dma_start3A_17] : memref<1280x2x128xi32, #tpu.memory_space<hbm>> -> memref<1x2x128xi32, #tpu.memory_space<hbm>>
      %dma_start3A_19 = tpu.memref_squeeze %dma_start3A_18 : memref<1x2x128xi32, #tpu.memory_space<hbm>> -> memref<2x128xi32, #tpu.memory_space<hbm>>
      tpu.enqueue_dma source(%dma_start3A_19 : memref<2x128xi32, #tpu.memory_space<hbm>>) target(%arg8 : memref<2x128xi32, #tpu.memory_space<vmem>>) target_semaphore(%arg15 : memref<!tpu.dma_semaphore, #tpu.memory_space<semaphore_mem>>)
      %add3A_20 = arith.constant 1 : i32
      %add3A_21 = arith.addi %mul3A_4, %add3A_20 : i32
      %dma_start3A_22 = arith.constant 0 : i32
      %dma_start3A_23 = arith.constant 0 : i32
      %dma_start3A_24 = tpu.memref_slice %arg4[%add3A_21, %dma_start3A_22, %dma_start3A_23] : memref<1280x2x128xi32, #tpu.memory_space<hbm>> -> memref<1x2x128xi32, #tpu.memory_space<hbm>>
      %dma_start3A_25 = tpu.memref_squeeze %dma_start3A_24 : memref<1x2x128xi32, #tpu.memory_space<hbm>> -> memref<2x128xi32, #tpu.memory_space<hbm>>
      %dma_start3A_26 = arith.constant 0 : i32
      %dma_start3A_27 = arith.constant 0 : i32
      %dma_start3A_28 = tpu.memref_slice %arg4[%add3A_21, %dma_start3A_26, %dma_start3A_27] : memref<1280x2x128xi32, #tpu.memory_space<hbm>> -> memref<1x2x128xi32, #tpu.memory_space<hbm>>
      %dma_start3A_29 = tpu.memref_squeeze %dma_start3A_28 : memref<1x2x128xi32, #tpu.memory_space<hbm>> -> memref<2x128xi32, #tpu.memory_space<hbm>>
      tpu.enqueue_dma source(%dma_start3A_29 : memref<2x128xi32, #tpu.memory_space<hbm>>) target(%arg9 : memref<2x128xi32, #tpu.memory_space<vmem>>) target_semaphore(%arg16 : memref<!tpu.dma_semaphore, #tpu.memory_space<semaphore_mem>>)
      %dma_wait3A = arith.constant 0 : i32
      %dma_wait3A_30 = arith.constant 0 : i32
      %dma_wait3A_31 = arith.constant 0 : i32
      %dma_wait3A_32 = tpu.memref_slice %arg4[%dma_wait3A, %dma_wait3A_30, %dma_wait3A_31] : memref<1280x2x128xi32, #tpu.memory_space<hbm>> -> memref<1x2x128xi32, #tpu.memory_space<hbm>>
      %dma_wait3A_33 = tpu.memref_squeeze %dma_wait3A_32 : memref<1x2x128xi32, #tpu.memory_space<hbm>> -> memref<2x128xi32, #tpu.memory_space<hbm>>
      %dma_wait3A_34 = arith.constant 0 : i32
      %dma_wait3A_35 = arith.constant 0 : i32
      %dma_wait3A_36 = tpu.memref_slice %arg4[%dma_wait3A, %dma_wait3A_34, %dma_wait3A_35] : memref<1280x2x128xi32, #tpu.memory_space<hbm>> -> memref<1x2x128xi32, #tpu.memory_space<hbm>>
      %dma_wait3A_37 = tpu.memref_squeeze %dma_wait3A_36 : memref<1x2x128xi32, #tpu.memory_space<hbm>> -> memref<2x128xi32, #tpu.memory_space<hbm>>
      tpu.wait_dma2 semaphore(%arg15 : memref<!tpu.dma_semaphore, #tpu.memory_space<semaphore_mem>>) src(%dma_wait3A_37 : memref<2x128xi32, #tpu.memory_space<hbm>>) dst(%arg8 : memref<2x128xi32, #tpu.memory_space<vmem>>)
      %dma_start3A_38 = arith.constant 0 : i32
      %dma_start3A_39 = arith.constant 0 : i32
      %dma_start3A_40 = tpu.memref_slice %arg8[%dma_start3A_38, %dma_start3A_39] : memref<2x128xi32, #tpu.memory_space<vmem>> -> memref<1x128xi32, #tpu.memory_space<vmem>>
      %dma_start3A_41 = tpu.memref_squeeze %dma_start3A_40 : memref<1x128xi32, #tpu.memory_space<vmem>> -> memref<128xi32, #tpu.memory_space<vmem>>
      %dma_start3A_42 = arith.constant 0 : i32
      %dma_start3A_43 = arith.constant 0 : i32
      %dma_start3A_44 = tpu.memref_slice %arg3[%dma_start3A_42, %dma_start3A_43] : memref<10000x128xf32, #tpu.memory_space<hbm>> -> memref<10000x128xf32, #tpu.memory_space<hbm>>
      tpu.enqueue_indirect_dma source(%dma_start3A_44 : memref<10000x128xf32, #tpu.memory_space<hbm>>) target(%arg12 : memref<128x128xf32, #tpu.memory_space<vmem>>) offsets(%dma_start3A_41 : memref<128xi32, #tpu.memory_space<vmem>>) semaphore(%arg19 : memref<!tpu.dma_semaphore, #tpu.memory_space<semaphore_mem>>)
      %scan3A = arith.constant 0 : i32
      %scan3A_45 = arith.constant 0 : i32
      %scan3A_46 = arith.constant 20 : i32
      %scan3A_47 = arith.addi %scan3A_45, %scan3A_46 : i32
      %scan3A_48 = arith.constant 1 : i32
      scf.for %scan3A_61 = %scan3A_45 to %scan3A_47 step %scan3A_48  : i32 {
        %mul3A_62 = arith.constant 4 : i32
        %mul3A_63 = arith.muli %mul3A_62, %scan3A_61 : i32
        %add3A_64 = arith.constant 0 : i32
        %add3A_65 = arith.addi %mul3A_63, %add3A_64 : i32
        %dma_wait3A_66 = arith.constant 0 : i32
        %dma_wait3A_67 = arith.constant 0 : i32
        %dma_wait3A_68 = tpu.memref_slice %arg3[%dma_wait3A_66, %dma_wait3A_67] : memref<10000x128xf32, #tpu.memory_space<hbm>> -> memref<128x128xf32, #tpu.memory_space<hbm>>
        %dma_wait3A_69 = arith.constant 0 : i32
        %dma_wait3A_70 = arith.constant 0 : i32
        %dma_wait3A_71 = tpu.memref_slice %arg3[%dma_wait3A_69, %dma_wait3A_70] : memref<10000x128xf32, #tpu.memory_space<hbm>> -> memref<128x128xf32, #tpu.memory_space<hbm>>
        tpu.wait_dma2 semaphore(%arg19 : memref<!tpu.dma_semaphore, #tpu.memory_space<semaphore_mem>>) src(%dma_wait3A_71 : memref<128x128xf32, #tpu.memory_space<hbm>>) dst(%arg12 : memref<128x128xf32, #tpu.memory_space<vmem>>)
        %dma_start3A_72 = arith.constant 1 : i32
        %dma_start3A_73 = arith.constant 0 : i32
        %dma_start3A_74 = tpu.memref_slice %arg8[%dma_start3A_72, %dma_start3A_73] : memref<2x128xi32, #tpu.memory_space<vmem>> -> memref<1x128xi32, #tpu.memory_space<vmem>>
        %dma_start3A_75 = tpu.memref_squeeze %dma_start3A_74 : memref<1x128xi32, #tpu.memory_space<vmem>> -> memref<128xi32, #tpu.memory_space<vmem>>
        %dma_start3A_76 = arith.constant 0 : i32
        %dma_start3A_77 = arith.constant 0 : i32
        %dma_start3A_78 = tpu.memref_slice %arg14[%dma_start3A_76, %dma_start3A_77] : memref<10240x128xf32, #tpu.memory_space<vmem_shared>> -> memref<10240x128xf32, #tpu.memory_space<vmem_shared>>
        tpu.enqueue_indirect_dma source(%arg12 : memref<128x128xf32, #tpu.memory_space<vmem>>) target(%dma_start3A_78 : memref<10240x128xf32, #tpu.memory_space<vmem_shared>>) offsets(%dma_start3A_75 : memref<128xi32, #tpu.memory_space<vmem>>) semaphore(%arg21 : memref<!tpu.dma_semaphore, #tpu.memory_space<semaphore_mem>>) {add = true}
        %ge3A = arith.constant 1 : i32
        %ge3A_79 = arith.cmpi sge, %add3A_65, %ge3A : i32
        %convert_element_type3A_80 = arith.extui %ge3A_79 : i1 to i32
        %cond3A_81 = arith.constant 0 : i32
        %cond3A_82 = arith.cmpi ne, %convert_element_type3A_80, %cond3A_81 : i32
        scf.if %cond3A_82 {
          %dma_wait3A_204 = arith.constant 0 : i32
          %dma_wait3A_205 = arith.constant 0 : i32
          %dma_wait3A_206 = tpu.memref_slice %arg3[%dma_wait3A_204, %dma_wait3A_205] : memref<10000x128xf32, #tpu.memory_space<hbm>> -> memref<128x128xf32, #tpu.memory_space<hbm>>
          %dma_wait3A_207 = arith.constant 0 : i32
          %dma_wait3A_208 = arith.constant 0 : i32
          %dma_wait3A_209 = tpu.memref_slice %arg3[%dma_wait3A_207, %dma_wait3A_208] : memref<10000x128xf32, #tpu.memory_space<hbm>> -> memref<128x128xf32, #tpu.memory_space<hbm>>
          tpu.wait_dma2 semaphore(%arg22 : memref<!tpu.dma_semaphore, #tpu.memory_space<semaphore_mem>>) src(%dma_wait3A_209 : memref<128x128xf32, #tpu.memory_space<hbm>>) dst(%arg13 : memref<128x128xf32, #tpu.memory_space<vmem>>)
        } else {
        }
        %add3A_83 = arith.constant 2 : i32
        %add3A_84 = arith.addi %add3A_65, %add3A_83 : i32
        %lt3A = arith.constant 80 : i32
        %lt3A_85 = arith.cmpi slt, %add3A_84, %lt3A : i32
        %convert_element_type3A_86 = arith.extui %lt3A_85 : i1 to i32
        %cond3A_87 = arith.constant 0 : i32
        %cond3A_88 = arith.cmpi ne, %convert_element_type3A_86, %cond3A_87 : i32
        scf.if %cond3A_88 {
          %add3A_204 = arith.constant 2 : i32
          %add3A_205 = arith.addi %add3A_65, %add3A_204 : i32
          %add3A_206 = arith.addi %mul3A_4, %add3A_205 : i32
          %dma_start3A_207 = arith.constant 0 : i32
          %dma_start3A_208 = arith.constant 0 : i32
          %dma_start3A_209 = tpu.memref_slice %arg4[%add3A_206, %dma_start3A_207, %dma_start3A_208] : memref<1280x2x128xi32, #tpu.memory_space<hbm>> -> memref<1x2x128xi32, #tpu.memory_space<hbm>>
          %dma_start3A_210 = tpu.memref_squeeze %dma_start3A_209 : memref<1x2x128xi32, #tpu.memory_space<hbm>> -> memref<2x128xi32, #tpu.memory_space<hbm>>
          %dma_start3A_211 = arith.constant 0 : i32
          %dma_start3A_212 = arith.constant 0 : i32
          %dma_start3A_213 = tpu.memref_slice %arg4[%add3A_206, %dma_start3A_211, %dma_start3A_212] : memref<1280x2x128xi32, #tpu.memory_space<hbm>> -> memref<1x2x128xi32, #tpu.memory_space<hbm>>
          %dma_start3A_214 = tpu.memref_squeeze %dma_start3A_213 : memref<1x2x128xi32, #tpu.memory_space<hbm>> -> memref<2x128xi32, #tpu.memory_space<hbm>>
          tpu.enqueue_dma source(%dma_start3A_214 : memref<2x128xi32, #tpu.memory_space<hbm>>) target(%arg10 : memref<2x128xi32, #tpu.memory_space<vmem>>) target_semaphore(%arg17 : memref<!tpu.dma_semaphore, #tpu.memory_space<semaphore_mem>>)
        } else {
        }
        %add3A_89 = arith.constant 1 : i32
        %add3A_90 = arith.addi %add3A_65, %add3A_89 : i32
        %lt3A_91 = arith.constant 80 : i32
        %lt3A_92 = arith.cmpi slt, %add3A_90, %lt3A_91 : i32
        %convert_element_type3A_93 = arith.extui %lt3A_92 : i1 to i32
        %cond3A_94 = arith.constant 0 : i32
        %cond3A_95 = arith.cmpi ne, %convert_element_type3A_93, %cond3A_94 : i32
        scf.if %cond3A_95 {
          %dma_wait3A_204 = arith.constant 0 : i32
          %dma_wait3A_205 = arith.constant 0 : i32
          %dma_wait3A_206 = arith.constant 0 : i32
          %dma_wait3A_207 = tpu.memref_slice %arg4[%dma_wait3A_204, %dma_wait3A_205, %dma_wait3A_206] : memref<1280x2x128xi32, #tpu.memory_space<hbm>> -> memref<1x2x128xi32, #tpu.memory_space<hbm>>
          %dma_wait3A_208 = tpu.memref_squeeze %dma_wait3A_207 : memref<1x2x128xi32, #tpu.memory_space<hbm>> -> memref<2x128xi32, #tpu.memory_space<hbm>>
          %dma_wait3A_209 = arith.constant 0 : i32
          %dma_wait3A_210 = arith.constant 0 : i32
          %dma_wait3A_211 = tpu.memref_slice %arg4[%dma_wait3A_204, %dma_wait3A_209, %dma_wait3A_210] : memref<1280x2x128xi32, #tpu.memory_space<hbm>> -> memref<1x2x128xi32, #tpu.memory_space<hbm>>
          %dma_wait3A_212 = tpu.memref_squeeze %dma_wait3A_211 : memref<1x2x128xi32, #tpu.memory_space<hbm>> -> memref<2x128xi32, #tpu.memory_space<hbm>>
          tpu.wait_dma2 semaphore(%arg16 : memref<!tpu.dma_semaphore, #tpu.memory_space<semaphore_mem>>) src(%dma_wait3A_212 : memref<2x128xi32, #tpu.memory_space<hbm>>) dst(%arg9 : memref<2x128xi32, #tpu.memory_space<vmem>>)
          %dma_start3A_213 = arith.constant 0 : i32
          %dma_start3A_214 = arith.constant 0 : i32
          %dma_start3A_215 = tpu.memref_slice %arg9[%dma_start3A_213, %dma_start3A_214] : memref<2x128xi32, #tpu.memory_space<vmem>> -> memref<1x128xi32, #tpu.memory_space<vmem>>
          %dma_start3A_216 = tpu.memref_squeeze %dma_start3A_215 : memref<1x128xi32, #tpu.memory_space<vmem>> -> memref<128xi32, #tpu.memory_space<vmem>>
          %dma_start3A_217 = arith.constant 0 : i32
          %dma_start3A_218 = arith.constant 0 : i32
          %dma_start3A_219 = tpu.memref_slice %arg3[%dma_start3A_217, %dma_start3A_218] : memref<10000x128xf32, #tpu.memory_space<hbm>> -> memref<10000x128xf32, #tpu.memory_space<hbm>>
          tpu.enqueue_indirect_dma source(%dma_start3A_219 : memref<10000x128xf32, #tpu.memory_space<hbm>>) target(%arg13 : memref<128x128xf32, #tpu.memory_space<vmem>>) offsets(%dma_start3A_216 : memref<128xi32, #tpu.memory_space<vmem>>) semaphore(%arg20 : memref<!tpu.dma_semaphore, #tpu.memory_space<semaphore_mem>>)
        } else {
        }
        %mul3A_96 = arith.constant 4 : i32
        %mul3A_97 = arith.muli %mul3A_96, %scan3A_61 : i32
        %add3A_98 = arith.constant 1 : i32
        %add3A_99 = arith.addi %mul3A_97, %add3A_98 : i32
        %dma_wait3A_100 = arith.constant 0 : i32
        %dma_wait3A_101 = arith.constant 0 : i32
        %dma_wait3A_102 = tpu.memref_slice %arg3[%dma_wait3A_100, %dma_wait3A_101] : memref<10000x128xf32, #tpu.memory_space<hbm>> -> memref<128x128xf32, #tpu.memory_space<hbm>>
        %dma_wait3A_103 = arith.constant 0 : i32
        %dma_wait3A_104 = arith.constant 0 : i32
        %dma_wait3A_105 = tpu.memref_slice %arg3[%dma_wait3A_103, %dma_wait3A_104] : memref<10000x128xf32, #tpu.memory_space<hbm>> -> memref<128x128xf32, #tpu.memory_space<hbm>>
        tpu.wait_dma2 semaphore(%arg20 : memref<!tpu.dma_semaphore, #tpu.memory_space<semaphore_mem>>) src(%dma_wait3A_105 : memref<128x128xf32, #tpu.memory_space<hbm>>) dst(%arg13 : memref<128x128xf32, #tpu.memory_space<vmem>>)
        %dma_start3A_106 = arith.constant 1 : i32
        %dma_start3A_107 = arith.constant 0 : i32
        %dma_start3A_108 = tpu.memref_slice %arg9[%dma_start3A_106, %dma_start3A_107] : memref<2x128xi32, #tpu.memory_space<vmem>> -> memref<1x128xi32, #tpu.memory_space<vmem>>
        %dma_start3A_109 = tpu.memref_squeeze %dma_start3A_108 : memref<1x128xi32, #tpu.memory_space<vmem>> -> memref<128xi32, #tpu.memory_space<vmem>>
        %dma_start3A_110 = arith.constant 0 : i32
        %dma_start3A_111 = arith.constant 0 : i32
        %dma_start3A_112 = tpu.memref_slice %arg14[%dma_start3A_110, %dma_start3A_111] : memref<10240x128xf32, #tpu.memory_space<vmem_shared>> -> memref<10240x128xf32, #tpu.memory_space<vmem_shared>>
        tpu.enqueue_indirect_dma source(%arg13 : memref<128x128xf32, #tpu.memory_space<vmem>>) target(%dma_start3A_112 : memref<10240x128xf32, #tpu.memory_space<vmem_shared>>) offsets(%dma_start3A_109 : memref<128xi32, #tpu.memory_space<vmem>>) semaphore(%arg22 : memref<!tpu.dma_semaphore, #tpu.memory_space<semaphore_mem>>) {add = true}
        %ge3A_113 = arith.constant 1 : i32
        %ge3A_114 = arith.cmpi sge, %add3A_99, %ge3A_113 : i32
        %convert_element_type3A_115 = arith.extui %ge3A_114 : i1 to i32
        %cond3A_116 = arith.constant 0 : i32
        %cond3A_117 = arith.cmpi ne, %convert_element_type3A_115, %cond3A_116 : i32
        scf.if %cond3A_117 {
          %dma_wait3A_204 = arith.constant 0 : i32
          %dma_wait3A_205 = arith.constant 0 : i32
          %dma_wait3A_206 = tpu.memref_slice %arg3[%dma_wait3A_204, %dma_wait3A_205] : memref<10000x128xf32, #tpu.memory_space<hbm>> -> memref<128x128xf32, #tpu.memory_space<hbm>>
          %dma_wait3A_207 = arith.constant 0 : i32
          %dma_wait3A_208 = arith.constant 0 : i32
          %dma_wait3A_209 = tpu.memref_slice %arg3[%dma_wait3A_207, %dma_wait3A_208] : memref<10000x128xf32, #tpu.memory_space<hbm>> -> memref<128x128xf32, #tpu.memory_space<hbm>>
          tpu.wait_dma2 semaphore(%arg21 : memref<!tpu.dma_semaphore, #tpu.memory_space<semaphore_mem>>) src(%dma_wait3A_209 : memref<128x128xf32, #tpu.memory_space<hbm>>) dst(%arg12 : memref<128x128xf32, #tpu.memory_space<vmem>>)
        } else {
        }
        %add3A_118 = arith.constant 2 : i32
        %add3A_119 = arith.addi %add3A_99, %add3A_118 : i32
        %lt3A_120 = arith.constant 80 : i32
        %lt3A_121 = arith.cmpi slt, %add3A_119, %lt3A_120 : i32
        %convert_element_type3A_122 = arith.extui %lt3A_121 : i1 to i32
        %cond3A_123 = arith.constant 0 : i32
        %cond3A_124 = arith.cmpi ne, %convert_element_type3A_122, %cond3A_123 : i32
        scf.if %cond3A_124 {
          %add3A_204 = arith.constant 2 : i32
          %add3A_205 = arith.addi %add3A_99, %add3A_204 : i32
          %add3A_206 = arith.addi %mul3A_4, %add3A_205 : i32
          %dma_start3A_207 = arith.constant 0 : i32
          %dma_start3A_208 = arith.constant 0 : i32
          %dma_start3A_209 = tpu.memref_slice %arg4[%add3A_206, %dma_start3A_207, %dma_start3A_208] : memref<1280x2x128xi32, #tpu.memory_space<hbm>> -> memref<1x2x128xi32, #tpu.memory_space<hbm>>
          %dma_start3A_210 = tpu.memref_squeeze %dma_start3A_209 : memref<1x2x128xi32, #tpu.memory_space<hbm>> -> memref<2x128xi32, #tpu.memory_space<hbm>>
          %dma_start3A_211 = arith.constant 0 : i32
          %dma_start3A_212 = arith.constant 0 : i32
          %dma_start3A_213 = tpu.memref_slice %arg4[%add3A_206, %dma_start3A_211, %dma_start3A_212] : memref<1280x2x128xi32, #tpu.memory_space<hbm>> -> memref<1x2x128xi32, #tpu.memory_space<hbm>>
          %dma_start3A_214 = tpu.memref_squeeze %dma_start3A_213 : memref<1x2x128xi32, #tpu.memory_space<hbm>> -> memref<2x128xi32, #tpu.memory_space<hbm>>
          tpu.enqueue_dma source(%dma_start3A_214 : memref<2x128xi32, #tpu.memory_space<hbm>>) target(%arg11 : memref<2x128xi32, #tpu.memory_space<vmem>>) target_semaphore(%arg18 : memref<!tpu.dma_semaphore, #tpu.memory_space<semaphore_mem>>)
        } else {
        }
        %add3A_125 = arith.constant 1 : i32
        %add3A_126 = arith.addi %add3A_99, %add3A_125 : i32
        %lt3A_127 = arith.constant 80 : i32
        %lt3A_128 = arith.cmpi slt, %add3A_126, %lt3A_127 : i32
        %convert_element_type3A_129 = arith.extui %lt3A_128 : i1 to i32
        %cond3A_130 = arith.constant 0 : i32
        %cond3A_131 = arith.cmpi ne, %convert_element_type3A_129, %cond3A_130 : i32
        scf.if %cond3A_131 {
          %dma_wait3A_204 = arith.constant 0 : i32
          %dma_wait3A_205 = arith.constant 0 : i32
          %dma_wait3A_206 = arith.constant 0 : i32
          %dma_wait3A_207 = tpu.memref_slice %arg4[%dma_wait3A_204, %dma_wait3A_205, %dma_wait3A_206] : memref<1280x2x128xi32, #tpu.memory_space<hbm>> -> memref<1x2x128xi32, #tpu.memory_space<hbm>>
          %dma_wait3A_208 = tpu.memref_squeeze %dma_wait3A_207 : memref<1x2x128xi32, #tpu.memory_space<hbm>> -> memref<2x128xi32, #tpu.memory_space<hbm>>
          %dma_wait3A_209 = arith.constant 0 : i32
          %dma_wait3A_210 = arith.constant 0 : i32
          %dma_wait3A_211 = tpu.memref_slice %arg4[%dma_wait3A_204, %dma_wait3A_209, %dma_wait3A_210] : memref<1280x2x128xi32, #tpu.memory_space<hbm>> -> memref<1x2x128xi32, #tpu.memory_space<hbm>>
          %dma_wait3A_212 = tpu.memref_squeeze %dma_wait3A_211 : memref<1x2x128xi32, #tpu.memory_space<hbm>> -> memref<2x128xi32, #tpu.memory_space<hbm>>
          tpu.wait_dma2 semaphore(%arg17 : memref<!tpu.dma_semaphore, #tpu.memory_space<semaphore_mem>>) src(%dma_wait3A_212 : memref<2x128xi32, #tpu.memory_space<hbm>>) dst(%arg10 : memref<2x128xi32, #tpu.memory_space<vmem>>)
          %dma_start3A_213 = arith.constant 0 : i32
          %dma_start3A_214 = arith.constant 0 : i32
          %dma_start3A_215 = tpu.memref_slice %arg10[%dma_start3A_213, %dma_start3A_214] : memref<2x128xi32, #tpu.memory_space<vmem>> -> memref<1x128xi32, #tpu.memory_space<vmem>>
          %dma_start3A_216 = tpu.memref_squeeze %dma_start3A_215 : memref<1x128xi32, #tpu.memory_space<vmem>> -> memref<128xi32, #tpu.memory_space<vmem>>
          %dma_start3A_217 = arith.constant 0 : i32
          %dma_start3A_218 = arith.constant 0 : i32
          %dma_start3A_219 = tpu.memref_slice %arg3[%dma_start3A_217, %dma_start3A_218] : memref<10000x128xf32, #tpu.memory_space<hbm>> -> memref<10000x128xf32, #tpu.memory_space<hbm>>
          tpu.enqueue_indirect_dma source(%dma_start3A_219 : memref<10000x128xf32, #tpu.memory_space<hbm>>) target(%arg12 : memref<128x128xf32, #tpu.memory_space<vmem>>) offsets(%dma_start3A_216 : memref<128xi32, #tpu.memory_space<vmem>>) semaphore(%arg19 : memref<!tpu.dma_semaphore, #tpu.memory_space<semaphore_mem>>)
        } else {
        }
        %mul3A_132 = arith.constant 4 : i32
        %mul3A_133 = arith.muli %mul3A_132, %scan3A_61 : i32
        %add3A_134 = arith.constant 2 : i32
        %add3A_135 = arith.addi %mul3A_133, %add3A_134 : i32
        %dma_wait3A_136 = arith.constant 0 : i32
        %dma_wait3A_137 = arith.constant 0 : i32
        %dma_wait3A_138 = tpu.memref_slice %arg3[%dma_wait3A_136, %dma_wait3A_137] : memref<10000x128xf32, #tpu.memory_space<hbm>> -> memref<128x128xf32, #tpu.memory_space<hbm>>
        %dma_wait3A_139 = arith.constant 0 : i32
        %dma_wait3A_140 = arith.constant 0 : i32
        %dma_wait3A_141 = tpu.memref_slice %arg3[%dma_wait3A_139, %dma_wait3A_140] : memref<10000x128xf32, #tpu.memory_space<hbm>> -> memref<128x128xf32, #tpu.memory_space<hbm>>
        tpu.wait_dma2 semaphore(%arg19 : memref<!tpu.dma_semaphore, #tpu.memory_space<semaphore_mem>>) src(%dma_wait3A_141 : memref<128x128xf32, #tpu.memory_space<hbm>>) dst(%arg12 : memref<128x128xf32, #tpu.memory_space<vmem>>)
        %dma_start3A_142 = arith.constant 1 : i32
        %dma_start3A_143 = arith.constant 0 : i32
        %dma_start3A_144 = tpu.memref_slice %arg10[%dma_start3A_142, %dma_start3A_143] : memref<2x128xi32, #tpu.memory_space<vmem>> -> memref<1x128xi32, #tpu.memory_space<vmem>>
        %dma_start3A_145 = tpu.memref_squeeze %dma_start3A_144 : memref<1x128xi32, #tpu.memory_space<vmem>> -> memref<128xi32, #tpu.memory_space<vmem>>
        %dma_start3A_146 = arith.constant 0 : i32
        %dma_start3A_147 = arith.constant 0 : i32
        %dma_start3A_148 = tpu.memref_slice %arg14[%dma_start3A_146, %dma_start3A_147] : memref<10240x128xf32, #tpu.memory_space<vmem_shared>> -> memref<10240x128xf32, #tpu.memory_space<vmem_shared>>
        tpu.enqueue_indirect_dma source(%arg12 : memref<128x128xf32, #tpu.memory_space<vmem>>) target(%dma_start3A_148 : memref<10240x128xf32, #tpu.memory_space<vmem_shared>>) offsets(%dma_start3A_145 : memref<128xi32, #tpu.memory_space<vmem>>) semaphore(%arg21 : memref<!tpu.dma_semaphore, #tpu.memory_space<semaphore_mem>>) {add = true}
        %ge3A_149 = arith.constant 1 : i32
        %ge3A_150 = arith.cmpi sge, %add3A_135, %ge3A_149 : i32
        %convert_element_type3A_151 = arith.extui %ge3A_150 : i1 to i32
        %cond3A_152 = arith.constant 0 : i32
        %cond3A_153 = arith.cmpi ne, %convert_element_type3A_151, %cond3A_152 : i32
        scf.if %cond3A_153 {
          %dma_wait3A_204 = arith.constant 0 : i32
          %dma_wait3A_205 = arith.constant 0 : i32
          %dma_wait3A_206 = tpu.memref_slice %arg3[%dma_wait3A_204, %dma_wait3A_205] : memref<10000x128xf32, #tpu.memory_space<hbm>> -> memref<128x128xf32, #tpu.memory_space<hbm>>
          %dma_wait3A_207 = arith.constant 0 : i32
          %dma_wait3A_208 = arith.constant 0 : i32
          %dma_wait3A_209 = tpu.memref_slice %arg3[%dma_wait3A_207, %dma_wait3A_208] : memref<10000x128xf32, #tpu.memory_space<hbm>> -> memref<128x128xf32, #tpu.memory_space<hbm>>
          tpu.wait_dma2 semaphore(%arg22 : memref<!tpu.dma_semaphore, #tpu.memory_space<semaphore_mem>>) src(%dma_wait3A_209 : memref<128x128xf32, #tpu.memory_space<hbm>>) dst(%arg13 : memref<128x128xf32, #tpu.memory_space<vmem>>)
        } else {
        }
        %add3A_154 = arith.constant 2 : i32
        %add3A_155 = arith.addi %add3A_135, %add3A_154 : i32
        %lt3A_156 = arith.constant 80 : i32
        %lt3A_157 = arith.cmpi slt, %add3A_155, %lt3A_156 : i32
        %convert_element_type3A_158 = arith.extui %lt3A_157 : i1 to i32
        %cond3A_159 = arith.constant 0 : i32
        %cond3A_160 = arith.cmpi ne, %convert_element_type3A_158, %cond3A_159 : i32
        scf.if %cond3A_160 {
          %add3A_204 = arith.constant 2 : i32
          %add3A_205 = arith.addi %add3A_135, %add3A_204 : i32
          %add3A_206 = arith.addi %mul3A_4, %add3A_205 : i32
          %dma_start3A_207 = arith.constant 0 : i32
          %dma_start3A_208 = arith.constant 0 : i32
          %dma_start3A_209 = tpu.memref_slice %arg4[%add3A_206, %dma_start3A_207, %dma_start3A_208] : memref<1280x2x128xi32, #tpu.memory_space<hbm>> -> memref<1x2x128xi32, #tpu.memory_space<hbm>>
          %dma_start3A_210 = tpu.memref_squeeze %dma_start3A_209 : memref<1x2x128xi32, #tpu.memory_space<hbm>> -> memref<2x128xi32, #tpu.memory_space<hbm>>
          %dma_start3A_211 = arith.constant 0 : i32
          %dma_start3A_212 = arith.constant 0 : i32
          %dma_start3A_213 = tpu.memref_slice %arg4[%add3A_206, %dma_start3A_211, %dma_start3A_212] : memref<1280x2x128xi32, #tpu.memory_space<hbm>> -> memref<1x2x128xi32, #tpu.memory_space<hbm>>
          %dma_start3A_214 = tpu.memref_squeeze %dma_start3A_213 : memref<1x2x128xi32, #tpu.memory_space<hbm>> -> memref<2x128xi32, #tpu.memory_space<hbm>>
          tpu.enqueue_dma source(%dma_start3A_214 : memref<2x128xi32, #tpu.memory_space<hbm>>) target(%arg8 : memref<2x128xi32, #tpu.memory_space<vmem>>) target_semaphore(%arg15 : memref<!tpu.dma_semaphore, #tpu.memory_space<semaphore_mem>>)
        } else {
        }
        %add3A_161 = arith.constant 1 : i32
        %add3A_162 = arith.addi %add3A_135, %add3A_161 : i32
        %lt3A_163 = arith.constant 80 : i32
        %lt3A_164 = arith.cmpi slt, %add3A_162, %lt3A_163 : i32
        %convert_element_type3A_165 = arith.extui %lt3A_164 : i1 to i32
        %cond3A_166 = arith.constant 0 : i32
        %cond3A_167 = arith.cmpi ne, %convert_element_type3A_165, %cond3A_166 : i32
        scf.if %cond3A_167 {
          %dma_wait3A_204 = arith.constant 0 : i32
          %dma_wait3A_205 = arith.constant 0 : i32
          %dma_wait3A_206 = arith.constant 0 : i32
          %dma_wait3A_207 = tpu.memref_slice %arg4[%dma_wait3A_204, %dma_wait3A_205, %dma_wait3A_206] : memref<1280x2x128xi32, #tpu.memory_space<hbm>> -> memref<1x2x128xi32, #tpu.memory_space<hbm>>
          %dma_wait3A_208 = tpu.memref_squeeze %dma_wait3A_207 : memref<1x2x128xi32, #tpu.memory_space<hbm>> -> memref<2x128xi32, #tpu.memory_space<hbm>>
          %dma_wait3A_209 = arith.constant 0 : i32
          %dma_wait3A_210 = arith.constant 0 : i32
          %dma_wait3A_211 = tpu.memref_slice %arg4[%dma_wait3A_204, %dma_wait3A_209, %dma_wait3A_210] : memref<1280x2x128xi32, #tpu.memory_space<hbm>> -> memref<1x2x128xi32, #tpu.memory_space<hbm>>
          %dma_wait3A_212 = tpu.memref_squeeze %dma_wait3A_211 : memref<1x2x128xi32, #tpu.memory_space<hbm>> -> memref<2x128xi32, #tpu.memory_space<hbm>>
          tpu.wait_dma2 semaphore(%arg18 : memref<!tpu.dma_semaphore, #tpu.memory_space<semaphore_mem>>) src(%dma_wait3A_212 : memref<2x128xi32, #tpu.memory_space<hbm>>) dst(%arg11 : memref<2x128xi32, #tpu.memory_space<vmem>>)
          %dma_start3A_213 = arith.constant 0 : i32
          %dma_start3A_214 = arith.constant 0 : i32
          %dma_start3A_215 = tpu.memref_slice %arg11[%dma_start3A_213, %dma_start3A_214] : memref<2x128xi32, #tpu.memory_space<vmem>> -> memref<1x128xi32, #tpu.memory_space<vmem>>
          %dma_start3A_216 = tpu.memref_squeeze %dma_start3A_215 : memref<1x128xi32, #tpu.memory_space<vmem>> -> memref<128xi32, #tpu.memory_space<vmem>>
          %dma_start3A_217 = arith.constant 0 : i32
          %dma_start3A_218 = arith.constant 0 : i32
          %dma_start3A_219 = tpu.memref_slice %arg3[%dma_start3A_217, %dma_start3A_218] : memref<10000x128xf32, #tpu.memory_space<hbm>> -> memref<10000x128xf32, #tpu.memory_space<hbm>>
          tpu.enqueue_indirect_dma source(%dma_start3A_219 : memref<10000x128xf32, #tpu.memory_space<hbm>>) target(%arg13 : memref<128x128xf32, #tpu.memory_space<vmem>>) offsets(%dma_start3A_216 : memref<128xi32, #tpu.memory_space<vmem>>) semaphore(%arg20 : memref<!tpu.dma_semaphore, #tpu.memory_space<semaphore_mem>>)
        } else {
        }
        %mul3A_168 = arith.constant 4 : i32
        %mul3A_169 = arith.muli %mul3A_168, %scan3A_61 : i32
        %add3A_170 = arith.constant 3 : i32
        %add3A_171 = arith.addi %mul3A_169, %add3A_170 : i32
        %dma_wait3A_172 = arith.constant 0 : i32
        %dma_wait3A_173 = arith.constant 0 : i32
        %dma_wait3A_174 = tpu.memref_slice %arg3[%dma_wait3A_172, %dma_wait3A_173] : memref<10000x128xf32, #tpu.memory_space<hbm>> -> memref<128x128xf32, #tpu.memory_space<hbm>>
        %dma_wait3A_175 = arith.constant 0 : i32
        %dma_wait3A_176 = arith.constant 0 : i32
        %dma_wait3A_177 = tpu.memref_slice %arg3[%dma_wait3A_175, %dma_wait3A_176] : memref<10000x128xf32, #tpu.memory_space<hbm>> -> memref<128x128xf32, #tpu.memory_space<hbm>>
        tpu.wait_dma2 semaphore(%arg20 : memref<!tpu.dma_semaphore, #tpu.memory_space<semaphore_mem>>) src(%dma_wait3A_177 : memref<128x128xf32, #tpu.memory_space<hbm>>) dst(%arg13 : memref<128x128xf32, #tpu.memory_space<vmem>>)
        %dma_start3A_178 = arith.constant 1 : i32
        %dma_start3A_179 = arith.constant 0 : i32
        %dma_start3A_180 = tpu.memref_slice %arg11[%dma_start3A_178, %dma_start3A_179] : memref<2x128xi32, #tpu.memory_space<vmem>> -> memref<1x128xi32, #tpu.memory_space<vmem>>
        %dma_start3A_181 = tpu.memref_squeeze %dma_start3A_180 : memref<1x128xi32, #tpu.memory_space<vmem>> -> memref<128xi32, #tpu.memory_space<vmem>>
        %dma_start3A_182 = arith.constant 0 : i32
        %dma_start3A_183 = arith.constant 0 : i32
        %dma_start3A_184 = tpu.memref_slice %arg14[%dma_start3A_182, %dma_start3A_183] : memref<10240x128xf32, #tpu.memory_space<vmem_shared>> -> memref<10240x128xf32, #tpu.memory_space<vmem_shared>>
        tpu.enqueue_indirect_dma source(%arg13 : memref<128x128xf32, #tpu.memory_space<vmem>>) target(%dma_start3A_184 : memref<10240x128xf32, #tpu.memory_space<vmem_shared>>) offsets(%dma_start3A_181 : memref<128xi32, #tpu.memory_space<vmem>>) semaphore(%arg22 : memref<!tpu.dma_semaphore, #tpu.memory_space<semaphore_mem>>) {add = true}
        %ge3A_185 = arith.constant 1 : i32
        %ge3A_186 = arith.cmpi sge, %add3A_171, %ge3A_185 : i32
        %convert_element_type3A_187 = arith.extui %ge3A_186 : i1 to i32
        %cond3A_188 = arith.constant 0 : i32
        %cond3A_189 = arith.cmpi ne, %convert_element_type3A_187, %cond3A_188 : i32
        scf.if %cond3A_189 {
          %dma_wait3A_204 = arith.constant 0 : i32
          %dma_wait3A_205 = arith.constant 0 : i32
          %dma_wait3A_206 = tpu.memref_slice %arg3[%dma_wait3A_204, %dma_wait3A_205] : memref<10000x128xf32, #tpu.memory_space<hbm>> -> memref<128x128xf32, #tpu.memory_space<hbm>>
          %dma_wait3A_207 = arith.constant 0 : i32
          %dma_wait3A_208 = arith.constant 0 : i32
          %dma_wait3A_209 = tpu.memref_slice %arg3[%dma_wait3A_207, %dma_wait3A_208] : memref<10000x128xf32, #tpu.memory_space<hbm>> -> memref<128x128xf32, #tpu.memory_space<hbm>>
          tpu.wait_dma2 semaphore(%arg21 : memref<!tpu.dma_semaphore, #tpu.memory_space<semaphore_mem>>) src(%dma_wait3A_209 : memref<128x128xf32, #tpu.memory_space<hbm>>) dst(%arg12 : memref<128x128xf32, #tpu.memory_space<vmem>>)
        } else {
        }
        %add3A_190 = arith.constant 2 : i32
        %add3A_191 = arith.addi %add3A_171, %add3A_190 : i32
        %lt3A_192 = arith.constant 80 : i32
        %lt3A_193 = arith.cmpi slt, %add3A_191, %lt3A_192 : i32
        %convert_element_type3A_194 = arith.extui %lt3A_193 : i1 to i32
        %cond3A_195 = arith.constant 0 : i32
        %cond3A_196 = arith.cmpi ne, %convert_element_type3A_194, %cond3A_195 : i32
        scf.if %cond3A_196 {
          %add3A_204 = arith.constant 2 : i32
          %add3A_205 = arith.addi %add3A_171, %add3A_204 : i32
          %add3A_206 = arith.addi %mul3A_4, %add3A_205 : i32
          %dma_start3A_207 = arith.constant 0 : i32
          %dma_start3A_208 = arith.constant 0 : i32
          %dma_start3A_209 = tpu.memref_slice %arg4[%add3A_206, %dma_start3A_207, %dma_start3A_208] : memref<1280x2x128xi32, #tpu.memory_space<hbm>> -> memref<1x2x128xi32, #tpu.memory_space<hbm>>
          %dma_start3A_210 = tpu.memref_squeeze %dma_start3A_209 : memref<1x2x128xi32, #tpu.memory_space<hbm>> -> memref<2x128xi32, #tpu.memory_space<hbm>>
          %dma_start3A_211 = arith.constant 0 : i32
          %dma_start3A_212 = arith.constant 0 : i32
          %dma_start3A_213 = tpu.memref_slice %arg4[%add3A_206, %dma_start3A_211, %dma_start3A_212] : memref<1280x2x128xi32, #tpu.memory_space<hbm>> -> memref<1x2x128xi32, #tpu.memory_space<hbm>>
          %dma_start3A_214 = tpu.memref_squeeze %dma_start3A_213 : memref<1x2x128xi32, #tpu.memory_space<hbm>> -> memref<2x128xi32, #tpu.memory_space<hbm>>
          tpu.enqueue_dma source(%dma_start3A_214 : memref<2x128xi32, #tpu.memory_space<hbm>>) target(%arg9 : memref<2x128xi32, #tpu.memory_space<vmem>>) target_semaphore(%arg16 : memref<!tpu.dma_semaphore, #tpu.memory_space<semaphore_mem>>)
        } else {
        }
        %add3A_197 = arith.constant 1 : i32
        %add3A_198 = arith.addi %add3A_171, %add3A_197 : i32
        %lt3A_199 = arith.constant 80 : i32
        %lt3A_200 = arith.cmpi slt, %add3A_198, %lt3A_199 : i32
        %convert_element_type3A_201 = arith.extui %lt3A_200 : i1 to i32
        %cond3A_202 = arith.constant 0 : i32
        %cond3A_203 = arith.cmpi ne, %convert_element_type3A_201, %cond3A_202 : i32
        scf.if %cond3A_203 {
          %dma_wait3A_204 = arith.constant 0 : i32
          %dma_wait3A_205 = arith.constant 0 : i32
          %dma_wait3A_206 = arith.constant 0 : i32
          %dma_wait3A_207 = tpu.memref_slice %arg4[%dma_wait3A_204, %dma_wait3A_205, %dma_wait3A_206] : memref<1280x2x128xi32, #tpu.memory_space<hbm>> -> memref<1x2x128xi32, #tpu.memory_space<hbm>>
          %dma_wait3A_208 = tpu.memref_squeeze %dma_wait3A_207 : memref<1x2x128xi32, #tpu.memory_space<hbm>> -> memref<2x128xi32, #tpu.memory_space<hbm>>
          %dma_wait3A_209 = arith.constant 0 : i32
          %dma_wait3A_210 = arith.constant 0 : i32
          %dma_wait3A_211 = tpu.memref_slice %arg4[%dma_wait3A_204, %dma_wait3A_209, %dma_wait3A_210] : memref<1280x2x128xi32, #tpu.memory_space<hbm>> -> memref<1x2x128xi32, #tpu.memory_space<hbm>>
          %dma_wait3A_212 = tpu.memref_squeeze %dma_wait3A_211 : memref<1x2x128xi32, #tpu.memory_space<hbm>> -> memref<2x128xi32, #tpu.memory_space<hbm>>
          tpu.wait_dma2 semaphore(%arg15 : memref<!tpu.dma_semaphore, #tpu.memory_space<semaphore_mem>>) src(%dma_wait3A_212 : memref<2x128xi32, #tpu.memory_space<hbm>>) dst(%arg8 : memref<2x128xi32, #tpu.memory_space<vmem>>)
          %dma_start3A_213 = arith.constant 0 : i32
          %dma_start3A_214 = arith.constant 0 : i32
          %dma_start3A_215 = tpu.memref_slice %arg8[%dma_start3A_213, %dma_start3A_214] : memref<2x128xi32, #tpu.memory_space<vmem>> -> memref<1x128xi32, #tpu.memory_space<vmem>>
          %dma_start3A_216 = tpu.memref_squeeze %dma_start3A_215 : memref<1x128xi32, #tpu.memory_space<vmem>> -> memref<128xi32, #tpu.memory_space<vmem>>
          %dma_start3A_217 = arith.constant 0 : i32
          %dma_start3A_218 = arith.constant 0 : i32
          %dma_start3A_219 = tpu.memref_slice %arg3[%dma_start3A_217, %dma_start3A_218] : memref<10000x128xf32, #tpu.memory_space<hbm>> -> memref<10000x128xf32, #tpu.memory_space<hbm>>
          tpu.enqueue_indirect_dma source(%dma_start3A_219 : memref<10000x128xf32, #tpu.memory_space<hbm>>) target(%arg12 : memref<128x128xf32, #tpu.memory_space<vmem>>) offsets(%dma_start3A_216 : memref<128xi32, #tpu.memory_space<vmem>>) semaphore(%arg19 : memref<!tpu.dma_semaphore, #tpu.memory_space<semaphore_mem>>)
        } else {
        }
      }
      %scan3A_49 = arith.constant 20 : i32
      %dma_wait3A_50 = arith.constant 0 : i32
      %dma_wait3A_51 = arith.constant 0 : i32
      %dma_wait3A_52 = tpu.memref_slice %arg3[%dma_wait3A_50, %dma_wait3A_51] : memref<10000x128xf32, #tpu.memory_space<hbm>> -> memref<128x128xf32, #tpu.memory_space<hbm>>
      %dma_wait3A_53 = arith.constant 0 : i32
      %dma_wait3A_54 = arith.constant 0 : i32
      %dma_wait3A_55 = tpu.memref_slice %arg3[%dma_wait3A_53, %dma_wait3A_54] : memref<10000x128xf32, #tpu.memory_space<hbm>> -> memref<128x128xf32, #tpu.memory_space<hbm>>
      tpu.wait_dma2 semaphore(%arg22 : memref<!tpu.dma_semaphore, #tpu.memory_space<semaphore_mem>>) src(%dma_wait3A_55 : memref<128x128xf32, #tpu.memory_space<hbm>>) dst(%arg13 : memref<128x128xf32, #tpu.memory_space<vmem>>)
      %barrier3A_56 = arith.constant 0 : index
      tpu.barrier barrier_id(%barrier3A_56)
      %mul3A_57 = arith.constant 640 : i32
      %mul3A_58 = arith.muli %arg1, %mul3A_57 : i32
      %mul3A_59 = arith.constant 640 : i32
      %mul3A_60 = arith.muli %arg1, %mul3A_59 : i32
      "tpu.region"() ({
        %run_scoped3A = tpu.sem_alloc : memref<!tpu.dma_semaphore, #tpu.memory_space<semaphore_mem>>
        %dma_start3A_61 = arith.constant 0 : i32
        %dma_start3A_62 = tpu.memref_slice %arg7[%mul3A_60, %dma_start3A_61] : memref<10240x128xf32, #tpu.memory_space<hbm>> -> memref<640x128xf32, #tpu.memory_space<hbm>>
        %dma_start3A_63 = arith.constant 0 : i32
        %dma_start3A_64 = tpu.memref_slice %arg14[%mul3A_58, %dma_start3A_63] : memref<10240x128xf32, #tpu.memory_space<vmem_shared>> -> memref<640x128xf32, #tpu.memory_space<vmem_shared>>
        tpu.enqueue_dma source(%dma_start3A_64 : memref<640x128xf32, #tpu.memory_space<vmem_shared>>) target(%dma_start3A_62 : memref<640x128xf32, #tpu.memory_space<hbm>>) target_semaphore(%run_scoped3A : memref<!tpu.dma_semaphore, #tpu.memory_space<semaphore_mem>>)
        %dma_wait3A_65 = arith.constant 0 : i32
        %dma_wait3A_66 = tpu.memref_slice %arg7[%mul3A_60, %dma_wait3A_65] : memref<10240x128xf32, #tpu.memory_space<hbm>> -> memref<640x128xf32, #tpu.memory_space<hbm>>
        %dma_wait3A_67 = arith.constant 0 : i32
        %dma_wait3A_68 = tpu.memref_slice %arg14[%mul3A_58, %dma_wait3A_67] : memref<10240x128xf32, #tpu.memory_space<vmem_shared>> -> memref<640x128xf32, #tpu.memory_space<vmem_shared>>
        tpu.wait_dma2 semaphore(%run_scoped3A : memref<!tpu.dma_semaphore, #tpu.memory_space<semaphore_mem>>) src(%dma_wait3A_68 : memref<640x128xf32, #tpu.memory_space<vmem_shared>>) dst(%dma_wait3A_66 : memref<640x128xf32, #tpu.memory_space<hbm>>)
        tpu.yield
      }) : () -> ()
    } else {
    }
    return
  }
}

#map = affine_map<(d0, d1) -> (0, 0)>
#map1 = affine_map<(d0, d1) -> (0, 0, 0)>
module attributes {stable_mosaic.version = 14 : i64} {
  func.func @_sc_agg_kernel(%arg0: i32, %arg1: i32, %arg2: memref<10240x128xf32, #tpu.memory_space<hbm>>, %arg3: memref<10240x128xf32, #tpu.memory_space<hbm>>, %arg4: memref<1280x2x128xi32, #tpu.memory_space<hbm>>, %arg5: memref<10240x128xf32, #tpu.memory_space<hbm>>, %arg6: memref<10240x128xf32, #tpu.memory_space<hbm>>, %arg7: memref<10240x128xf32, #tpu.memory_space<hbm>>, %arg8: memref<2x128xi32, #tpu.memory_space<vmem>>, %arg9: memref<2x128xi32, #tpu.memory_space<vmem>>, %arg10: memref<2x128xi32, #tpu.memory_space<vmem>>, %arg11: memref<2x128xi32, #tpu.memory_space<vmem>>, %arg12: memref<128x128xf32, #tpu.memory_space<vmem>>, %arg13: memref<128x128xf32, #tpu.memory_space<vmem>>, %arg14: memref<10240x128xf32, #tpu.memory_space<vmem_shared>>, %arg15: memref<!tpu.dma_semaphore, #tpu.memory_space<semaphore_mem>>, %arg16: memref<!tpu.dma_semaphore, #tpu.memory_space<semaphore_mem>>, %arg17: memref<!tpu.dma_semaphore, #tpu.memory_space<semaphore_mem>>, %arg18: memref<!tpu.dma_semaphore, #tpu.memory_space<semaphore_mem>>, %arg19: memref<!tpu.dma_semaphore, #tpu.memory_space<semaphore_mem>>, %arg20: memref<!tpu.dma_semaphore, #tpu.memory_space<semaphore_mem>>, %arg21: memref<!tpu.dma_semaphore, #tpu.memory_space<semaphore_mem>>, %arg22: memref<!tpu.dma_semaphore, #tpu.memory_space<semaphore_mem>>) attributes {dimension_semantics = [#tpu.dimension_semantics<core_parallel>, #tpu.dimension_semantics<subcore_parallel>], iteration_bounds = array<i64: 2, 16>, scalar_prefetch = 0 : i64, scratch_operands = 15 : i64, tpu.core_type = #tpu.core_type<sc_vector_subcore>, window_params = [{transform_indices = #map}, {transform_indices = #map}, {transform_indices = #map1}, {transform_indices = #map}, {transform_indices = #map}, {transform_indices = #map}]} {
    %mul3A = arith.constant 640 : i32
    %mul3A_0 = arith.muli %arg1, %mul3A : i32
    %mul3A_1 = arith.constant 640 : i32
    %mul3A_2 = arith.muli %arg1, %mul3A_1 : i32
    "tpu.region"() ({
      %run_scoped3A = tpu.sem_alloc : memref<!tpu.dma_semaphore, #tpu.memory_space<semaphore_mem>>
      %dma_start3A = arith.constant 0 : i32
      %dma_start3A_12 = tpu.memref_slice %arg14[%mul3A_2, %dma_start3A] : memref<10240x128xf32, #tpu.memory_space<vmem_shared>> -> memref<640x128xf32, #tpu.memory_space<vmem_shared>>
      %dma_start3A_13 = arith.constant 0 : i32
      %dma_start3A_14 = tpu.memref_slice %arg5[%mul3A_0, %dma_start3A_13] : memref<10240x128xf32, #tpu.memory_space<hbm>> -> memref<640x128xf32, #tpu.memory_space<hbm>>
      tpu.enqueue_dma source(%dma_start3A_14 : memref<640x128xf32, #tpu.memory_space<hbm>>) target(%dma_start3A_12 : memref<640x128xf32, #tpu.memory_space<vmem_shared>>) target_semaphore(%run_scoped3A : memref<!tpu.dma_semaphore, #tpu.memory_space<semaphore_mem>>)
      %dma_wait3A = arith.constant 0 : i32
      %dma_wait3A_15 = tpu.memref_slice %arg14[%mul3A_2, %dma_wait3A] : memref<10240x128xf32, #tpu.memory_space<vmem_shared>> -> memref<640x128xf32, #tpu.memory_space<vmem_shared>>
      %dma_wait3A_16 = arith.constant 0 : i32
      %dma_wait3A_17 = tpu.memref_slice %arg5[%mul3A_0, %dma_wait3A_16] : memref<10240x128xf32, #tpu.memory_space<hbm>> -> memref<640x128xf32, #tpu.memory_space<hbm>>
      tpu.wait_dma2 semaphore(%run_scoped3A : memref<!tpu.dma_semaphore, #tpu.memory_space<semaphore_mem>>) src(%dma_wait3A_17 : memref<640x128xf32, #tpu.memory_space<hbm>>) dst(%dma_wait3A_15 : memref<640x128xf32, #tpu.memory_space<vmem_shared>>)
      tpu.yield
    }) : () -> ()
    %barrier3A = arith.constant 0 : index
    tpu.barrier barrier_id(%barrier3A)
    %mul3A_3 = arith.constant 80 : i32
    %mul3A_4 = arith.muli %arg1, %mul3A_3 : i32
    %eq3A = arith.constant 0 : i32
    %eq3A_5 = arith.cmpi eq, %arg0, %eq3A : i32
    %convert_element_type3A = arith.extui %eq3A_5 : i1 to i32
    %cond3A = arith.constant 0 : i32
    %cond3A_6 = arith.cmpi ne, %convert_element_type3A, %cond3A : i32
    scf.if %cond3A_6 {
      %add3A = arith.constant 0 : i32
      %add3A_12 = arith.addi %mul3A_4, %add3A : i32
      %dma_start3A = arith.constant 0 : i32
      %dma_start3A_13 = arith.constant 0 : i32
      %dma_start3A_14 = tpu.memref_slice %arg4[%add3A_12, %dma_start3A, %dma_start3A_13] : memref<1280x2x128xi32, #tpu.memory_space<hbm>> -> memref<1x2x128xi32, #tpu.memory_space<hbm>>
      %dma_start3A_15 = tpu.memref_squeeze %dma_start3A_14 : memref<1x2x128xi32, #tpu.memory_space<hbm>> -> memref<2x128xi32, #tpu.memory_space<hbm>>
      %dma_start3A_16 = arith.constant 0 : i32
      %dma_start3A_17 = arith.constant 0 : i32
      %dma_start3A_18 = tpu.memref_slice %arg4[%add3A_12, %dma_start3A_16, %dma_start3A_17] : memref<1280x2x128xi32, #tpu.memory_space<hbm>> -> memref<1x2x128xi32, #tpu.memory_space<hbm>>
      %dma_start3A_19 = tpu.memref_squeeze %dma_start3A_18 : memref<1x2x128xi32, #tpu.memory_space<hbm>> -> memref<2x128xi32, #tpu.memory_space<hbm>>
      tpu.enqueue_dma source(%dma_start3A_19 : memref<2x128xi32, #tpu.memory_space<hbm>>) target(%arg8 : memref<2x128xi32, #tpu.memory_space<vmem>>) target_semaphore(%arg15 : memref<!tpu.dma_semaphore, #tpu.memory_space<semaphore_mem>>)
      %add3A_20 = arith.constant 1 : i32
      %add3A_21 = arith.addi %mul3A_4, %add3A_20 : i32
      %dma_start3A_22 = arith.constant 0 : i32
      %dma_start3A_23 = arith.constant 0 : i32
      %dma_start3A_24 = tpu.memref_slice %arg4[%add3A_21, %dma_start3A_22, %dma_start3A_23] : memref<1280x2x128xi32, #tpu.memory_space<hbm>> -> memref<1x2x128xi32, #tpu.memory_space<hbm>>
      %dma_start3A_25 = tpu.memref_squeeze %dma_start3A_24 : memref<1x2x128xi32, #tpu.memory_space<hbm>> -> memref<2x128xi32, #tpu.memory_space<hbm>>
      %dma_start3A_26 = arith.constant 0 : i32
      %dma_start3A_27 = arith.constant 0 : i32
      %dma_start3A_28 = tpu.memref_slice %arg4[%add3A_21, %dma_start3A_26, %dma_start3A_27] : memref<1280x2x128xi32, #tpu.memory_space<hbm>> -> memref<1x2x128xi32, #tpu.memory_space<hbm>>
      %dma_start3A_29 = tpu.memref_squeeze %dma_start3A_28 : memref<1x2x128xi32, #tpu.memory_space<hbm>> -> memref<2x128xi32, #tpu.memory_space<hbm>>
      tpu.enqueue_dma source(%dma_start3A_29 : memref<2x128xi32, #tpu.memory_space<hbm>>) target(%arg9 : memref<2x128xi32, #tpu.memory_space<vmem>>) target_semaphore(%arg16 : memref<!tpu.dma_semaphore, #tpu.memory_space<semaphore_mem>>)
      %dma_wait3A = arith.constant 0 : i32
      %dma_wait3A_30 = arith.constant 0 : i32
      %dma_wait3A_31 = arith.constant 0 : i32
      %dma_wait3A_32 = tpu.memref_slice %arg4[%dma_wait3A, %dma_wait3A_30, %dma_wait3A_31] : memref<1280x2x128xi32, #tpu.memory_space<hbm>> -> memref<1x2x128xi32, #tpu.memory_space<hbm>>
      %dma_wait3A_33 = tpu.memref_squeeze %dma_wait3A_32 : memref<1x2x128xi32, #tpu.memory_space<hbm>> -> memref<2x128xi32, #tpu.memory_space<hbm>>
      %dma_wait3A_34 = arith.constant 0 : i32
      %dma_wait3A_35 = arith.constant 0 : i32
      %dma_wait3A_36 = tpu.memref_slice %arg4[%dma_wait3A, %dma_wait3A_34, %dma_wait3A_35] : memref<1280x2x128xi32, #tpu.memory_space<hbm>> -> memref<1x2x128xi32, #tpu.memory_space<hbm>>
      %dma_wait3A_37 = tpu.memref_squeeze %dma_wait3A_36 : memref<1x2x128xi32, #tpu.memory_space<hbm>> -> memref<2x128xi32, #tpu.memory_space<hbm>>
      tpu.wait_dma2 semaphore(%arg15 : memref<!tpu.dma_semaphore, #tpu.memory_space<semaphore_mem>>) src(%dma_wait3A_37 : memref<2x128xi32, #tpu.memory_space<hbm>>) dst(%arg8 : memref<2x128xi32, #tpu.memory_space<vmem>>)
      %dma_start3A_38 = arith.constant 0 : i32
      %dma_start3A_39 = arith.constant 0 : i32
      %dma_start3A_40 = tpu.memref_slice %arg8[%dma_start3A_38, %dma_start3A_39] : memref<2x128xi32, #tpu.memory_space<vmem>> -> memref<1x128xi32, #tpu.memory_space<vmem>>
      %dma_start3A_41 = tpu.memref_squeeze %dma_start3A_40 : memref<1x128xi32, #tpu.memory_space<vmem>> -> memref<128xi32, #tpu.memory_space<vmem>>
      %dma_start3A_42 = arith.constant 0 : i32
      %dma_start3A_43 = arith.constant 0 : i32
      %dma_start3A_44 = tpu.memref_slice %arg2[%dma_start3A_42, %dma_start3A_43] : memref<10240x128xf32, #tpu.memory_space<hbm>> -> memref<10240x128xf32, #tpu.memory_space<hbm>>
      tpu.enqueue_indirect_dma source(%dma_start3A_44 : memref<10240x128xf32, #tpu.memory_space<hbm>>) target(%arg12 : memref<128x128xf32, #tpu.memory_space<vmem>>) offsets(%dma_start3A_41 : memref<128xi32, #tpu.memory_space<vmem>>) semaphore(%arg19 : memref<!tpu.dma_semaphore, #tpu.memory_space<semaphore_mem>>)
      %scan3A = arith.constant 0 : i32
      %scan3A_45 = arith.constant 0 : i32
      %scan3A_46 = arith.constant 20 : i32
      %scan3A_47 = arith.addi %scan3A_45, %scan3A_46 : i32
      %scan3A_48 = arith.constant 1 : i32
      scf.for %scan3A_61 = %scan3A_45 to %scan3A_47 step %scan3A_48  : i32 {
        %mul3A_62 = arith.constant 4 : i32
        %mul3A_63 = arith.muli %mul3A_62, %scan3A_61 : i32
        %add3A_64 = arith.constant 0 : i32
        %add3A_65 = arith.addi %mul3A_63, %add3A_64 : i32
        %dma_wait3A_66 = arith.constant 0 : i32
        %dma_wait3A_67 = arith.constant 0 : i32
        %dma_wait3A_68 = tpu.memref_slice %arg2[%dma_wait3A_66, %dma_wait3A_67] : memref<10240x128xf32, #tpu.memory_space<hbm>> -> memref<128x128xf32, #tpu.memory_space<hbm>>
        %dma_wait3A_69 = arith.constant 0 : i32
        %dma_wait3A_70 = arith.constant 0 : i32
        %dma_wait3A_71 = tpu.memref_slice %arg2[%dma_wait3A_69, %dma_wait3A_70] : memref<10240x128xf32, #tpu.memory_space<hbm>> -> memref<128x128xf32, #tpu.memory_space<hbm>>
        tpu.wait_dma2 semaphore(%arg19 : memref<!tpu.dma_semaphore, #tpu.memory_space<semaphore_mem>>) src(%dma_wait3A_71 : memref<128x128xf32, #tpu.memory_space<hbm>>) dst(%arg12 : memref<128x128xf32, #tpu.memory_space<vmem>>)
        %dma_start3A_72 = arith.constant 1 : i32
        %dma_start3A_73 = arith.constant 0 : i32
        %dma_start3A_74 = tpu.memref_slice %arg8[%dma_start3A_72, %dma_start3A_73] : memref<2x128xi32, #tpu.memory_space<vmem>> -> memref<1x128xi32, #tpu.memory_space<vmem>>
        %dma_start3A_75 = tpu.memref_squeeze %dma_start3A_74 : memref<1x128xi32, #tpu.memory_space<vmem>> -> memref<128xi32, #tpu.memory_space<vmem>>
        %dma_start3A_76 = arith.constant 0 : i32
        %dma_start3A_77 = arith.constant 0 : i32
        %dma_start3A_78 = tpu.memref_slice %arg14[%dma_start3A_76, %dma_start3A_77] : memref<10240x128xf32, #tpu.memory_space<vmem_shared>> -> memref<10240x128xf32, #tpu.memory_space<vmem_shared>>
        tpu.enqueue_indirect_dma source(%arg12 : memref<128x128xf32, #tpu.memory_space<vmem>>) target(%dma_start3A_78 : memref<10240x128xf32, #tpu.memory_space<vmem_shared>>) offsets(%dma_start3A_75 : memref<128xi32, #tpu.memory_space<vmem>>) semaphore(%arg21 : memref<!tpu.dma_semaphore, #tpu.memory_space<semaphore_mem>>) {add = true}
        %ge3A = arith.constant 1 : i32
        %ge3A_79 = arith.cmpi sge, %add3A_65, %ge3A : i32
        %convert_element_type3A_80 = arith.extui %ge3A_79 : i1 to i32
        %cond3A_81 = arith.constant 0 : i32
        %cond3A_82 = arith.cmpi ne, %convert_element_type3A_80, %cond3A_81 : i32
        scf.if %cond3A_82 {
          %dma_wait3A_204 = arith.constant 0 : i32
          %dma_wait3A_205 = arith.constant 0 : i32
          %dma_wait3A_206 = tpu.memref_slice %arg2[%dma_wait3A_204, %dma_wait3A_205] : memref<10240x128xf32, #tpu.memory_space<hbm>> -> memref<128x128xf32, #tpu.memory_space<hbm>>
          %dma_wait3A_207 = arith.constant 0 : i32
          %dma_wait3A_208 = arith.constant 0 : i32
          %dma_wait3A_209 = tpu.memref_slice %arg2[%dma_wait3A_207, %dma_wait3A_208] : memref<10240x128xf32, #tpu.memory_space<hbm>> -> memref<128x128xf32, #tpu.memory_space<hbm>>
          tpu.wait_dma2 semaphore(%arg22 : memref<!tpu.dma_semaphore, #tpu.memory_space<semaphore_mem>>) src(%dma_wait3A_209 : memref<128x128xf32, #tpu.memory_space<hbm>>) dst(%arg13 : memref<128x128xf32, #tpu.memory_space<vmem>>)
        } else {
        }
        %add3A_83 = arith.constant 2 : i32
        %add3A_84 = arith.addi %add3A_65, %add3A_83 : i32
        %lt3A = arith.constant 80 : i32
        %lt3A_85 = arith.cmpi slt, %add3A_84, %lt3A : i32
        %convert_element_type3A_86 = arith.extui %lt3A_85 : i1 to i32
        %cond3A_87 = arith.constant 0 : i32
        %cond3A_88 = arith.cmpi ne, %convert_element_type3A_86, %cond3A_87 : i32
        scf.if %cond3A_88 {
          %add3A_204 = arith.constant 2 : i32
          %add3A_205 = arith.addi %add3A_65, %add3A_204 : i32
          %add3A_206 = arith.addi %mul3A_4, %add3A_205 : i32
          %dma_start3A_207 = arith.constant 0 : i32
          %dma_start3A_208 = arith.constant 0 : i32
          %dma_start3A_209 = tpu.memref_slice %arg4[%add3A_206, %dma_start3A_207, %dma_start3A_208] : memref<1280x2x128xi32, #tpu.memory_space<hbm>> -> memref<1x2x128xi32, #tpu.memory_space<hbm>>
          %dma_start3A_210 = tpu.memref_squeeze %dma_start3A_209 : memref<1x2x128xi32, #tpu.memory_space<hbm>> -> memref<2x128xi32, #tpu.memory_space<hbm>>
          %dma_start3A_211 = arith.constant 0 : i32
          %dma_start3A_212 = arith.constant 0 : i32
          %dma_start3A_213 = tpu.memref_slice %arg4[%add3A_206, %dma_start3A_211, %dma_start3A_212] : memref<1280x2x128xi32, #tpu.memory_space<hbm>> -> memref<1x2x128xi32, #tpu.memory_space<hbm>>
          %dma_start3A_214 = tpu.memref_squeeze %dma_start3A_213 : memref<1x2x128xi32, #tpu.memory_space<hbm>> -> memref<2x128xi32, #tpu.memory_space<hbm>>
          tpu.enqueue_dma source(%dma_start3A_214 : memref<2x128xi32, #tpu.memory_space<hbm>>) target(%arg10 : memref<2x128xi32, #tpu.memory_space<vmem>>) target_semaphore(%arg17 : memref<!tpu.dma_semaphore, #tpu.memory_space<semaphore_mem>>)
        } else {
        }
        %add3A_89 = arith.constant 1 : i32
        %add3A_90 = arith.addi %add3A_65, %add3A_89 : i32
        %lt3A_91 = arith.constant 80 : i32
        %lt3A_92 = arith.cmpi slt, %add3A_90, %lt3A_91 : i32
        %convert_element_type3A_93 = arith.extui %lt3A_92 : i1 to i32
        %cond3A_94 = arith.constant 0 : i32
        %cond3A_95 = arith.cmpi ne, %convert_element_type3A_93, %cond3A_94 : i32
        scf.if %cond3A_95 {
          %dma_wait3A_204 = arith.constant 0 : i32
          %dma_wait3A_205 = arith.constant 0 : i32
          %dma_wait3A_206 = arith.constant 0 : i32
          %dma_wait3A_207 = tpu.memref_slice %arg4[%dma_wait3A_204, %dma_wait3A_205, %dma_wait3A_206] : memref<1280x2x128xi32, #tpu.memory_space<hbm>> -> memref<1x2x128xi32, #tpu.memory_space<hbm>>
          %dma_wait3A_208 = tpu.memref_squeeze %dma_wait3A_207 : memref<1x2x128xi32, #tpu.memory_space<hbm>> -> memref<2x128xi32, #tpu.memory_space<hbm>>
          %dma_wait3A_209 = arith.constant 0 : i32
          %dma_wait3A_210 = arith.constant 0 : i32
          %dma_wait3A_211 = tpu.memref_slice %arg4[%dma_wait3A_204, %dma_wait3A_209, %dma_wait3A_210] : memref<1280x2x128xi32, #tpu.memory_space<hbm>> -> memref<1x2x128xi32, #tpu.memory_space<hbm>>
          %dma_wait3A_212 = tpu.memref_squeeze %dma_wait3A_211 : memref<1x2x128xi32, #tpu.memory_space<hbm>> -> memref<2x128xi32, #tpu.memory_space<hbm>>
          tpu.wait_dma2 semaphore(%arg16 : memref<!tpu.dma_semaphore, #tpu.memory_space<semaphore_mem>>) src(%dma_wait3A_212 : memref<2x128xi32, #tpu.memory_space<hbm>>) dst(%arg9 : memref<2x128xi32, #tpu.memory_space<vmem>>)
          %dma_start3A_213 = arith.constant 0 : i32
          %dma_start3A_214 = arith.constant 0 : i32
          %dma_start3A_215 = tpu.memref_slice %arg9[%dma_start3A_213, %dma_start3A_214] : memref<2x128xi32, #tpu.memory_space<vmem>> -> memref<1x128xi32, #tpu.memory_space<vmem>>
          %dma_start3A_216 = tpu.memref_squeeze %dma_start3A_215 : memref<1x128xi32, #tpu.memory_space<vmem>> -> memref<128xi32, #tpu.memory_space<vmem>>
          %dma_start3A_217 = arith.constant 0 : i32
          %dma_start3A_218 = arith.constant 0 : i32
          %dma_start3A_219 = tpu.memref_slice %arg2[%dma_start3A_217, %dma_start3A_218] : memref<10240x128xf32, #tpu.memory_space<hbm>> -> memref<10240x128xf32, #tpu.memory_space<hbm>>
          tpu.enqueue_indirect_dma source(%dma_start3A_219 : memref<10240x128xf32, #tpu.memory_space<hbm>>) target(%arg13 : memref<128x128xf32, #tpu.memory_space<vmem>>) offsets(%dma_start3A_216 : memref<128xi32, #tpu.memory_space<vmem>>) semaphore(%arg20 : memref<!tpu.dma_semaphore, #tpu.memory_space<semaphore_mem>>)
        } else {
        }
        %mul3A_96 = arith.constant 4 : i32
        %mul3A_97 = arith.muli %mul3A_96, %scan3A_61 : i32
        %add3A_98 = arith.constant 1 : i32
        %add3A_99 = arith.addi %mul3A_97, %add3A_98 : i32
        %dma_wait3A_100 = arith.constant 0 : i32
        %dma_wait3A_101 = arith.constant 0 : i32
        %dma_wait3A_102 = tpu.memref_slice %arg2[%dma_wait3A_100, %dma_wait3A_101] : memref<10240x128xf32, #tpu.memory_space<hbm>> -> memref<128x128xf32, #tpu.memory_space<hbm>>
        %dma_wait3A_103 = arith.constant 0 : i32
        %dma_wait3A_104 = arith.constant 0 : i32
        %dma_wait3A_105 = tpu.memref_slice %arg2[%dma_wait3A_103, %dma_wait3A_104] : memref<10240x128xf32, #tpu.memory_space<hbm>> -> memref<128x128xf32, #tpu.memory_space<hbm>>
        tpu.wait_dma2 semaphore(%arg20 : memref<!tpu.dma_semaphore, #tpu.memory_space<semaphore_mem>>) src(%dma_wait3A_105 : memref<128x128xf32, #tpu.memory_space<hbm>>) dst(%arg13 : memref<128x128xf32, #tpu.memory_space<vmem>>)
        %dma_start3A_106 = arith.constant 1 : i32
        %dma_start3A_107 = arith.constant 0 : i32
        %dma_start3A_108 = tpu.memref_slice %arg9[%dma_start3A_106, %dma_start3A_107] : memref<2x128xi32, #tpu.memory_space<vmem>> -> memref<1x128xi32, #tpu.memory_space<vmem>>
        %dma_start3A_109 = tpu.memref_squeeze %dma_start3A_108 : memref<1x128xi32, #tpu.memory_space<vmem>> -> memref<128xi32, #tpu.memory_space<vmem>>
        %dma_start3A_110 = arith.constant 0 : i32
        %dma_start3A_111 = arith.constant 0 : i32
        %dma_start3A_112 = tpu.memref_slice %arg14[%dma_start3A_110, %dma_start3A_111] : memref<10240x128xf32, #tpu.memory_space<vmem_shared>> -> memref<10240x128xf32, #tpu.memory_space<vmem_shared>>
        tpu.enqueue_indirect_dma source(%arg13 : memref<128x128xf32, #tpu.memory_space<vmem>>) target(%dma_start3A_112 : memref<10240x128xf32, #tpu.memory_space<vmem_shared>>) offsets(%dma_start3A_109 : memref<128xi32, #tpu.memory_space<vmem>>) semaphore(%arg22 : memref<!tpu.dma_semaphore, #tpu.memory_space<semaphore_mem>>) {add = true}
        %ge3A_113 = arith.constant 1 : i32
        %ge3A_114 = arith.cmpi sge, %add3A_99, %ge3A_113 : i32
        %convert_element_type3A_115 = arith.extui %ge3A_114 : i1 to i32
        %cond3A_116 = arith.constant 0 : i32
        %cond3A_117 = arith.cmpi ne, %convert_element_type3A_115, %cond3A_116 : i32
        scf.if %cond3A_117 {
          %dma_wait3A_204 = arith.constant 0 : i32
          %dma_wait3A_205 = arith.constant 0 : i32
          %dma_wait3A_206 = tpu.memref_slice %arg2[%dma_wait3A_204, %dma_wait3A_205] : memref<10240x128xf32, #tpu.memory_space<hbm>> -> memref<128x128xf32, #tpu.memory_space<hbm>>
          %dma_wait3A_207 = arith.constant 0 : i32
          %dma_wait3A_208 = arith.constant 0 : i32
          %dma_wait3A_209 = tpu.memref_slice %arg2[%dma_wait3A_207, %dma_wait3A_208] : memref<10240x128xf32, #tpu.memory_space<hbm>> -> memref<128x128xf32, #tpu.memory_space<hbm>>
          tpu.wait_dma2 semaphore(%arg21 : memref<!tpu.dma_semaphore, #tpu.memory_space<semaphore_mem>>) src(%dma_wait3A_209 : memref<128x128xf32, #tpu.memory_space<hbm>>) dst(%arg12 : memref<128x128xf32, #tpu.memory_space<vmem>>)
        } else {
        }
        %add3A_118 = arith.constant 2 : i32
        %add3A_119 = arith.addi %add3A_99, %add3A_118 : i32
        %lt3A_120 = arith.constant 80 : i32
        %lt3A_121 = arith.cmpi slt, %add3A_119, %lt3A_120 : i32
        %convert_element_type3A_122 = arith.extui %lt3A_121 : i1 to i32
        %cond3A_123 = arith.constant 0 : i32
        %cond3A_124 = arith.cmpi ne, %convert_element_type3A_122, %cond3A_123 : i32
        scf.if %cond3A_124 {
          %add3A_204 = arith.constant 2 : i32
          %add3A_205 = arith.addi %add3A_99, %add3A_204 : i32
          %add3A_206 = arith.addi %mul3A_4, %add3A_205 : i32
          %dma_start3A_207 = arith.constant 0 : i32
          %dma_start3A_208 = arith.constant 0 : i32
          %dma_start3A_209 = tpu.memref_slice %arg4[%add3A_206, %dma_start3A_207, %dma_start3A_208] : memref<1280x2x128xi32, #tpu.memory_space<hbm>> -> memref<1x2x128xi32, #tpu.memory_space<hbm>>
          %dma_start3A_210 = tpu.memref_squeeze %dma_start3A_209 : memref<1x2x128xi32, #tpu.memory_space<hbm>> -> memref<2x128xi32, #tpu.memory_space<hbm>>
          %dma_start3A_211 = arith.constant 0 : i32
          %dma_start3A_212 = arith.constant 0 : i32
          %dma_start3A_213 = tpu.memref_slice %arg4[%add3A_206, %dma_start3A_211, %dma_start3A_212] : memref<1280x2x128xi32, #tpu.memory_space<hbm>> -> memref<1x2x128xi32, #tpu.memory_space<hbm>>
          %dma_start3A_214 = tpu.memref_squeeze %dma_start3A_213 : memref<1x2x128xi32, #tpu.memory_space<hbm>> -> memref<2x128xi32, #tpu.memory_space<hbm>>
          tpu.enqueue_dma source(%dma_start3A_214 : memref<2x128xi32, #tpu.memory_space<hbm>>) target(%arg11 : memref<2x128xi32, #tpu.memory_space<vmem>>) target_semaphore(%arg18 : memref<!tpu.dma_semaphore, #tpu.memory_space<semaphore_mem>>)
        } else {
        }
        %add3A_125 = arith.constant 1 : i32
        %add3A_126 = arith.addi %add3A_99, %add3A_125 : i32
        %lt3A_127 = arith.constant 80 : i32
        %lt3A_128 = arith.cmpi slt, %add3A_126, %lt3A_127 : i32
        %convert_element_type3A_129 = arith.extui %lt3A_128 : i1 to i32
        %cond3A_130 = arith.constant 0 : i32
        %cond3A_131 = arith.cmpi ne, %convert_element_type3A_129, %cond3A_130 : i32
        scf.if %cond3A_131 {
          %dma_wait3A_204 = arith.constant 0 : i32
          %dma_wait3A_205 = arith.constant 0 : i32
          %dma_wait3A_206 = arith.constant 0 : i32
          %dma_wait3A_207 = tpu.memref_slice %arg4[%dma_wait3A_204, %dma_wait3A_205, %dma_wait3A_206] : memref<1280x2x128xi32, #tpu.memory_space<hbm>> -> memref<1x2x128xi32, #tpu.memory_space<hbm>>
          %dma_wait3A_208 = tpu.memref_squeeze %dma_wait3A_207 : memref<1x2x128xi32, #tpu.memory_space<hbm>> -> memref<2x128xi32, #tpu.memory_space<hbm>>
          %dma_wait3A_209 = arith.constant 0 : i32
          %dma_wait3A_210 = arith.constant 0 : i32
          %dma_wait3A_211 = tpu.memref_slice %arg4[%dma_wait3A_204, %dma_wait3A_209, %dma_wait3A_210] : memref<1280x2x128xi32, #tpu.memory_space<hbm>> -> memref<1x2x128xi32, #tpu.memory_space<hbm>>
          %dma_wait3A_212 = tpu.memref_squeeze %dma_wait3A_211 : memref<1x2x128xi32, #tpu.memory_space<hbm>> -> memref<2x128xi32, #tpu.memory_space<hbm>>
          tpu.wait_dma2 semaphore(%arg17 : memref<!tpu.dma_semaphore, #tpu.memory_space<semaphore_mem>>) src(%dma_wait3A_212 : memref<2x128xi32, #tpu.memory_space<hbm>>) dst(%arg10 : memref<2x128xi32, #tpu.memory_space<vmem>>)
          %dma_start3A_213 = arith.constant 0 : i32
          %dma_start3A_214 = arith.constant 0 : i32
          %dma_start3A_215 = tpu.memref_slice %arg10[%dma_start3A_213, %dma_start3A_214] : memref<2x128xi32, #tpu.memory_space<vmem>> -> memref<1x128xi32, #tpu.memory_space<vmem>>
          %dma_start3A_216 = tpu.memref_squeeze %dma_start3A_215 : memref<1x128xi32, #tpu.memory_space<vmem>> -> memref<128xi32, #tpu.memory_space<vmem>>
          %dma_start3A_217 = arith.constant 0 : i32
          %dma_start3A_218 = arith.constant 0 : i32
          %dma_start3A_219 = tpu.memref_slice %arg2[%dma_start3A_217, %dma_start3A_218] : memref<10240x128xf32, #tpu.memory_space<hbm>> -> memref<10240x128xf32, #tpu.memory_space<hbm>>
          tpu.enqueue_indirect_dma source(%dma_start3A_219 : memref<10240x128xf32, #tpu.memory_space<hbm>>) target(%arg12 : memref<128x128xf32, #tpu.memory_space<vmem>>) offsets(%dma_start3A_216 : memref<128xi32, #tpu.memory_space<vmem>>) semaphore(%arg19 : memref<!tpu.dma_semaphore, #tpu.memory_space<semaphore_mem>>)
        } else {
        }
        %mul3A_132 = arith.constant 4 : i32
        %mul3A_133 = arith.muli %mul3A_132, %scan3A_61 : i32
        %add3A_134 = arith.constant 2 : i32
        %add3A_135 = arith.addi %mul3A_133, %add3A_134 : i32
        %dma_wait3A_136 = arith.constant 0 : i32
        %dma_wait3A_137 = arith.constant 0 : i32
        %dma_wait3A_138 = tpu.memref_slice %arg2[%dma_wait3A_136, %dma_wait3A_137] : memref<10240x128xf32, #tpu.memory_space<hbm>> -> memref<128x128xf32, #tpu.memory_space<hbm>>
        %dma_wait3A_139 = arith.constant 0 : i32
        %dma_wait3A_140 = arith.constant 0 : i32
        %dma_wait3A_141 = tpu.memref_slice %arg2[%dma_wait3A_139, %dma_wait3A_140] : memref<10240x128xf32, #tpu.memory_space<hbm>> -> memref<128x128xf32, #tpu.memory_space<hbm>>
        tpu.wait_dma2 semaphore(%arg19 : memref<!tpu.dma_semaphore, #tpu.memory_space<semaphore_mem>>) src(%dma_wait3A_141 : memref<128x128xf32, #tpu.memory_space<hbm>>) dst(%arg12 : memref<128x128xf32, #tpu.memory_space<vmem>>)
        %dma_start3A_142 = arith.constant 1 : i32
        %dma_start3A_143 = arith.constant 0 : i32
        %dma_start3A_144 = tpu.memref_slice %arg10[%dma_start3A_142, %dma_start3A_143] : memref<2x128xi32, #tpu.memory_space<vmem>> -> memref<1x128xi32, #tpu.memory_space<vmem>>
        %dma_start3A_145 = tpu.memref_squeeze %dma_start3A_144 : memref<1x128xi32, #tpu.memory_space<vmem>> -> memref<128xi32, #tpu.memory_space<vmem>>
        %dma_start3A_146 = arith.constant 0 : i32
        %dma_start3A_147 = arith.constant 0 : i32
        %dma_start3A_148 = tpu.memref_slice %arg14[%dma_start3A_146, %dma_start3A_147] : memref<10240x128xf32, #tpu.memory_space<vmem_shared>> -> memref<10240x128xf32, #tpu.memory_space<vmem_shared>>
        tpu.enqueue_indirect_dma source(%arg12 : memref<128x128xf32, #tpu.memory_space<vmem>>) target(%dma_start3A_148 : memref<10240x128xf32, #tpu.memory_space<vmem_shared>>) offsets(%dma_start3A_145 : memref<128xi32, #tpu.memory_space<vmem>>) semaphore(%arg21 : memref<!tpu.dma_semaphore, #tpu.memory_space<semaphore_mem>>) {add = true}
        %ge3A_149 = arith.constant 1 : i32
        %ge3A_150 = arith.cmpi sge, %add3A_135, %ge3A_149 : i32
        %convert_element_type3A_151 = arith.extui %ge3A_150 : i1 to i32
        %cond3A_152 = arith.constant 0 : i32
        %cond3A_153 = arith.cmpi ne, %convert_element_type3A_151, %cond3A_152 : i32
        scf.if %cond3A_153 {
          %dma_wait3A_204 = arith.constant 0 : i32
          %dma_wait3A_205 = arith.constant 0 : i32
          %dma_wait3A_206 = tpu.memref_slice %arg2[%dma_wait3A_204, %dma_wait3A_205] : memref<10240x128xf32, #tpu.memory_space<hbm>> -> memref<128x128xf32, #tpu.memory_space<hbm>>
          %dma_wait3A_207 = arith.constant 0 : i32
          %dma_wait3A_208 = arith.constant 0 : i32
          %dma_wait3A_209 = tpu.memref_slice %arg2[%dma_wait3A_207, %dma_wait3A_208] : memref<10240x128xf32, #tpu.memory_space<hbm>> -> memref<128x128xf32, #tpu.memory_space<hbm>>
          tpu.wait_dma2 semaphore(%arg22 : memref<!tpu.dma_semaphore, #tpu.memory_space<semaphore_mem>>) src(%dma_wait3A_209 : memref<128x128xf32, #tpu.memory_space<hbm>>) dst(%arg13 : memref<128x128xf32, #tpu.memory_space<vmem>>)
        } else {
        }
        %add3A_154 = arith.constant 2 : i32
        %add3A_155 = arith.addi %add3A_135, %add3A_154 : i32
        %lt3A_156 = arith.constant 80 : i32
        %lt3A_157 = arith.cmpi slt, %add3A_155, %lt3A_156 : i32
        %convert_element_type3A_158 = arith.extui %lt3A_157 : i1 to i32
        %cond3A_159 = arith.constant 0 : i32
        %cond3A_160 = arith.cmpi ne, %convert_element_type3A_158, %cond3A_159 : i32
        scf.if %cond3A_160 {
          %add3A_204 = arith.constant 2 : i32
          %add3A_205 = arith.addi %add3A_135, %add3A_204 : i32
          %add3A_206 = arith.addi %mul3A_4, %add3A_205 : i32
          %dma_start3A_207 = arith.constant 0 : i32
          %dma_start3A_208 = arith.constant 0 : i32
          %dma_start3A_209 = tpu.memref_slice %arg4[%add3A_206, %dma_start3A_207, %dma_start3A_208] : memref<1280x2x128xi32, #tpu.memory_space<hbm>> -> memref<1x2x128xi32, #tpu.memory_space<hbm>>
          %dma_start3A_210 = tpu.memref_squeeze %dma_start3A_209 : memref<1x2x128xi32, #tpu.memory_space<hbm>> -> memref<2x128xi32, #tpu.memory_space<hbm>>
          %dma_start3A_211 = arith.constant 0 : i32
          %dma_start3A_212 = arith.constant 0 : i32
          %dma_start3A_213 = tpu.memref_slice %arg4[%add3A_206, %dma_start3A_211, %dma_start3A_212] : memref<1280x2x128xi32, #tpu.memory_space<hbm>> -> memref<1x2x128xi32, #tpu.memory_space<hbm>>
          %dma_start3A_214 = tpu.memref_squeeze %dma_start3A_213 : memref<1x2x128xi32, #tpu.memory_space<hbm>> -> memref<2x128xi32, #tpu.memory_space<hbm>>
          tpu.enqueue_dma source(%dma_start3A_214 : memref<2x128xi32, #tpu.memory_space<hbm>>) target(%arg8 : memref<2x128xi32, #tpu.memory_space<vmem>>) target_semaphore(%arg15 : memref<!tpu.dma_semaphore, #tpu.memory_space<semaphore_mem>>)
        } else {
        }
        %add3A_161 = arith.constant 1 : i32
        %add3A_162 = arith.addi %add3A_135, %add3A_161 : i32
        %lt3A_163 = arith.constant 80 : i32
        %lt3A_164 = arith.cmpi slt, %add3A_162, %lt3A_163 : i32
        %convert_element_type3A_165 = arith.extui %lt3A_164 : i1 to i32
        %cond3A_166 = arith.constant 0 : i32
        %cond3A_167 = arith.cmpi ne, %convert_element_type3A_165, %cond3A_166 : i32
        scf.if %cond3A_167 {
          %dma_wait3A_204 = arith.constant 0 : i32
          %dma_wait3A_205 = arith.constant 0 : i32
          %dma_wait3A_206 = arith.constant 0 : i32
          %dma_wait3A_207 = tpu.memref_slice %arg4[%dma_wait3A_204, %dma_wait3A_205, %dma_wait3A_206] : memref<1280x2x128xi32, #tpu.memory_space<hbm>> -> memref<1x2x128xi32, #tpu.memory_space<hbm>>
          %dma_wait3A_208 = tpu.memref_squeeze %dma_wait3A_207 : memref<1x2x128xi32, #tpu.memory_space<hbm>> -> memref<2x128xi32, #tpu.memory_space<hbm>>
          %dma_wait3A_209 = arith.constant 0 : i32
          %dma_wait3A_210 = arith.constant 0 : i32
          %dma_wait3A_211 = tpu.memref_slice %arg4[%dma_wait3A_204, %dma_wait3A_209, %dma_wait3A_210] : memref<1280x2x128xi32, #tpu.memory_space<hbm>> -> memref<1x2x128xi32, #tpu.memory_space<hbm>>
          %dma_wait3A_212 = tpu.memref_squeeze %dma_wait3A_211 : memref<1x2x128xi32, #tpu.memory_space<hbm>> -> memref<2x128xi32, #tpu.memory_space<hbm>>
          tpu.wait_dma2 semaphore(%arg18 : memref<!tpu.dma_semaphore, #tpu.memory_space<semaphore_mem>>) src(%dma_wait3A_212 : memref<2x128xi32, #tpu.memory_space<hbm>>) dst(%arg11 : memref<2x128xi32, #tpu.memory_space<vmem>>)
          %dma_start3A_213 = arith.constant 0 : i32
          %dma_start3A_214 = arith.constant 0 : i32
          %dma_start3A_215 = tpu.memref_slice %arg11[%dma_start3A_213, %dma_start3A_214] : memref<2x128xi32, #tpu.memory_space<vmem>> -> memref<1x128xi32, #tpu.memory_space<vmem>>
          %dma_start3A_216 = tpu.memref_squeeze %dma_start3A_215 : memref<1x128xi32, #tpu.memory_space<vmem>> -> memref<128xi32, #tpu.memory_space<vmem>>
          %dma_start3A_217 = arith.constant 0 : i32
          %dma_start3A_218 = arith.constant 0 : i32
          %dma_start3A_219 = tpu.memref_slice %arg2[%dma_start3A_217, %dma_start3A_218] : memref<10240x128xf32, #tpu.memory_space<hbm>> -> memref<10240x128xf32, #tpu.memory_space<hbm>>
          tpu.enqueue_indirect_dma source(%dma_start3A_219 : memref<10240x128xf32, #tpu.memory_space<hbm>>) target(%arg13 : memref<128x128xf32, #tpu.memory_space<vmem>>) offsets(%dma_start3A_216 : memref<128xi32, #tpu.memory_space<vmem>>) semaphore(%arg20 : memref<!tpu.dma_semaphore, #tpu.memory_space<semaphore_mem>>)
        } else {
        }
        %mul3A_168 = arith.constant 4 : i32
        %mul3A_169 = arith.muli %mul3A_168, %scan3A_61 : i32
        %add3A_170 = arith.constant 3 : i32
        %add3A_171 = arith.addi %mul3A_169, %add3A_170 : i32
        %dma_wait3A_172 = arith.constant 0 : i32
        %dma_wait3A_173 = arith.constant 0 : i32
        %dma_wait3A_174 = tpu.memref_slice %arg2[%dma_wait3A_172, %dma_wait3A_173] : memref<10240x128xf32, #tpu.memory_space<hbm>> -> memref<128x128xf32, #tpu.memory_space<hbm>>
        %dma_wait3A_175 = arith.constant 0 : i32
        %dma_wait3A_176 = arith.constant 0 : i32
        %dma_wait3A_177 = tpu.memref_slice %arg2[%dma_wait3A_175, %dma_wait3A_176] : memref<10240x128xf32, #tpu.memory_space<hbm>> -> memref<128x128xf32, #tpu.memory_space<hbm>>
        tpu.wait_dma2 semaphore(%arg20 : memref<!tpu.dma_semaphore, #tpu.memory_space<semaphore_mem>>) src(%dma_wait3A_177 : memref<128x128xf32, #tpu.memory_space<hbm>>) dst(%arg13 : memref<128x128xf32, #tpu.memory_space<vmem>>)
        %dma_start3A_178 = arith.constant 1 : i32
        %dma_start3A_179 = arith.constant 0 : i32
        %dma_start3A_180 = tpu.memref_slice %arg11[%dma_start3A_178, %dma_start3A_179] : memref<2x128xi32, #tpu.memory_space<vmem>> -> memref<1x128xi32, #tpu.memory_space<vmem>>
        %dma_start3A_181 = tpu.memref_squeeze %dma_start3A_180 : memref<1x128xi32, #tpu.memory_space<vmem>> -> memref<128xi32, #tpu.memory_space<vmem>>
        %dma_start3A_182 = arith.constant 0 : i32
        %dma_start3A_183 = arith.constant 0 : i32
        %dma_start3A_184 = tpu.memref_slice %arg14[%dma_start3A_182, %dma_start3A_183] : memref<10240x128xf32, #tpu.memory_space<vmem_shared>> -> memref<10240x128xf32, #tpu.memory_space<vmem_shared>>
        tpu.enqueue_indirect_dma source(%arg13 : memref<128x128xf32, #tpu.memory_space<vmem>>) target(%dma_start3A_184 : memref<10240x128xf32, #tpu.memory_space<vmem_shared>>) offsets(%dma_start3A_181 : memref<128xi32, #tpu.memory_space<vmem>>) semaphore(%arg22 : memref<!tpu.dma_semaphore, #tpu.memory_space<semaphore_mem>>) {add = true}
        %ge3A_185 = arith.constant 1 : i32
        %ge3A_186 = arith.cmpi sge, %add3A_171, %ge3A_185 : i32
        %convert_element_type3A_187 = arith.extui %ge3A_186 : i1 to i32
        %cond3A_188 = arith.constant 0 : i32
        %cond3A_189 = arith.cmpi ne, %convert_element_type3A_187, %cond3A_188 : i32
        scf.if %cond3A_189 {
          %dma_wait3A_204 = arith.constant 0 : i32
          %dma_wait3A_205 = arith.constant 0 : i32
          %dma_wait3A_206 = tpu.memref_slice %arg2[%dma_wait3A_204, %dma_wait3A_205] : memref<10240x128xf32, #tpu.memory_space<hbm>> -> memref<128x128xf32, #tpu.memory_space<hbm>>
          %dma_wait3A_207 = arith.constant 0 : i32
          %dma_wait3A_208 = arith.constant 0 : i32
          %dma_wait3A_209 = tpu.memref_slice %arg2[%dma_wait3A_207, %dma_wait3A_208] : memref<10240x128xf32, #tpu.memory_space<hbm>> -> memref<128x128xf32, #tpu.memory_space<hbm>>
          tpu.wait_dma2 semaphore(%arg21 : memref<!tpu.dma_semaphore, #tpu.memory_space<semaphore_mem>>) src(%dma_wait3A_209 : memref<128x128xf32, #tpu.memory_space<hbm>>) dst(%arg12 : memref<128x128xf32, #tpu.memory_space<vmem>>)
        } else {
        }
        %add3A_190 = arith.constant 2 : i32
        %add3A_191 = arith.addi %add3A_171, %add3A_190 : i32
        %lt3A_192 = arith.constant 80 : i32
        %lt3A_193 = arith.cmpi slt, %add3A_191, %lt3A_192 : i32
        %convert_element_type3A_194 = arith.extui %lt3A_193 : i1 to i32
        %cond3A_195 = arith.constant 0 : i32
        %cond3A_196 = arith.cmpi ne, %convert_element_type3A_194, %cond3A_195 : i32
        scf.if %cond3A_196 {
          %add3A_204 = arith.constant 2 : i32
          %add3A_205 = arith.addi %add3A_171, %add3A_204 : i32
          %add3A_206 = arith.addi %mul3A_4, %add3A_205 : i32
          %dma_start3A_207 = arith.constant 0 : i32
          %dma_start3A_208 = arith.constant 0 : i32
          %dma_start3A_209 = tpu.memref_slice %arg4[%add3A_206, %dma_start3A_207, %dma_start3A_208] : memref<1280x2x128xi32, #tpu.memory_space<hbm>> -> memref<1x2x128xi32, #tpu.memory_space<hbm>>
          %dma_start3A_210 = tpu.memref_squeeze %dma_start3A_209 : memref<1x2x128xi32, #tpu.memory_space<hbm>> -> memref<2x128xi32, #tpu.memory_space<hbm>>
          %dma_start3A_211 = arith.constant 0 : i32
          %dma_start3A_212 = arith.constant 0 : i32
          %dma_start3A_213 = tpu.memref_slice %arg4[%add3A_206, %dma_start3A_211, %dma_start3A_212] : memref<1280x2x128xi32, #tpu.memory_space<hbm>> -> memref<1x2x128xi32, #tpu.memory_space<hbm>>
          %dma_start3A_214 = tpu.memref_squeeze %dma_start3A_213 : memref<1x2x128xi32, #tpu.memory_space<hbm>> -> memref<2x128xi32, #tpu.memory_space<hbm>>
          tpu.enqueue_dma source(%dma_start3A_214 : memref<2x128xi32, #tpu.memory_space<hbm>>) target(%arg9 : memref<2x128xi32, #tpu.memory_space<vmem>>) target_semaphore(%arg16 : memref<!tpu.dma_semaphore, #tpu.memory_space<semaphore_mem>>)
        } else {
        }
        %add3A_197 = arith.constant 1 : i32
        %add3A_198 = arith.addi %add3A_171, %add3A_197 : i32
        %lt3A_199 = arith.constant 80 : i32
        %lt3A_200 = arith.cmpi slt, %add3A_198, %lt3A_199 : i32
        %convert_element_type3A_201 = arith.extui %lt3A_200 : i1 to i32
        %cond3A_202 = arith.constant 0 : i32
        %cond3A_203 = arith.cmpi ne, %convert_element_type3A_201, %cond3A_202 : i32
        scf.if %cond3A_203 {
          %dma_wait3A_204 = arith.constant 0 : i32
          %dma_wait3A_205 = arith.constant 0 : i32
          %dma_wait3A_206 = arith.constant 0 : i32
          %dma_wait3A_207 = tpu.memref_slice %arg4[%dma_wait3A_204, %dma_wait3A_205, %dma_wait3A_206] : memref<1280x2x128xi32, #tpu.memory_space<hbm>> -> memref<1x2x128xi32, #tpu.memory_space<hbm>>
          %dma_wait3A_208 = tpu.memref_squeeze %dma_wait3A_207 : memref<1x2x128xi32, #tpu.memory_space<hbm>> -> memref<2x128xi32, #tpu.memory_space<hbm>>
          %dma_wait3A_209 = arith.constant 0 : i32
          %dma_wait3A_210 = arith.constant 0 : i32
          %dma_wait3A_211 = tpu.memref_slice %arg4[%dma_wait3A_204, %dma_wait3A_209, %dma_wait3A_210] : memref<1280x2x128xi32, #tpu.memory_space<hbm>> -> memref<1x2x128xi32, #tpu.memory_space<hbm>>
          %dma_wait3A_212 = tpu.memref_squeeze %dma_wait3A_211 : memref<1x2x128xi32, #tpu.memory_space<hbm>> -> memref<2x128xi32, #tpu.memory_space<hbm>>
          tpu.wait_dma2 semaphore(%arg15 : memref<!tpu.dma_semaphore, #tpu.memory_space<semaphore_mem>>) src(%dma_wait3A_212 : memref<2x128xi32, #tpu.memory_space<hbm>>) dst(%arg8 : memref<2x128xi32, #tpu.memory_space<vmem>>)
          %dma_start3A_213 = arith.constant 0 : i32
          %dma_start3A_214 = arith.constant 0 : i32
          %dma_start3A_215 = tpu.memref_slice %arg8[%dma_start3A_213, %dma_start3A_214] : memref<2x128xi32, #tpu.memory_space<vmem>> -> memref<1x128xi32, #tpu.memory_space<vmem>>
          %dma_start3A_216 = tpu.memref_squeeze %dma_start3A_215 : memref<1x128xi32, #tpu.memory_space<vmem>> -> memref<128xi32, #tpu.memory_space<vmem>>
          %dma_start3A_217 = arith.constant 0 : i32
          %dma_start3A_218 = arith.constant 0 : i32
          %dma_start3A_219 = tpu.memref_slice %arg2[%dma_start3A_217, %dma_start3A_218] : memref<10240x128xf32, #tpu.memory_space<hbm>> -> memref<10240x128xf32, #tpu.memory_space<hbm>>
          tpu.enqueue_indirect_dma source(%dma_start3A_219 : memref<10240x128xf32, #tpu.memory_space<hbm>>) target(%arg12 : memref<128x128xf32, #tpu.memory_space<vmem>>) offsets(%dma_start3A_216 : memref<128xi32, #tpu.memory_space<vmem>>) semaphore(%arg19 : memref<!tpu.dma_semaphore, #tpu.memory_space<semaphore_mem>>)
        } else {
        }
      }
      %scan3A_49 = arith.constant 20 : i32
      %dma_wait3A_50 = arith.constant 0 : i32
      %dma_wait3A_51 = arith.constant 0 : i32
      %dma_wait3A_52 = tpu.memref_slice %arg2[%dma_wait3A_50, %dma_wait3A_51] : memref<10240x128xf32, #tpu.memory_space<hbm>> -> memref<128x128xf32, #tpu.memory_space<hbm>>
      %dma_wait3A_53 = arith.constant 0 : i32
      %dma_wait3A_54 = arith.constant 0 : i32
      %dma_wait3A_55 = tpu.memref_slice %arg2[%dma_wait3A_53, %dma_wait3A_54] : memref<10240x128xf32, #tpu.memory_space<hbm>> -> memref<128x128xf32, #tpu.memory_space<hbm>>
      tpu.wait_dma2 semaphore(%arg22 : memref<!tpu.dma_semaphore, #tpu.memory_space<semaphore_mem>>) src(%dma_wait3A_55 : memref<128x128xf32, #tpu.memory_space<hbm>>) dst(%arg13 : memref<128x128xf32, #tpu.memory_space<vmem>>)
      %barrier3A_56 = arith.constant 0 : index
      tpu.barrier barrier_id(%barrier3A_56)
      %mul3A_57 = arith.constant 640 : i32
      %mul3A_58 = arith.muli %arg1, %mul3A_57 : i32
      %mul3A_59 = arith.constant 640 : i32
      %mul3A_60 = arith.muli %arg1, %mul3A_59 : i32
      "tpu.region"() ({
        %run_scoped3A = tpu.sem_alloc : memref<!tpu.dma_semaphore, #tpu.memory_space<semaphore_mem>>
        %dma_start3A_61 = arith.constant 0 : i32
        %dma_start3A_62 = tpu.memref_slice %arg6[%mul3A_60, %dma_start3A_61] : memref<10240x128xf32, #tpu.memory_space<hbm>> -> memref<640x128xf32, #tpu.memory_space<hbm>>
        %dma_start3A_63 = arith.constant 0 : i32
        %dma_start3A_64 = tpu.memref_slice %arg14[%mul3A_58, %dma_start3A_63] : memref<10240x128xf32, #tpu.memory_space<vmem_shared>> -> memref<640x128xf32, #tpu.memory_space<vmem_shared>>
        tpu.enqueue_dma source(%dma_start3A_64 : memref<640x128xf32, #tpu.memory_space<vmem_shared>>) target(%dma_start3A_62 : memref<640x128xf32, #tpu.memory_space<hbm>>) target_semaphore(%run_scoped3A : memref<!tpu.dma_semaphore, #tpu.memory_space<semaphore_mem>>)
        %dma_wait3A_65 = arith.constant 0 : i32
        %dma_wait3A_66 = tpu.memref_slice %arg6[%mul3A_60, %dma_wait3A_65] : memref<10240x128xf32, #tpu.memory_space<hbm>> -> memref<640x128xf32, #tpu.memory_space<hbm>>
        %dma_wait3A_67 = arith.constant 0 : i32
        %dma_wait3A_68 = tpu.memref_slice %arg14[%mul3A_58, %dma_wait3A_67] : memref<10240x128xf32, #tpu.memory_space<vmem_shared>> -> memref<640x128xf32, #tpu.memory_space<vmem_shared>>
        tpu.wait_dma2 semaphore(%run_scoped3A : memref<!tpu.dma_semaphore, #tpu.memory_space<semaphore_mem>>) src(%dma_wait3A_68 : memref<640x128xf32, #tpu.memory_space<vmem_shared>>) dst(%dma_wait3A_66 : memref<640x128xf32, #tpu.memory_space<hbm>>)
        tpu.yield
      }) : () -> ()
    } else {
    }
    %eq3A_7 = arith.constant 1 : i32
    %eq3A_8 = arith.cmpi eq, %arg0, %eq3A_7 : i32
    %convert_element_type3A_9 = arith.extui %eq3A_8 : i1 to i32
    %cond3A_10 = arith.constant 0 : i32
    %cond3A_11 = arith.cmpi ne, %convert_element_type3A_9, %cond3A_10 : i32
    scf.if %cond3A_11 {
      %add3A = arith.constant 0 : i32
      %add3A_12 = arith.addi %mul3A_4, %add3A : i32
      %dma_start3A = arith.constant 0 : i32
      %dma_start3A_13 = arith.constant 0 : i32
      %dma_start3A_14 = tpu.memref_slice %arg4[%add3A_12, %dma_start3A, %dma_start3A_13] : memref<1280x2x128xi32, #tpu.memory_space<hbm>> -> memref<1x2x128xi32, #tpu.memory_space<hbm>>
      %dma_start3A_15 = tpu.memref_squeeze %dma_start3A_14 : memref<1x2x128xi32, #tpu.memory_space<hbm>> -> memref<2x128xi32, #tpu.memory_space<hbm>>
      %dma_start3A_16 = arith.constant 0 : i32
      %dma_start3A_17 = arith.constant 0 : i32
      %dma_start3A_18 = tpu.memref_slice %arg4[%add3A_12, %dma_start3A_16, %dma_start3A_17] : memref<1280x2x128xi32, #tpu.memory_space<hbm>> -> memref<1x2x128xi32, #tpu.memory_space<hbm>>
      %dma_start3A_19 = tpu.memref_squeeze %dma_start3A_18 : memref<1x2x128xi32, #tpu.memory_space<hbm>> -> memref<2x128xi32, #tpu.memory_space<hbm>>
      tpu.enqueue_dma source(%dma_start3A_19 : memref<2x128xi32, #tpu.memory_space<hbm>>) target(%arg8 : memref<2x128xi32, #tpu.memory_space<vmem>>) target_semaphore(%arg15 : memref<!tpu.dma_semaphore, #tpu.memory_space<semaphore_mem>>)
      %add3A_20 = arith.constant 1 : i32
      %add3A_21 = arith.addi %mul3A_4, %add3A_20 : i32
      %dma_start3A_22 = arith.constant 0 : i32
      %dma_start3A_23 = arith.constant 0 : i32
      %dma_start3A_24 = tpu.memref_slice %arg4[%add3A_21, %dma_start3A_22, %dma_start3A_23] : memref<1280x2x128xi32, #tpu.memory_space<hbm>> -> memref<1x2x128xi32, #tpu.memory_space<hbm>>
      %dma_start3A_25 = tpu.memref_squeeze %dma_start3A_24 : memref<1x2x128xi32, #tpu.memory_space<hbm>> -> memref<2x128xi32, #tpu.memory_space<hbm>>
      %dma_start3A_26 = arith.constant 0 : i32
      %dma_start3A_27 = arith.constant 0 : i32
      %dma_start3A_28 = tpu.memref_slice %arg4[%add3A_21, %dma_start3A_26, %dma_start3A_27] : memref<1280x2x128xi32, #tpu.memory_space<hbm>> -> memref<1x2x128xi32, #tpu.memory_space<hbm>>
      %dma_start3A_29 = tpu.memref_squeeze %dma_start3A_28 : memref<1x2x128xi32, #tpu.memory_space<hbm>> -> memref<2x128xi32, #tpu.memory_space<hbm>>
      tpu.enqueue_dma source(%dma_start3A_29 : memref<2x128xi32, #tpu.memory_space<hbm>>) target(%arg9 : memref<2x128xi32, #tpu.memory_space<vmem>>) target_semaphore(%arg16 : memref<!tpu.dma_semaphore, #tpu.memory_space<semaphore_mem>>)
      %dma_wait3A = arith.constant 0 : i32
      %dma_wait3A_30 = arith.constant 0 : i32
      %dma_wait3A_31 = arith.constant 0 : i32
      %dma_wait3A_32 = tpu.memref_slice %arg4[%dma_wait3A, %dma_wait3A_30, %dma_wait3A_31] : memref<1280x2x128xi32, #tpu.memory_space<hbm>> -> memref<1x2x128xi32, #tpu.memory_space<hbm>>
      %dma_wait3A_33 = tpu.memref_squeeze %dma_wait3A_32 : memref<1x2x128xi32, #tpu.memory_space<hbm>> -> memref<2x128xi32, #tpu.memory_space<hbm>>
      %dma_wait3A_34 = arith.constant 0 : i32
      %dma_wait3A_35 = arith.constant 0 : i32
      %dma_wait3A_36 = tpu.memref_slice %arg4[%dma_wait3A, %dma_wait3A_34, %dma_wait3A_35] : memref<1280x2x128xi32, #tpu.memory_space<hbm>> -> memref<1x2x128xi32, #tpu.memory_space<hbm>>
      %dma_wait3A_37 = tpu.memref_squeeze %dma_wait3A_36 : memref<1x2x128xi32, #tpu.memory_space<hbm>> -> memref<2x128xi32, #tpu.memory_space<hbm>>
      tpu.wait_dma2 semaphore(%arg15 : memref<!tpu.dma_semaphore, #tpu.memory_space<semaphore_mem>>) src(%dma_wait3A_37 : memref<2x128xi32, #tpu.memory_space<hbm>>) dst(%arg8 : memref<2x128xi32, #tpu.memory_space<vmem>>)
      %dma_start3A_38 = arith.constant 0 : i32
      %dma_start3A_39 = arith.constant 0 : i32
      %dma_start3A_40 = tpu.memref_slice %arg8[%dma_start3A_38, %dma_start3A_39] : memref<2x128xi32, #tpu.memory_space<vmem>> -> memref<1x128xi32, #tpu.memory_space<vmem>>
      %dma_start3A_41 = tpu.memref_squeeze %dma_start3A_40 : memref<1x128xi32, #tpu.memory_space<vmem>> -> memref<128xi32, #tpu.memory_space<vmem>>
      %dma_start3A_42 = arith.constant 0 : i32
      %dma_start3A_43 = arith.constant 0 : i32
      %dma_start3A_44 = tpu.memref_slice %arg3[%dma_start3A_42, %dma_start3A_43] : memref<10240x128xf32, #tpu.memory_space<hbm>> -> memref<10240x128xf32, #tpu.memory_space<hbm>>
      tpu.enqueue_indirect_dma source(%dma_start3A_44 : memref<10240x128xf32, #tpu.memory_space<hbm>>) target(%arg12 : memref<128x128xf32, #tpu.memory_space<vmem>>) offsets(%dma_start3A_41 : memref<128xi32, #tpu.memory_space<vmem>>) semaphore(%arg19 : memref<!tpu.dma_semaphore, #tpu.memory_space<semaphore_mem>>)
      %scan3A = arith.constant 0 : i32
      %scan3A_45 = arith.constant 0 : i32
      %scan3A_46 = arith.constant 20 : i32
      %scan3A_47 = arith.addi %scan3A_45, %scan3A_46 : i32
      %scan3A_48 = arith.constant 1 : i32
      scf.for %scan3A_61 = %scan3A_45 to %scan3A_47 step %scan3A_48  : i32 {
        %mul3A_62 = arith.constant 4 : i32
        %mul3A_63 = arith.muli %mul3A_62, %scan3A_61 : i32
        %add3A_64 = arith.constant 0 : i32
        %add3A_65 = arith.addi %mul3A_63, %add3A_64 : i32
        %dma_wait3A_66 = arith.constant 0 : i32
        %dma_wait3A_67 = arith.constant 0 : i32
        %dma_wait3A_68 = tpu.memref_slice %arg3[%dma_wait3A_66, %dma_wait3A_67] : memref<10240x128xf32, #tpu.memory_space<hbm>> -> memref<128x128xf32, #tpu.memory_space<hbm>>
        %dma_wait3A_69 = arith.constant 0 : i32
        %dma_wait3A_70 = arith.constant 0 : i32
        %dma_wait3A_71 = tpu.memref_slice %arg3[%dma_wait3A_69, %dma_wait3A_70] : memref<10240x128xf32, #tpu.memory_space<hbm>> -> memref<128x128xf32, #tpu.memory_space<hbm>>
        tpu.wait_dma2 semaphore(%arg19 : memref<!tpu.dma_semaphore, #tpu.memory_space<semaphore_mem>>) src(%dma_wait3A_71 : memref<128x128xf32, #tpu.memory_space<hbm>>) dst(%arg12 : memref<128x128xf32, #tpu.memory_space<vmem>>)
        %dma_start3A_72 = arith.constant 1 : i32
        %dma_start3A_73 = arith.constant 0 : i32
        %dma_start3A_74 = tpu.memref_slice %arg8[%dma_start3A_72, %dma_start3A_73] : memref<2x128xi32, #tpu.memory_space<vmem>> -> memref<1x128xi32, #tpu.memory_space<vmem>>
        %dma_start3A_75 = tpu.memref_squeeze %dma_start3A_74 : memref<1x128xi32, #tpu.memory_space<vmem>> -> memref<128xi32, #tpu.memory_space<vmem>>
        %dma_start3A_76 = arith.constant 0 : i32
        %dma_start3A_77 = arith.constant 0 : i32
        %dma_start3A_78 = tpu.memref_slice %arg14[%dma_start3A_76, %dma_start3A_77] : memref<10240x128xf32, #tpu.memory_space<vmem_shared>> -> memref<10240x128xf32, #tpu.memory_space<vmem_shared>>
        tpu.enqueue_indirect_dma source(%arg12 : memref<128x128xf32, #tpu.memory_space<vmem>>) target(%dma_start3A_78 : memref<10240x128xf32, #tpu.memory_space<vmem_shared>>) offsets(%dma_start3A_75 : memref<128xi32, #tpu.memory_space<vmem>>) semaphore(%arg21 : memref<!tpu.dma_semaphore, #tpu.memory_space<semaphore_mem>>) {add = true}
        %ge3A = arith.constant 1 : i32
        %ge3A_79 = arith.cmpi sge, %add3A_65, %ge3A : i32
        %convert_element_type3A_80 = arith.extui %ge3A_79 : i1 to i32
        %cond3A_81 = arith.constant 0 : i32
        %cond3A_82 = arith.cmpi ne, %convert_element_type3A_80, %cond3A_81 : i32
        scf.if %cond3A_82 {
          %dma_wait3A_204 = arith.constant 0 : i32
          %dma_wait3A_205 = arith.constant 0 : i32
          %dma_wait3A_206 = tpu.memref_slice %arg3[%dma_wait3A_204, %dma_wait3A_205] : memref<10240x128xf32, #tpu.memory_space<hbm>> -> memref<128x128xf32, #tpu.memory_space<hbm>>
          %dma_wait3A_207 = arith.constant 0 : i32
          %dma_wait3A_208 = arith.constant 0 : i32
          %dma_wait3A_209 = tpu.memref_slice %arg3[%dma_wait3A_207, %dma_wait3A_208] : memref<10240x128xf32, #tpu.memory_space<hbm>> -> memref<128x128xf32, #tpu.memory_space<hbm>>
          tpu.wait_dma2 semaphore(%arg22 : memref<!tpu.dma_semaphore, #tpu.memory_space<semaphore_mem>>) src(%dma_wait3A_209 : memref<128x128xf32, #tpu.memory_space<hbm>>) dst(%arg13 : memref<128x128xf32, #tpu.memory_space<vmem>>)
        } else {
        }
        %add3A_83 = arith.constant 2 : i32
        %add3A_84 = arith.addi %add3A_65, %add3A_83 : i32
        %lt3A = arith.constant 80 : i32
        %lt3A_85 = arith.cmpi slt, %add3A_84, %lt3A : i32
        %convert_element_type3A_86 = arith.extui %lt3A_85 : i1 to i32
        %cond3A_87 = arith.constant 0 : i32
        %cond3A_88 = arith.cmpi ne, %convert_element_type3A_86, %cond3A_87 : i32
        scf.if %cond3A_88 {
          %add3A_204 = arith.constant 2 : i32
          %add3A_205 = arith.addi %add3A_65, %add3A_204 : i32
          %add3A_206 = arith.addi %mul3A_4, %add3A_205 : i32
          %dma_start3A_207 = arith.constant 0 : i32
          %dma_start3A_208 = arith.constant 0 : i32
          %dma_start3A_209 = tpu.memref_slice %arg4[%add3A_206, %dma_start3A_207, %dma_start3A_208] : memref<1280x2x128xi32, #tpu.memory_space<hbm>> -> memref<1x2x128xi32, #tpu.memory_space<hbm>>
          %dma_start3A_210 = tpu.memref_squeeze %dma_start3A_209 : memref<1x2x128xi32, #tpu.memory_space<hbm>> -> memref<2x128xi32, #tpu.memory_space<hbm>>
          %dma_start3A_211 = arith.constant 0 : i32
          %dma_start3A_212 = arith.constant 0 : i32
          %dma_start3A_213 = tpu.memref_slice %arg4[%add3A_206, %dma_start3A_211, %dma_start3A_212] : memref<1280x2x128xi32, #tpu.memory_space<hbm>> -> memref<1x2x128xi32, #tpu.memory_space<hbm>>
          %dma_start3A_214 = tpu.memref_squeeze %dma_start3A_213 : memref<1x2x128xi32, #tpu.memory_space<hbm>> -> memref<2x128xi32, #tpu.memory_space<hbm>>
          tpu.enqueue_dma source(%dma_start3A_214 : memref<2x128xi32, #tpu.memory_space<hbm>>) target(%arg10 : memref<2x128xi32, #tpu.memory_space<vmem>>) target_semaphore(%arg17 : memref<!tpu.dma_semaphore, #tpu.memory_space<semaphore_mem>>)
        } else {
        }
        %add3A_89 = arith.constant 1 : i32
        %add3A_90 = arith.addi %add3A_65, %add3A_89 : i32
        %lt3A_91 = arith.constant 80 : i32
        %lt3A_92 = arith.cmpi slt, %add3A_90, %lt3A_91 : i32
        %convert_element_type3A_93 = arith.extui %lt3A_92 : i1 to i32
        %cond3A_94 = arith.constant 0 : i32
        %cond3A_95 = arith.cmpi ne, %convert_element_type3A_93, %cond3A_94 : i32
        scf.if %cond3A_95 {
          %dma_wait3A_204 = arith.constant 0 : i32
          %dma_wait3A_205 = arith.constant 0 : i32
          %dma_wait3A_206 = arith.constant 0 : i32
          %dma_wait3A_207 = tpu.memref_slice %arg4[%dma_wait3A_204, %dma_wait3A_205, %dma_wait3A_206] : memref<1280x2x128xi32, #tpu.memory_space<hbm>> -> memref<1x2x128xi32, #tpu.memory_space<hbm>>
          %dma_wait3A_208 = tpu.memref_squeeze %dma_wait3A_207 : memref<1x2x128xi32, #tpu.memory_space<hbm>> -> memref<2x128xi32, #tpu.memory_space<hbm>>
          %dma_wait3A_209 = arith.constant 0 : i32
          %dma_wait3A_210 = arith.constant 0 : i32
          %dma_wait3A_211 = tpu.memref_slice %arg4[%dma_wait3A_204, %dma_wait3A_209, %dma_wait3A_210] : memref<1280x2x128xi32, #tpu.memory_space<hbm>> -> memref<1x2x128xi32, #tpu.memory_space<hbm>>
          %dma_wait3A_212 = tpu.memref_squeeze %dma_wait3A_211 : memref<1x2x128xi32, #tpu.memory_space<hbm>> -> memref<2x128xi32, #tpu.memory_space<hbm>>
          tpu.wait_dma2 semaphore(%arg16 : memref<!tpu.dma_semaphore, #tpu.memory_space<semaphore_mem>>) src(%dma_wait3A_212 : memref<2x128xi32, #tpu.memory_space<hbm>>) dst(%arg9 : memref<2x128xi32, #tpu.memory_space<vmem>>)
          %dma_start3A_213 = arith.constant 0 : i32
          %dma_start3A_214 = arith.constant 0 : i32
          %dma_start3A_215 = tpu.memref_slice %arg9[%dma_start3A_213, %dma_start3A_214] : memref<2x128xi32, #tpu.memory_space<vmem>> -> memref<1x128xi32, #tpu.memory_space<vmem>>
          %dma_start3A_216 = tpu.memref_squeeze %dma_start3A_215 : memref<1x128xi32, #tpu.memory_space<vmem>> -> memref<128xi32, #tpu.memory_space<vmem>>
          %dma_start3A_217 = arith.constant 0 : i32
          %dma_start3A_218 = arith.constant 0 : i32
          %dma_start3A_219 = tpu.memref_slice %arg3[%dma_start3A_217, %dma_start3A_218] : memref<10240x128xf32, #tpu.memory_space<hbm>> -> memref<10240x128xf32, #tpu.memory_space<hbm>>
          tpu.enqueue_indirect_dma source(%dma_start3A_219 : memref<10240x128xf32, #tpu.memory_space<hbm>>) target(%arg13 : memref<128x128xf32, #tpu.memory_space<vmem>>) offsets(%dma_start3A_216 : memref<128xi32, #tpu.memory_space<vmem>>) semaphore(%arg20 : memref<!tpu.dma_semaphore, #tpu.memory_space<semaphore_mem>>)
        } else {
        }
        %mul3A_96 = arith.constant 4 : i32
        %mul3A_97 = arith.muli %mul3A_96, %scan3A_61 : i32
        %add3A_98 = arith.constant 1 : i32
        %add3A_99 = arith.addi %mul3A_97, %add3A_98 : i32
        %dma_wait3A_100 = arith.constant 0 : i32
        %dma_wait3A_101 = arith.constant 0 : i32
        %dma_wait3A_102 = tpu.memref_slice %arg3[%dma_wait3A_100, %dma_wait3A_101] : memref<10240x128xf32, #tpu.memory_space<hbm>> -> memref<128x128xf32, #tpu.memory_space<hbm>>
        %dma_wait3A_103 = arith.constant 0 : i32
        %dma_wait3A_104 = arith.constant 0 : i32
        %dma_wait3A_105 = tpu.memref_slice %arg3[%dma_wait3A_103, %dma_wait3A_104] : memref<10240x128xf32, #tpu.memory_space<hbm>> -> memref<128x128xf32, #tpu.memory_space<hbm>>
        tpu.wait_dma2 semaphore(%arg20 : memref<!tpu.dma_semaphore, #tpu.memory_space<semaphore_mem>>) src(%dma_wait3A_105 : memref<128x128xf32, #tpu.memory_space<hbm>>) dst(%arg13 : memref<128x128xf32, #tpu.memory_space<vmem>>)
        %dma_start3A_106 = arith.constant 1 : i32
        %dma_start3A_107 = arith.constant 0 : i32
        %dma_start3A_108 = tpu.memref_slice %arg9[%dma_start3A_106, %dma_start3A_107] : memref<2x128xi32, #tpu.memory_space<vmem>> -> memref<1x128xi32, #tpu.memory_space<vmem>>
        %dma_start3A_109 = tpu.memref_squeeze %dma_start3A_108 : memref<1x128xi32, #tpu.memory_space<vmem>> -> memref<128xi32, #tpu.memory_space<vmem>>
        %dma_start3A_110 = arith.constant 0 : i32
        %dma_start3A_111 = arith.constant 0 : i32
        %dma_start3A_112 = tpu.memref_slice %arg14[%dma_start3A_110, %dma_start3A_111] : memref<10240x128xf32, #tpu.memory_space<vmem_shared>> -> memref<10240x128xf32, #tpu.memory_space<vmem_shared>>
        tpu.enqueue_indirect_dma source(%arg13 : memref<128x128xf32, #tpu.memory_space<vmem>>) target(%dma_start3A_112 : memref<10240x128xf32, #tpu.memory_space<vmem_shared>>) offsets(%dma_start3A_109 : memref<128xi32, #tpu.memory_space<vmem>>) semaphore(%arg22 : memref<!tpu.dma_semaphore, #tpu.memory_space<semaphore_mem>>) {add = true}
        %ge3A_113 = arith.constant 1 : i32
        %ge3A_114 = arith.cmpi sge, %add3A_99, %ge3A_113 : i32
        %convert_element_type3A_115 = arith.extui %ge3A_114 : i1 to i32
        %cond3A_116 = arith.constant 0 : i32
        %cond3A_117 = arith.cmpi ne, %convert_element_type3A_115, %cond3A_116 : i32
        scf.if %cond3A_117 {
          %dma_wait3A_204 = arith.constant 0 : i32
          %dma_wait3A_205 = arith.constant 0 : i32
          %dma_wait3A_206 = tpu.memref_slice %arg3[%dma_wait3A_204, %dma_wait3A_205] : memref<10240x128xf32, #tpu.memory_space<hbm>> -> memref<128x128xf32, #tpu.memory_space<hbm>>
          %dma_wait3A_207 = arith.constant 0 : i32
          %dma_wait3A_208 = arith.constant 0 : i32
          %dma_wait3A_209 = tpu.memref_slice %arg3[%dma_wait3A_207, %dma_wait3A_208] : memref<10240x128xf32, #tpu.memory_space<hbm>> -> memref<128x128xf32, #tpu.memory_space<hbm>>
          tpu.wait_dma2 semaphore(%arg21 : memref<!tpu.dma_semaphore, #tpu.memory_space<semaphore_mem>>) src(%dma_wait3A_209 : memref<128x128xf32, #tpu.memory_space<hbm>>) dst(%arg12 : memref<128x128xf32, #tpu.memory_space<vmem>>)
        } else {
        }
        %add3A_118 = arith.constant 2 : i32
        %add3A_119 = arith.addi %add3A_99, %add3A_118 : i32
        %lt3A_120 = arith.constant 80 : i32
        %lt3A_121 = arith.cmpi slt, %add3A_119, %lt3A_120 : i32
        %convert_element_type3A_122 = arith.extui %lt3A_121 : i1 to i32
        %cond3A_123 = arith.constant 0 : i32
        %cond3A_124 = arith.cmpi ne, %convert_element_type3A_122, %cond3A_123 : i32
        scf.if %cond3A_124 {
          %add3A_204 = arith.constant 2 : i32
          %add3A_205 = arith.addi %add3A_99, %add3A_204 : i32
          %add3A_206 = arith.addi %mul3A_4, %add3A_205 : i32
          %dma_start3A_207 = arith.constant 0 : i32
          %dma_start3A_208 = arith.constant 0 : i32
          %dma_start3A_209 = tpu.memref_slice %arg4[%add3A_206, %dma_start3A_207, %dma_start3A_208] : memref<1280x2x128xi32, #tpu.memory_space<hbm>> -> memref<1x2x128xi32, #tpu.memory_space<hbm>>
          %dma_start3A_210 = tpu.memref_squeeze %dma_start3A_209 : memref<1x2x128xi32, #tpu.memory_space<hbm>> -> memref<2x128xi32, #tpu.memory_space<hbm>>
          %dma_start3A_211 = arith.constant 0 : i32
          %dma_start3A_212 = arith.constant 0 : i32
          %dma_start3A_213 = tpu.memref_slice %arg4[%add3A_206, %dma_start3A_211, %dma_start3A_212] : memref<1280x2x128xi32, #tpu.memory_space<hbm>> -> memref<1x2x128xi32, #tpu.memory_space<hbm>>
          %dma_start3A_214 = tpu.memref_squeeze %dma_start3A_213 : memref<1x2x128xi32, #tpu.memory_space<hbm>> -> memref<2x128xi32, #tpu.memory_space<hbm>>
          tpu.enqueue_dma source(%dma_start3A_214 : memref<2x128xi32, #tpu.memory_space<hbm>>) target(%arg11 : memref<2x128xi32, #tpu.memory_space<vmem>>) target_semaphore(%arg18 : memref<!tpu.dma_semaphore, #tpu.memory_space<semaphore_mem>>)
        } else {
        }
        %add3A_125 = arith.constant 1 : i32
        %add3A_126 = arith.addi %add3A_99, %add3A_125 : i32
        %lt3A_127 = arith.constant 80 : i32
        %lt3A_128 = arith.cmpi slt, %add3A_126, %lt3A_127 : i32
        %convert_element_type3A_129 = arith.extui %lt3A_128 : i1 to i32
        %cond3A_130 = arith.constant 0 : i32
        %cond3A_131 = arith.cmpi ne, %convert_element_type3A_129, %cond3A_130 : i32
        scf.if %cond3A_131 {
          %dma_wait3A_204 = arith.constant 0 : i32
          %dma_wait3A_205 = arith.constant 0 : i32
          %dma_wait3A_206 = arith.constant 0 : i32
          %dma_wait3A_207 = tpu.memref_slice %arg4[%dma_wait3A_204, %dma_wait3A_205, %dma_wait3A_206] : memref<1280x2x128xi32, #tpu.memory_space<hbm>> -> memref<1x2x128xi32, #tpu.memory_space<hbm>>
          %dma_wait3A_208 = tpu.memref_squeeze %dma_wait3A_207 : memref<1x2x128xi32, #tpu.memory_space<hbm>> -> memref<2x128xi32, #tpu.memory_space<hbm>>
          %dma_wait3A_209 = arith.constant 0 : i32
          %dma_wait3A_210 = arith.constant 0 : i32
          %dma_wait3A_211 = tpu.memref_slice %arg4[%dma_wait3A_204, %dma_wait3A_209, %dma_wait3A_210] : memref<1280x2x128xi32, #tpu.memory_space<hbm>> -> memref<1x2x128xi32, #tpu.memory_space<hbm>>
          %dma_wait3A_212 = tpu.memref_squeeze %dma_wait3A_211 : memref<1x2x128xi32, #tpu.memory_space<hbm>> -> memref<2x128xi32, #tpu.memory_space<hbm>>
          tpu.wait_dma2 semaphore(%arg17 : memref<!tpu.dma_semaphore, #tpu.memory_space<semaphore_mem>>) src(%dma_wait3A_212 : memref<2x128xi32, #tpu.memory_space<hbm>>) dst(%arg10 : memref<2x128xi32, #tpu.memory_space<vmem>>)
          %dma_start3A_213 = arith.constant 0 : i32
          %dma_start3A_214 = arith.constant 0 : i32
          %dma_start3A_215 = tpu.memref_slice %arg10[%dma_start3A_213, %dma_start3A_214] : memref<2x128xi32, #tpu.memory_space<vmem>> -> memref<1x128xi32, #tpu.memory_space<vmem>>
          %dma_start3A_216 = tpu.memref_squeeze %dma_start3A_215 : memref<1x128xi32, #tpu.memory_space<vmem>> -> memref<128xi32, #tpu.memory_space<vmem>>
          %dma_start3A_217 = arith.constant 0 : i32
          %dma_start3A_218 = arith.constant 0 : i32
          %dma_start3A_219 = tpu.memref_slice %arg3[%dma_start3A_217, %dma_start3A_218] : memref<10240x128xf32, #tpu.memory_space<hbm>> -> memref<10240x128xf32, #tpu.memory_space<hbm>>
          tpu.enqueue_indirect_dma source(%dma_start3A_219 : memref<10240x128xf32, #tpu.memory_space<hbm>>) target(%arg12 : memref<128x128xf32, #tpu.memory_space<vmem>>) offsets(%dma_start3A_216 : memref<128xi32, #tpu.memory_space<vmem>>) semaphore(%arg19 : memref<!tpu.dma_semaphore, #tpu.memory_space<semaphore_mem>>)
        } else {
        }
        %mul3A_132 = arith.constant 4 : i32
        %mul3A_133 = arith.muli %mul3A_132, %scan3A_61 : i32
        %add3A_134 = arith.constant 2 : i32
        %add3A_135 = arith.addi %mul3A_133, %add3A_134 : i32
        %dma_wait3A_136 = arith.constant 0 : i32
        %dma_wait3A_137 = arith.constant 0 : i32
        %dma_wait3A_138 = tpu.memref_slice %arg3[%dma_wait3A_136, %dma_wait3A_137] : memref<10240x128xf32, #tpu.memory_space<hbm>> -> memref<128x128xf32, #tpu.memory_space<hbm>>
        %dma_wait3A_139 = arith.constant 0 : i32
        %dma_wait3A_140 = arith.constant 0 : i32
        %dma_wait3A_141 = tpu.memref_slice %arg3[%dma_wait3A_139, %dma_wait3A_140] : memref<10240x128xf32, #tpu.memory_space<hbm>> -> memref<128x128xf32, #tpu.memory_space<hbm>>
        tpu.wait_dma2 semaphore(%arg19 : memref<!tpu.dma_semaphore, #tpu.memory_space<semaphore_mem>>) src(%dma_wait3A_141 : memref<128x128xf32, #tpu.memory_space<hbm>>) dst(%arg12 : memref<128x128xf32, #tpu.memory_space<vmem>>)
        %dma_start3A_142 = arith.constant 1 : i32
        %dma_start3A_143 = arith.constant 0 : i32
        %dma_start3A_144 = tpu.memref_slice %arg10[%dma_start3A_142, %dma_start3A_143] : memref<2x128xi32, #tpu.memory_space<vmem>> -> memref<1x128xi32, #tpu.memory_space<vmem>>
        %dma_start3A_145 = tpu.memref_squeeze %dma_start3A_144 : memref<1x128xi32, #tpu.memory_space<vmem>> -> memref<128xi32, #tpu.memory_space<vmem>>
        %dma_start3A_146 = arith.constant 0 : i32
        %dma_start3A_147 = arith.constant 0 : i32
        %dma_start3A_148 = tpu.memref_slice %arg14[%dma_start3A_146, %dma_start3A_147] : memref<10240x128xf32, #tpu.memory_space<vmem_shared>> -> memref<10240x128xf32, #tpu.memory_space<vmem_shared>>
        tpu.enqueue_indirect_dma source(%arg12 : memref<128x128xf32, #tpu.memory_space<vmem>>) target(%dma_start3A_148 : memref<10240x128xf32, #tpu.memory_space<vmem_shared>>) offsets(%dma_start3A_145 : memref<128xi32, #tpu.memory_space<vmem>>) semaphore(%arg21 : memref<!tpu.dma_semaphore, #tpu.memory_space<semaphore_mem>>) {add = true}
        %ge3A_149 = arith.constant 1 : i32
        %ge3A_150 = arith.cmpi sge, %add3A_135, %ge3A_149 : i32
        %convert_element_type3A_151 = arith.extui %ge3A_150 : i1 to i32
        %cond3A_152 = arith.constant 0 : i32
        %cond3A_153 = arith.cmpi ne, %convert_element_type3A_151, %cond3A_152 : i32
        scf.if %cond3A_153 {
          %dma_wait3A_204 = arith.constant 0 : i32
          %dma_wait3A_205 = arith.constant 0 : i32
          %dma_wait3A_206 = tpu.memref_slice %arg3[%dma_wait3A_204, %dma_wait3A_205] : memref<10240x128xf32, #tpu.memory_space<hbm>> -> memref<128x128xf32, #tpu.memory_space<hbm>>
          %dma_wait3A_207 = arith.constant 0 : i32
          %dma_wait3A_208 = arith.constant 0 : i32
          %dma_wait3A_209 = tpu.memref_slice %arg3[%dma_wait3A_207, %dma_wait3A_208] : memref<10240x128xf32, #tpu.memory_space<hbm>> -> memref<128x128xf32, #tpu.memory_space<hbm>>
          tpu.wait_dma2 semaphore(%arg22 : memref<!tpu.dma_semaphore, #tpu.memory_space<semaphore_mem>>) src(%dma_wait3A_209 : memref<128x128xf32, #tpu.memory_space<hbm>>) dst(%arg13 : memref<128x128xf32, #tpu.memory_space<vmem>>)
        } else {
        }
        %add3A_154 = arith.constant 2 : i32
        %add3A_155 = arith.addi %add3A_135, %add3A_154 : i32
        %lt3A_156 = arith.constant 80 : i32
        %lt3A_157 = arith.cmpi slt, %add3A_155, %lt3A_156 : i32
        %convert_element_type3A_158 = arith.extui %lt3A_157 : i1 to i32
        %cond3A_159 = arith.constant 0 : i32
        %cond3A_160 = arith.cmpi ne, %convert_element_type3A_158, %cond3A_159 : i32
        scf.if %cond3A_160 {
          %add3A_204 = arith.constant 2 : i32
          %add3A_205 = arith.addi %add3A_135, %add3A_204 : i32
          %add3A_206 = arith.addi %mul3A_4, %add3A_205 : i32
          %dma_start3A_207 = arith.constant 0 : i32
          %dma_start3A_208 = arith.constant 0 : i32
          %dma_start3A_209 = tpu.memref_slice %arg4[%add3A_206, %dma_start3A_207, %dma_start3A_208] : memref<1280x2x128xi32, #tpu.memory_space<hbm>> -> memref<1x2x128xi32, #tpu.memory_space<hbm>>
          %dma_start3A_210 = tpu.memref_squeeze %dma_start3A_209 : memref<1x2x128xi32, #tpu.memory_space<hbm>> -> memref<2x128xi32, #tpu.memory_space<hbm>>
          %dma_start3A_211 = arith.constant 0 : i32
          %dma_start3A_212 = arith.constant 0 : i32
          %dma_start3A_213 = tpu.memref_slice %arg4[%add3A_206, %dma_start3A_211, %dma_start3A_212] : memref<1280x2x128xi32, #tpu.memory_space<hbm>> -> memref<1x2x128xi32, #tpu.memory_space<hbm>>
          %dma_start3A_214 = tpu.memref_squeeze %dma_start3A_213 : memref<1x2x128xi32, #tpu.memory_space<hbm>> -> memref<2x128xi32, #tpu.memory_space<hbm>>
          tpu.enqueue_dma source(%dma_start3A_214 : memref<2x128xi32, #tpu.memory_space<hbm>>) target(%arg8 : memref<2x128xi32, #tpu.memory_space<vmem>>) target_semaphore(%arg15 : memref<!tpu.dma_semaphore, #tpu.memory_space<semaphore_mem>>)
        } else {
        }
        %add3A_161 = arith.constant 1 : i32
        %add3A_162 = arith.addi %add3A_135, %add3A_161 : i32
        %lt3A_163 = arith.constant 80 : i32
        %lt3A_164 = arith.cmpi slt, %add3A_162, %lt3A_163 : i32
        %convert_element_type3A_165 = arith.extui %lt3A_164 : i1 to i32
        %cond3A_166 = arith.constant 0 : i32
        %cond3A_167 = arith.cmpi ne, %convert_element_type3A_165, %cond3A_166 : i32
        scf.if %cond3A_167 {
          %dma_wait3A_204 = arith.constant 0 : i32
          %dma_wait3A_205 = arith.constant 0 : i32
          %dma_wait3A_206 = arith.constant 0 : i32
          %dma_wait3A_207 = tpu.memref_slice %arg4[%dma_wait3A_204, %dma_wait3A_205, %dma_wait3A_206] : memref<1280x2x128xi32, #tpu.memory_space<hbm>> -> memref<1x2x128xi32, #tpu.memory_space<hbm>>
          %dma_wait3A_208 = tpu.memref_squeeze %dma_wait3A_207 : memref<1x2x128xi32, #tpu.memory_space<hbm>> -> memref<2x128xi32, #tpu.memory_space<hbm>>
          %dma_wait3A_209 = arith.constant 0 : i32
          %dma_wait3A_210 = arith.constant 0 : i32
          %dma_wait3A_211 = tpu.memref_slice %arg4[%dma_wait3A_204, %dma_wait3A_209, %dma_wait3A_210] : memref<1280x2x128xi32, #tpu.memory_space<hbm>> -> memref<1x2x128xi32, #tpu.memory_space<hbm>>
          %dma_wait3A_212 = tpu.memref_squeeze %dma_wait3A_211 : memref<1x2x128xi32, #tpu.memory_space<hbm>> -> memref<2x128xi32, #tpu.memory_space<hbm>>
          tpu.wait_dma2 semaphore(%arg18 : memref<!tpu.dma_semaphore, #tpu.memory_space<semaphore_mem>>) src(%dma_wait3A_212 : memref<2x128xi32, #tpu.memory_space<hbm>>) dst(%arg11 : memref<2x128xi32, #tpu.memory_space<vmem>>)
          %dma_start3A_213 = arith.constant 0 : i32
          %dma_start3A_214 = arith.constant 0 : i32
          %dma_start3A_215 = tpu.memref_slice %arg11[%dma_start3A_213, %dma_start3A_214] : memref<2x128xi32, #tpu.memory_space<vmem>> -> memref<1x128xi32, #tpu.memory_space<vmem>>
          %dma_start3A_216 = tpu.memref_squeeze %dma_start3A_215 : memref<1x128xi32, #tpu.memory_space<vmem>> -> memref<128xi32, #tpu.memory_space<vmem>>
          %dma_start3A_217 = arith.constant 0 : i32
          %dma_start3A_218 = arith.constant 0 : i32
          %dma_start3A_219 = tpu.memref_slice %arg3[%dma_start3A_217, %dma_start3A_218] : memref<10240x128xf32, #tpu.memory_space<hbm>> -> memref<10240x128xf32, #tpu.memory_space<hbm>>
          tpu.enqueue_indirect_dma source(%dma_start3A_219 : memref<10240x128xf32, #tpu.memory_space<hbm>>) target(%arg13 : memref<128x128xf32, #tpu.memory_space<vmem>>) offsets(%dma_start3A_216 : memref<128xi32, #tpu.memory_space<vmem>>) semaphore(%arg20 : memref<!tpu.dma_semaphore, #tpu.memory_space<semaphore_mem>>)
        } else {
        }
        %mul3A_168 = arith.constant 4 : i32
        %mul3A_169 = arith.muli %mul3A_168, %scan3A_61 : i32
        %add3A_170 = arith.constant 3 : i32
        %add3A_171 = arith.addi %mul3A_169, %add3A_170 : i32
        %dma_wait3A_172 = arith.constant 0 : i32
        %dma_wait3A_173 = arith.constant 0 : i32
        %dma_wait3A_174 = tpu.memref_slice %arg3[%dma_wait3A_172, %dma_wait3A_173] : memref<10240x128xf32, #tpu.memory_space<hbm>> -> memref<128x128xf32, #tpu.memory_space<hbm>>
        %dma_wait3A_175 = arith.constant 0 : i32
        %dma_wait3A_176 = arith.constant 0 : i32
        %dma_wait3A_177 = tpu.memref_slice %arg3[%dma_wait3A_175, %dma_wait3A_176] : memref<10240x128xf32, #tpu.memory_space<hbm>> -> memref<128x128xf32, #tpu.memory_space<hbm>>
        tpu.wait_dma2 semaphore(%arg20 : memref<!tpu.dma_semaphore, #tpu.memory_space<semaphore_mem>>) src(%dma_wait3A_177 : memref<128x128xf32, #tpu.memory_space<hbm>>) dst(%arg13 : memref<128x128xf32, #tpu.memory_space<vmem>>)
        %dma_start3A_178 = arith.constant 1 : i32
        %dma_start3A_179 = arith.constant 0 : i32
        %dma_start3A_180 = tpu.memref_slice %arg11[%dma_start3A_178, %dma_start3A_179] : memref<2x128xi32, #tpu.memory_space<vmem>> -> memref<1x128xi32, #tpu.memory_space<vmem>>
        %dma_start3A_181 = tpu.memref_squeeze %dma_start3A_180 : memref<1x128xi32, #tpu.memory_space<vmem>> -> memref<128xi32, #tpu.memory_space<vmem>>
        %dma_start3A_182 = arith.constant 0 : i32
        %dma_start3A_183 = arith.constant 0 : i32
        %dma_start3A_184 = tpu.memref_slice %arg14[%dma_start3A_182, %dma_start3A_183] : memref<10240x128xf32, #tpu.memory_space<vmem_shared>> -> memref<10240x128xf32, #tpu.memory_space<vmem_shared>>
        tpu.enqueue_indirect_dma source(%arg13 : memref<128x128xf32, #tpu.memory_space<vmem>>) target(%dma_start3A_184 : memref<10240x128xf32, #tpu.memory_space<vmem_shared>>) offsets(%dma_start3A_181 : memref<128xi32, #tpu.memory_space<vmem>>) semaphore(%arg22 : memref<!tpu.dma_semaphore, #tpu.memory_space<semaphore_mem>>) {add = true}
        %ge3A_185 = arith.constant 1 : i32
        %ge3A_186 = arith.cmpi sge, %add3A_171, %ge3A_185 : i32
        %convert_element_type3A_187 = arith.extui %ge3A_186 : i1 to i32
        %cond3A_188 = arith.constant 0 : i32
        %cond3A_189 = arith.cmpi ne, %convert_element_type3A_187, %cond3A_188 : i32
        scf.if %cond3A_189 {
          %dma_wait3A_204 = arith.constant 0 : i32
          %dma_wait3A_205 = arith.constant 0 : i32
          %dma_wait3A_206 = tpu.memref_slice %arg3[%dma_wait3A_204, %dma_wait3A_205] : memref<10240x128xf32, #tpu.memory_space<hbm>> -> memref<128x128xf32, #tpu.memory_space<hbm>>
          %dma_wait3A_207 = arith.constant 0 : i32
          %dma_wait3A_208 = arith.constant 0 : i32
          %dma_wait3A_209 = tpu.memref_slice %arg3[%dma_wait3A_207, %dma_wait3A_208] : memref<10240x128xf32, #tpu.memory_space<hbm>> -> memref<128x128xf32, #tpu.memory_space<hbm>>
          tpu.wait_dma2 semaphore(%arg21 : memref<!tpu.dma_semaphore, #tpu.memory_space<semaphore_mem>>) src(%dma_wait3A_209 : memref<128x128xf32, #tpu.memory_space<hbm>>) dst(%arg12 : memref<128x128xf32, #tpu.memory_space<vmem>>)
        } else {
        }
        %add3A_190 = arith.constant 2 : i32
        %add3A_191 = arith.addi %add3A_171, %add3A_190 : i32
        %lt3A_192 = arith.constant 80 : i32
        %lt3A_193 = arith.cmpi slt, %add3A_191, %lt3A_192 : i32
        %convert_element_type3A_194 = arith.extui %lt3A_193 : i1 to i32
        %cond3A_195 = arith.constant 0 : i32
        %cond3A_196 = arith.cmpi ne, %convert_element_type3A_194, %cond3A_195 : i32
        scf.if %cond3A_196 {
          %add3A_204 = arith.constant 2 : i32
          %add3A_205 = arith.addi %add3A_171, %add3A_204 : i32
          %add3A_206 = arith.addi %mul3A_4, %add3A_205 : i32
          %dma_start3A_207 = arith.constant 0 : i32
          %dma_start3A_208 = arith.constant 0 : i32
          %dma_start3A_209 = tpu.memref_slice %arg4[%add3A_206, %dma_start3A_207, %dma_start3A_208] : memref<1280x2x128xi32, #tpu.memory_space<hbm>> -> memref<1x2x128xi32, #tpu.memory_space<hbm>>
          %dma_start3A_210 = tpu.memref_squeeze %dma_start3A_209 : memref<1x2x128xi32, #tpu.memory_space<hbm>> -> memref<2x128xi32, #tpu.memory_space<hbm>>
          %dma_start3A_211 = arith.constant 0 : i32
          %dma_start3A_212 = arith.constant 0 : i32
          %dma_start3A_213 = tpu.memref_slice %arg4[%add3A_206, %dma_start3A_211, %dma_start3A_212] : memref<1280x2x128xi32, #tpu.memory_space<hbm>> -> memref<1x2x128xi32, #tpu.memory_space<hbm>>
          %dma_start3A_214 = tpu.memref_squeeze %dma_start3A_213 : memref<1x2x128xi32, #tpu.memory_space<hbm>> -> memref<2x128xi32, #tpu.memory_space<hbm>>
          tpu.enqueue_dma source(%dma_start3A_214 : memref<2x128xi32, #tpu.memory_space<hbm>>) target(%arg9 : memref<2x128xi32, #tpu.memory_space<vmem>>) target_semaphore(%arg16 : memref<!tpu.dma_semaphore, #tpu.memory_space<semaphore_mem>>)
        } else {
        }
        %add3A_197 = arith.constant 1 : i32
        %add3A_198 = arith.addi %add3A_171, %add3A_197 : i32
        %lt3A_199 = arith.constant 80 : i32
        %lt3A_200 = arith.cmpi slt, %add3A_198, %lt3A_199 : i32
        %convert_element_type3A_201 = arith.extui %lt3A_200 : i1 to i32
        %cond3A_202 = arith.constant 0 : i32
        %cond3A_203 = arith.cmpi ne, %convert_element_type3A_201, %cond3A_202 : i32
        scf.if %cond3A_203 {
          %dma_wait3A_204 = arith.constant 0 : i32
          %dma_wait3A_205 = arith.constant 0 : i32
          %dma_wait3A_206 = arith.constant 0 : i32
          %dma_wait3A_207 = tpu.memref_slice %arg4[%dma_wait3A_204, %dma_wait3A_205, %dma_wait3A_206] : memref<1280x2x128xi32, #tpu.memory_space<hbm>> -> memref<1x2x128xi32, #tpu.memory_space<hbm>>
          %dma_wait3A_208 = tpu.memref_squeeze %dma_wait3A_207 : memref<1x2x128xi32, #tpu.memory_space<hbm>> -> memref<2x128xi32, #tpu.memory_space<hbm>>
          %dma_wait3A_209 = arith.constant 0 : i32
          %dma_wait3A_210 = arith.constant 0 : i32
          %dma_wait3A_211 = tpu.memref_slice %arg4[%dma_wait3A_204, %dma_wait3A_209, %dma_wait3A_210] : memref<1280x2x128xi32, #tpu.memory_space<hbm>> -> memref<1x2x128xi32, #tpu.memory_space<hbm>>
          %dma_wait3A_212 = tpu.memref_squeeze %dma_wait3A_211 : memref<1x2x128xi32, #tpu.memory_space<hbm>> -> memref<2x128xi32, #tpu.memory_space<hbm>>
          tpu.wait_dma2 semaphore(%arg15 : memref<!tpu.dma_semaphore, #tpu.memory_space<semaphore_mem>>) src(%dma_wait3A_212 : memref<2x128xi32, #tpu.memory_space<hbm>>) dst(%arg8 : memref<2x128xi32, #tpu.memory_space<vmem>>)
          %dma_start3A_213 = arith.constant 0 : i32
          %dma_start3A_214 = arith.constant 0 : i32
          %dma_start3A_215 = tpu.memref_slice %arg8[%dma_start3A_213, %dma_start3A_214] : memref<2x128xi32, #tpu.memory_space<vmem>> -> memref<1x128xi32, #tpu.memory_space<vmem>>
          %dma_start3A_216 = tpu.memref_squeeze %dma_start3A_215 : memref<1x128xi32, #tpu.memory_space<vmem>> -> memref<128xi32, #tpu.memory_space<vmem>>
          %dma_start3A_217 = arith.constant 0 : i32
          %dma_start3A_218 = arith.constant 0 : i32
          %dma_start3A_219 = tpu.memref_slice %arg3[%dma_start3A_217, %dma_start3A_218] : memref<10240x128xf32, #tpu.memory_space<hbm>> -> memref<10240x128xf32, #tpu.memory_space<hbm>>
          tpu.enqueue_indirect_dma source(%dma_start3A_219 : memref<10240x128xf32, #tpu.memory_space<hbm>>) target(%arg12 : memref<128x128xf32, #tpu.memory_space<vmem>>) offsets(%dma_start3A_216 : memref<128xi32, #tpu.memory_space<vmem>>) semaphore(%arg19 : memref<!tpu.dma_semaphore, #tpu.memory_space<semaphore_mem>>)
        } else {
        }
      }
      %scan3A_49 = arith.constant 20 : i32
      %dma_wait3A_50 = arith.constant 0 : i32
      %dma_wait3A_51 = arith.constant 0 : i32
      %dma_wait3A_52 = tpu.memref_slice %arg3[%dma_wait3A_50, %dma_wait3A_51] : memref<10240x128xf32, #tpu.memory_space<hbm>> -> memref<128x128xf32, #tpu.memory_space<hbm>>
      %dma_wait3A_53 = arith.constant 0 : i32
      %dma_wait3A_54 = arith.constant 0 : i32
      %dma_wait3A_55 = tpu.memref_slice %arg3[%dma_wait3A_53, %dma_wait3A_54] : memref<10240x128xf32, #tpu.memory_space<hbm>> -> memref<128x128xf32, #tpu.memory_space<hbm>>
      tpu.wait_dma2 semaphore(%arg22 : memref<!tpu.dma_semaphore, #tpu.memory_space<semaphore_mem>>) src(%dma_wait3A_55 : memref<128x128xf32, #tpu.memory_space<hbm>>) dst(%arg13 : memref<128x128xf32, #tpu.memory_space<vmem>>)
      %barrier3A_56 = arith.constant 0 : index
      tpu.barrier barrier_id(%barrier3A_56)
      %mul3A_57 = arith.constant 640 : i32
      %mul3A_58 = arith.muli %arg1, %mul3A_57 : i32
      %mul3A_59 = arith.constant 640 : i32
      %mul3A_60 = arith.muli %arg1, %mul3A_59 : i32
      "tpu.region"() ({
        %run_scoped3A = tpu.sem_alloc : memref<!tpu.dma_semaphore, #tpu.memory_space<semaphore_mem>>
        %dma_start3A_61 = arith.constant 0 : i32
        %dma_start3A_62 = tpu.memref_slice %arg7[%mul3A_60, %dma_start3A_61] : memref<10240x128xf32, #tpu.memory_space<hbm>> -> memref<640x128xf32, #tpu.memory_space<hbm>>
        %dma_start3A_63 = arith.constant 0 : i32
        %dma_start3A_64 = tpu.memref_slice %arg14[%mul3A_58, %dma_start3A_63] : memref<10240x128xf32, #tpu.memory_space<vmem_shared>> -> memref<640x128xf32, #tpu.memory_space<vmem_shared>>
        tpu.enqueue_dma source(%dma_start3A_64 : memref<640x128xf32, #tpu.memory_space<vmem_shared>>) target(%dma_start3A_62 : memref<640x128xf32, #tpu.memory_space<hbm>>) target_semaphore(%run_scoped3A : memref<!tpu.dma_semaphore, #tpu.memory_space<semaphore_mem>>)
        %dma_wait3A_65 = arith.constant 0 : i32
        %dma_wait3A_66 = tpu.memref_slice %arg7[%mul3A_60, %dma_wait3A_65] : memref<10240x128xf32, #tpu.memory_space<hbm>> -> memref<640x128xf32, #tpu.memory_space<hbm>>
        %dma_wait3A_67 = arith.constant 0 : i32
        %dma_wait3A_68 = tpu.memref_slice %arg14[%mul3A_58, %dma_wait3A_67] : memref<10240x128xf32, #tpu.memory_space<vmem_shared>> -> memref<640x128xf32, #tpu.memory_space<vmem_shared>>
        tpu.wait_dma2 semaphore(%run_scoped3A : memref<!tpu.dma_semaphore, #tpu.memory_space<semaphore_mem>>) src(%dma_wait3A_68 : memref<640x128xf32, #tpu.memory_space<vmem_shared>>) dst(%dma_wait3A_66 : memref<640x128xf32, #tpu.memory_space<hbm>>)
        tpu.yield
      }) : () -> ()
    } else {
    }
    return
  }
}

module attributes {stable_mosaic.version = 14 : i64} {
  func.func @_round1_body(%arg0: i32, %arg1: memref<1024x128xf32, #tpu.memory_space<vmem>>, %arg2: memref<1024x128xf32, #tpu.memory_space<vmem>>, %arg3: memref<128x256xf32, #tpu.memory_space<vmem>>, %arg4: memref<128x256xf32, #tpu.memory_space<vmem>>, %arg5: memref<1x256xf32, #tpu.memory_space<vmem>>, %arg6: memref<1024x128xf32, #tpu.memory_space<vmem>>, %arg7: memref<1024x128xf32, #tpu.memory_space<vmem>>) attributes {dimension_semantics = [#tpu.dimension_semantics<arbitrary>], iteration_bounds = array<i64: 10>, scalar_prefetch = 0 : i64, scratch_operands = 0 : i64, tpu.core_type = #tpu.core_type<tc>, window_params = [{transform_indices = @transform_0, window_bounds = array<i64: 1024, 128>}, {transform_indices = @transform_1, window_bounds = array<i64: 1024, 128>}, {pipeline_mode = #tpu.pipeline_mode<synchronous>, transform_indices = @transform_2, window_bounds = array<i64: 128, 256>}, {pipeline_mode = #tpu.pipeline_mode<synchronous>, transform_indices = @transform_3, window_bounds = array<i64: 128, 256>}, {pipeline_mode = #tpu.pipeline_mode<synchronous>, transform_indices = @transform_4, window_bounds = array<i64: 1, 256>}, {transform_indices = @transform_5, window_bounds = array<i64: 1024, 128>}, {transform_indices = @transform_6, window_bounds = array<i64: 1024, 128>}]} {
    %get3A = arith.constant 0 : index
    %get3A_0 = arith.constant 0 : index
    %get3A_1 = vector.load %arg1[%get3A, %get3A_0] : memref<1024x128xf32, #tpu.memory_space<vmem>>, vector<1024x128xf32>
    %get3A_2 = arith.constant 0 : index
    %get3A_3 = arith.constant 0 : index
    %get3A_4 = vector.load %arg3[%get3A_2, %get3A_3] : memref<128x256xf32, #tpu.memory_space<vmem>>, vector<128x256xf32>
    %dot_general3A = arith.constant dense<0.000000e+00> : vector<1024x256xf32>
    %dot_general3A_5 = tpu.matmul %get3A_1, %get3A_4, %dot_general3A {dimension_numbers = #tpu.dot_dimension_numbers<[1], [0], [0], [1], [0, 0, 1, 1], [], []>, transpose_lhs_hint = false} : vector<1024x128xf32>, vector<128x256xf32>, vector<1024x256xf32> -> vector<1024x256xf32>
    %get3A_6 = arith.constant 0 : index
    %get3A_7 = arith.constant 0 : index
    %get3A_8 = vector.load %arg2[%get3A_6, %get3A_7] : memref<1024x128xf32, #tpu.memory_space<vmem>>, vector<1024x128xf32>
    %get3A_9 = arith.constant 0 : index
    %get3A_10 = arith.constant 0 : index
    %get3A_11 = vector.load %arg4[%get3A_9, %get3A_10] : memref<128x256xf32, #tpu.memory_space<vmem>>, vector<128x256xf32>
    %dot_general3A_12 = arith.constant dense<0.000000e+00> : vector<1024x256xf32>
    %dot_general3A_13 = tpu.matmul %get3A_8, %get3A_11, %dot_general3A_12 {dimension_numbers = #tpu.dot_dimension_numbers<[1], [0], [0], [1], [0, 0, 1, 1], [], []>, transpose_lhs_hint = false} : vector<1024x128xf32>, vector<128x256xf32>, vector<1024x256xf32> -> vector<1024x256xf32>
    %add3A = arith.addf %dot_general3A_5, %dot_general3A_13 : vector<1024x256xf32>
    %get3A_14 = arith.constant 0 : index
    %get3A_15 = arith.constant 0 : index
    %get3A_16 = vector.load %arg5[%get3A_14, %get3A_15] : memref<1x256xf32, #tpu.memory_space<vmem>>, vector<1x256xf32>
    %add3A_17 = vector.broadcast %get3A_16 : vector<1x256xf32> to vector<1024x256xf32>
    %add3A_18 = arith.addf %add3A, %add3A_17 : vector<1024x256xf32>
    %max3A = arith.constant 0.000000e+00 : f32
    %max3A_19 = vector.broadcast %max3A : f32 to vector<1024x256xf32>
    %max3A_20 = arith.maximumf %add3A_18, %max3A_19 : vector<1024x256xf32>
    %slice3A = vector.extract_strided_slice %max3A_20 {offsets = [0, 0], sizes = [1024, 128], strides = [1, 1]} : vector<1024x256xf32> to vector<1024x128xf32>
    %swap3A = arith.constant 0 : index
    %swap3A_21 = arith.constant 0 : index
    %swap3A_22 = vector.load %arg6[%swap3A, %swap3A_21] : memref<1024x128xf32, #tpu.memory_space<vmem>>, vector<1024x128xf32>
    tpu.vector_store %arg6[%swap3A, %swap3A_21], %slice3A {strides = array<i32>} : memref<1024x128xf32, #tpu.memory_space<vmem>>, vector<1024x128xf32>,
    %slice3A_23 = vector.extract_strided_slice %max3A_20 {offsets = [0, 128], sizes = [1024, 128], strides = [1, 1]} : vector<1024x256xf32> to vector<1024x128xf32>
    %swap3A_24 = arith.constant 0 : index
    %swap3A_25 = arith.constant 0 : index
    %swap3A_26 = vector.load %arg7[%swap3A_24, %swap3A_25] : memref<1024x128xf32, #tpu.memory_space<vmem>>, vector<1024x128xf32>
    tpu.vector_store %arg7[%swap3A_24, %swap3A_25], %slice3A_23 {strides = array<i32>} : memref<1024x128xf32, #tpu.memory_space<vmem>>, vector<1024x128xf32>,
    return
  }
  func.func @transform_0(%arg0: i32) -> (i32, i32) {
    %c0_i32 = arith.constant 0 : i32
    %c0_i32_0 = arith.constant 0 : i32
    return %arg0, %c0_i32 : i32, i32
  }
  func.func @transform_1(%arg0: i32) -> (i32, i32) {
    %c0_i32 = arith.constant 0 : i32
    %c0_i32_0 = arith.constant 0 : i32
    return %arg0, %c0_i32 : i32, i32
  }
  func.func @transform_2(%arg0: i32) -> (i32, i32) {
    %c0_i32 = arith.constant 0 : i32
    %c0_i32_0 = arith.constant 0 : i32
    %c0_i32_1 = arith.constant 0 : i32
    return %c0_i32, %c0_i32_0 : i32, i32
  }
  func.func @transform_3(%arg0: i32) -> (i32, i32) {
    %c0_i32 = arith.constant 0 : i32
    %c0_i32_0 = arith.constant 0 : i32
    %c0_i32_1 = arith.constant 0 : i32
    return %c0_i32, %c0_i32_0 : i32, i32
  }
  func.func @transform_4(%arg0: i32) -> (i32, i32) {
    %c0_i32 = arith.constant 0 : i32
    %c0_i32_0 = arith.constant 0 : i32
    %c0_i32_1 = arith.constant 0 : i32
    return %c0_i32, %c0_i32_0 : i32, i32
  }
  func.func @transform_5(%arg0: i32) -> (i32, i32) {
    %c0_i32 = arith.constant 0 : i32
    %c0_i32_0 = arith.constant 0 : i32
    return %arg0, %c0_i32 : i32, i32
  }
  func.func @transform_6(%arg0: i32) -> (i32, i32) {
    %c0_i32 = arith.constant 0 : i32
    %c0_i32_0 = arith.constant 0 : i32
    return %arg0, %c0_i32 : i32, i32
  }
}

module attributes {stable_mosaic.version = 14 : i64} {
  func.func @_round2_body(%arg0: i32, %arg1: memref<1024x128xf32, #tpu.memory_space<vmem>>, %arg2: memref<1024x128xf32, #tpu.memory_space<vmem>>, %arg3: memref<128x256xf32, #tpu.memory_space<vmem>>, %arg4: memref<128x256xf32, #tpu.memory_space<vmem>>, %arg5: memref<1x256xf32, #tpu.memory_space<vmem>>, %arg6: memref<256x256xf32, #tpu.memory_space<vmem>>, %arg7: memref<1x256xf32, #tpu.memory_space<vmem>>, %arg8: memref<1024x1xi32, #tpu.memory_space<vmem>>, %arg9: memref<1024x256xf32, #tpu.memory_space<vmem>>, %arg10: memref<16x256xf32, #tpu.memory_space<vmem>>) attributes {dimension_semantics = [#tpu.dimension_semantics<arbitrary>], iteration_bounds = array<i64: 10>, scalar_prefetch = 0 : i64, scratch_operands = 0 : i64, tpu.core_type = #tpu.core_type<tc>, window_params = [{transform_indices = @transform_0, window_bounds = array<i64: 1024, 128>}, {transform_indices = @transform_1, window_bounds = array<i64: 1024, 128>}, {pipeline_mode = #tpu.pipeline_mode<synchronous>, transform_indices = @transform_2, window_bounds = array<i64: 128, 256>}, {pipeline_mode = #tpu.pipeline_mode<synchronous>, transform_indices = @transform_3, window_bounds = array<i64: 128, 256>}, {pipeline_mode = #tpu.pipeline_mode<synchronous>, transform_indices = @transform_4, window_bounds = array<i64: 1, 256>}, {pipeline_mode = #tpu.pipeline_mode<synchronous>, transform_indices = @transform_5, window_bounds = array<i64: 256, 256>}, {pipeline_mode = #tpu.pipeline_mode<synchronous>, transform_indices = @transform_6, window_bounds = array<i64: 1, 256>}, {transform_indices = @transform_7, window_bounds = array<i64: 1024, 1>}, {transform_indices = @transform_8, window_bounds = array<i64: 1024, 256>}, {pipeline_mode = #tpu.pipeline_mode<synchronous>, transform_indices = @transform_9, window_bounds = array<i64: 16, 256>}]} {
    %get3A = arith.constant 0 : index
    %get3A_0 = arith.constant 0 : index
    %get3A_1 = vector.load %arg1[%get3A, %get3A_0] : memref<1024x128xf32, #tpu.memory_space<vmem>>, vector<1024x128xf32>
    %get3A_2 = arith.constant 0 : index
    %get3A_3 = arith.constant 0 : index
    %get3A_4 = vector.load %arg3[%get3A_2, %get3A_3] : memref<128x256xf32, #tpu.memory_space<vmem>>, vector<128x256xf32>
    %dot_general3A = arith.constant dense<0.000000e+00> : vector<1024x256xf32>
    %dot_general3A_5 = tpu.matmul %get3A_1, %get3A_4, %dot_general3A {dimension_numbers = #tpu.dot_dimension_numbers<[1], [0], [0], [1], [0, 0, 1, 1], [], []>, transpose_lhs_hint = false} : vector<1024x128xf32>, vector<128x256xf32>, vector<1024x256xf32> -> vector<1024x256xf32>
    %get3A_6 = arith.constant 0 : index
    %get3A_7 = arith.constant 0 : index
    %get3A_8 = vector.load %arg2[%get3A_6, %get3A_7] : memref<1024x128xf32, #tpu.memory_space<vmem>>, vector<1024x128xf32>
    %get3A_9 = arith.constant 0 : index
    %get3A_10 = arith.constant 0 : index
    %get3A_11 = vector.load %arg4[%get3A_9, %get3A_10] : memref<128x256xf32, #tpu.memory_space<vmem>>, vector<128x256xf32>
    %dot_general3A_12 = arith.constant dense<0.000000e+00> : vector<1024x256xf32>
    %dot_general3A_13 = tpu.matmul %get3A_8, %get3A_11, %dot_general3A_12 {dimension_numbers = #tpu.dot_dimension_numbers<[1], [0], [0], [1], [0, 0, 1, 1], [], []>, transpose_lhs_hint = false} : vector<1024x128xf32>, vector<128x256xf32>, vector<1024x256xf32> -> vector<1024x256xf32>
    %add3A = arith.addf %dot_general3A_5, %dot_general3A_13 : vector<1024x256xf32>
    %get3A_14 = arith.constant 0 : index
    %get3A_15 = arith.constant 0 : index
    %get3A_16 = vector.load %arg5[%get3A_14, %get3A_15] : memref<1x256xf32, #tpu.memory_space<vmem>>, vector<1x256xf32>
    %add3A_17 = vector.broadcast %get3A_16 : vector<1x256xf32> to vector<1024x256xf32>
    %add3A_18 = arith.addf %add3A, %add3A_17 : vector<1024x256xf32>
    %max3A = arith.constant 0.000000e+00 : f32
    %max3A_19 = vector.broadcast %max3A : f32 to vector<1024x256xf32>
    %max3A_20 = arith.maximumf %add3A_18, %max3A_19 : vector<1024x256xf32>
    %swap3A = arith.constant 0 : index
    %swap3A_21 = arith.constant 0 : index
    %swap3A_22 = vector.load %arg9[%swap3A, %swap3A_21] : memref<1024x256xf32, #tpu.memory_space<vmem>>, vector<1024x256xf32>
    tpu.vector_store %arg9[%swap3A, %swap3A_21], %max3A_20 {strides = array<i32>} : memref<1024x256xf32, #tpu.memory_space<vmem>>, vector<1024x256xf32>,
    %get3A_23 = arith.constant 0 : index
    %get3A_24 = arith.constant 0 : index
    %get3A_25 = vector.load %arg6[%get3A_23, %get3A_24] : memref<256x256xf32, #tpu.memory_space<vmem>>, vector<256x256xf32>
    %dot_general3A_26 = arith.constant dense<0.000000e+00> : vector<1024x256xf32>
    %dot_general3A_27 = tpu.matmul %max3A_20, %get3A_25, %dot_general3A_26 {dimension_numbers = #tpu.dot_dimension_numbers<[1], [0], [0], [1], [0, 0, 1, 1], [], []>, transpose_lhs_hint = false} : vector<1024x256xf32>, vector<256x256xf32>, vector<1024x256xf32> -> vector<1024x256xf32>
    %get3A_28 = arith.constant 0 : index
    %get3A_29 = arith.constant 0 : index
    %get3A_30 = vector.load %arg7[%get3A_28, %get3A_29] : memref<1x256xf32, #tpu.memory_space<vmem>>, vector<1x256xf32>
    %add3A_31 = vector.broadcast %get3A_30 : vector<1x256xf32> to vector<1024x256xf32>
    %add3A_32 = arith.addf %dot_general3A_27, %add3A_31 : vector<1024x256xf32>
    %iota3A = tpu.iota {dimensions = array<i32: 1>} : vector<1024x16xi32>
    %get3A_33 = arith.constant 0 : index
    %get3A_34 = arith.constant 0 : index
    %get3A_35 = vector.load %arg8[%get3A_33, %get3A_34] : memref<1024x1xi32, #tpu.memory_space<vmem>>, vector<1024x1xi32>
    %eq3A = vector.broadcast %get3A_35 : vector<1024x1xi32> to vector<1024x16xi32>
    %eq3A_36 = arith.cmpi eq, %eq3A, %iota3A : vector<1024x16xi32>
    %convert_element_type3A = arith.extui %eq3A_36 : vector<1024x16xi1> to vector<1024x16xi32>
    %convert_element_type3A_37 = arith.sitofp %convert_element_type3A : vector<1024x16xi32> to vector<1024x16xf32>
    %dot_general3A_38 = arith.constant dense<0.000000e+00> : vector<16x256xf32>
    %dot_general3A_39 = tpu.matmul %convert_element_type3A_37, %add3A_32, %dot_general3A_38 {dimension_numbers = #tpu.dot_dimension_numbers<[0], [0], [1], [1], [0, 1, 1, 1], [], []>, transpose_lhs_hint = false} : vector<1024x16xf32>, vector<1024x256xf32>, vector<16x256xf32> -> vector<16x256xf32>
    %eq3A_40 = arith.constant 0 : i32
    %eq3A_41 = arith.cmpi eq, %arg0, %eq3A_40 : i32
    %convert_element_type3A_42 = arith.extui %eq3A_41 : i1 to i32
    %cond3A = arith.constant 0 : i32
    %cond3A_43 = arith.cmpi ne, %convert_element_type3A_42, %cond3A : i32
    scf.if %cond3A_43 {
      %swap3A_48 = arith.constant 0 : index
      %swap3A_49 = arith.constant 0 : index
      %swap3A_50 = vector.load %arg10[%swap3A_48, %swap3A_49] : memref<16x256xf32, #tpu.memory_space<vmem>>, vector<16x256xf32>
      tpu.vector_store %arg10[%swap3A_48, %swap3A_49], %dot_general3A_39 {strides = array<i32>} : memref<16x256xf32, #tpu.memory_space<vmem>>, vector<16x256xf32>,
    } else {
    }
    %gt3A = arith.constant 0 : i32
    %gt3A_44 = arith.cmpi sgt, %arg0, %gt3A : i32
    %convert_element_type3A_45 = arith.extui %gt3A_44 : i1 to i32
    %cond3A_46 = arith.constant 0 : i32
    %cond3A_47 = arith.cmpi ne, %convert_element_type3A_45, %cond3A_46 : i32
    scf.if %cond3A_47 {
      %get3A_48 = arith.constant 0 : index
      %get3A_49 = arith.constant 0 : index
      %get3A_50 = vector.load %arg10[%get3A_48, %get3A_49] : memref<16x256xf32, #tpu.memory_space<vmem>>, vector<16x256xf32>
      %add3A_51 = arith.addf %get3A_50, %dot_general3A_39 : vector<16x256xf32>
      %swap3A_52 = arith.constant 0 : index
      %swap3A_53 = arith.constant 0 : index
      %swap3A_54 = vector.load %arg10[%swap3A_52, %swap3A_53] : memref<16x256xf32, #tpu.memory_space<vmem>>, vector<16x256xf32>
      tpu.vector_store %arg10[%swap3A_52, %swap3A_53], %add3A_51 {strides = array<i32>} : memref<16x256xf32, #tpu.memory_space<vmem>>, vector<16x256xf32>,
    } else {
    }
    return
  }
  func.func @transform_0(%arg0: i32) -> (i32, i32) {
    %c0_i32 = arith.constant 0 : i32
    %c0_i32_0 = arith.constant 0 : i32
    return %arg0, %c0_i32 : i32, i32
  }
  func.func @transform_1(%arg0: i32) -> (i32, i32) {
    %c0_i32 = arith.constant 0 : i32
    %c0_i32_0 = arith.constant 0 : i32
    return %arg0, %c0_i32 : i32, i32
  }
  func.func @transform_2(%arg0: i32) -> (i32, i32) {
    %c0_i32 = arith.constant 0 : i32
    %c0_i32_0 = arith.constant 0 : i32
    %c0_i32_1 = arith.constant 0 : i32
    return %c0_i32, %c0_i32_0 : i32, i32
  }
  func.func @transform_3(%arg0: i32) -> (i32, i32) {
    %c0_i32 = arith.constant 0 : i32
    %c0_i32_0 = arith.constant 0 : i32
    %c0_i32_1 = arith.constant 0 : i32
    return %c0_i32, %c0_i32_0 : i32, i32
  }
  func.func @transform_4(%arg0: i32) -> (i32, i32) {
    %c0_i32 = arith.constant 0 : i32
    %c0_i32_0 = arith.constant 0 : i32
    %c0_i32_1 = arith.constant 0 : i32
    return %c0_i32, %c0_i32_0 : i32, i32
  }
  func.func @transform_5(%arg0: i32) -> (i32, i32) {
    %c0_i32 = arith.constant 0 : i32
    %c0_i32_0 = arith.constant 0 : i32
    %c0_i32_1 = arith.constant 0 : i32
    return %c0_i32, %c0_i32_0 : i32, i32
  }
  func.func @transform_6(%arg0: i32) -> (i32, i32) {
    %c0_i32 = arith.constant 0 : i32
    %c0_i32_0 = arith.constant 0 : i32
    %c0_i32_1 = arith.constant 0 : i32
    return %c0_i32, %c0_i32_0 : i32, i32
  }
  func.func @transform_7(%arg0: i32) -> (i32, i32) {
    %c0_i32 = arith.constant 0 : i32
    %c0_i32_0 = arith.constant 0 : i32
    return %arg0, %c0_i32 : i32, i32
  }
  func.func @transform_8(%arg0: i32) -> (i32, i32) {
    %c0_i32 = arith.constant 0 : i32
    %c0_i32_0 = arith.constant 0 : i32
    return %arg0, %c0_i32 : i32, i32
  }
  func.func @transform_9(%arg0: i32) -> (i32, i32) {
    %c0_i32 = arith.constant 0 : i32
    %c0_i32_0 = arith.constant 0 : i32
    %c0_i32_1 = arith.constant 0 : i32
    return %c0_i32, %c0_i32_0 : i32, i32
  }
}

module attributes {stable_mosaic.version = 14 : i64} {
  func.func @_score_body(%arg0: i32, %arg1: memref<1024x256xf32, #tpu.memory_space<vmem>>, %arg2: memref<16x256xf32, #tpu.memory_space<vmem>>, %arg3: memref<1024x1xi32, #tpu.memory_space<vmem>>, %arg4: memref<256x256xf32, #tpu.memory_space<vmem>>, %arg5: memref<1x256xf32, #tpu.memory_space<vmem>>, %arg6: memref<256x2xf32, #tpu.memory_space<vmem>>, %arg7: memref<1x2xf32, #tpu.memory_space<vmem>>, %arg8: memref<256x256xf32, #tpu.memory_space<vmem>>, %arg9: memref<1x256xf32, #tpu.memory_space<vmem>>, %arg10: memref<256x256xf32, #tpu.memory_space<vmem>>, %arg11: memref<1x256xf32, #tpu.memory_space<vmem>>, %arg12: memref<256x512xf32, #tpu.memory_space<vmem>>, %arg13: memref<256x512xf32, #tpu.memory_space<vmem>>, %arg14: memref<1x512xf32, #tpu.memory_space<vmem>>, %arg15: memref<512x1xf32, #tpu.memory_space<vmem>>, %arg16: memref<1x1xf32, #tpu.memory_space<vmem>>, %arg17: memref<256x512xf32, #tpu.memory_space<vmem>>, %arg18: memref<256x512xf32, #tpu.memory_space<vmem>>, %arg19: memref<1x512xf32, #tpu.memory_space<vmem>>, %arg20: memref<512x1xf32, #tpu.memory_space<vmem>>, %arg21: memref<1x1xf32, #tpu.memory_space<vmem>>, %arg22: memref<1024x1xf32, #tpu.memory_space<vmem>>, %arg23: memref<16x2xf32, #tpu.memory_space<vmem>>, %arg24: memref<16x1xf32, #tpu.memory_space<vmem>>) attributes {dimension_semantics = [#tpu.dimension_semantics<arbitrary>], iteration_bounds = array<i64: 10>, scalar_prefetch = 0 : i64, scratch_operands = 0 : i64, tpu.core_type = #tpu.core_type<tc>, window_params = [{transform_indices = @transform_0, window_bounds = array<i64: 1024, 256>}, {pipeline_mode = #tpu.pipeline_mode<synchronous>, transform_indices = @transform_1, window_bounds = array<i64: 16, 256>}, {transform_indices = @transform_2, window_bounds = array<i64: 1024, 1>}, {pipeline_mode = #tpu.pipeline_mode<synchronous>, transform_indices = @transform_3, window_bounds = array<i64: 256, 256>}, {pipeline_mode = #tpu.pipeline_mode<synchronous>, transform_indices = @transform_4, window_bounds = array<i64: 1, 256>}, {pipeline_mode = #tpu.pipeline_mode<synchronous>, transform_indices = @transform_5, window_bounds = array<i64: 256, 2>}, {pipeline_mode = #tpu.pipeline_mode<synchronous>, transform_indices = @transform_6, window_bounds = array<i64: 1, 2>}, {pipeline_mode = #tpu.pipeline_mode<synchronous>, transform_indices = @transform_7, window_bounds = array<i64: 256, 256>}, {pipeline_mode = #tpu.pipeline_mode<synchronous>, transform_indices = @transform_8, window_bounds = array<i64: 1, 256>}, {pipeline_mode = #tpu.pipeline_mode<synchronous>, transform_indices = @transform_9, window_bounds = array<i64: 256, 256>}, {pipeline_mode = #tpu.pipeline_mode<synchronous>, transform_indices = @transform_10, window_bounds = array<i64: 1, 256>}, {pipeline_mode = #tpu.pipeline_mode<synchronous>, transform_indices = @transform_11, window_bounds = array<i64: 256, 512>}, {pipeline_mode = #tpu.pipeline_mode<synchronous>, transform_indices = @transform_12, window_bounds = array<i64: 256, 512>}, {pipeline_mode = #tpu.pipeline_mode<synchronous>, transform_indices = @transform_13, window_bounds = array<i64: 1, 512>}, {pipeline_mode = #tpu.pipeline_mode<synchronous>, transform_indices = @transform_14, window_bounds = array<i64: 512, 1>}, {pipeline_mode = #tpu.pipeline_mode<synchronous>, transform_indices = @transform_15, window_bounds = array<i64: 1, 1>}, {pipeline_mode = #tpu.pipeline_mode<synchronous>, transform_indices = @transform_16, window_bounds = array<i64: 256, 512>}, {pipeline_mode = #tpu.pipeline_mode<synchronous>, transform_indices = @transform_17, window_bounds = array<i64: 256, 512>}, {pipeline_mode = #tpu.pipeline_mode<synchronous>, transform_indices = @transform_18, window_bounds = array<i64: 1, 512>}, {pipeline_mode = #tpu.pipeline_mode<synchronous>, transform_indices = @transform_19, window_bounds = array<i64: 512, 1>}, {pipeline_mode = #tpu.pipeline_mode<synchronous>, transform_indices = @transform_20, window_bounds = array<i64: 1, 1>}, {transform_indices = @transform_21, window_bounds = array<i64: 1024, 1>}, {pipeline_mode = #tpu.pipeline_mode<synchronous>, transform_indices = @transform_22, window_bounds = array<i64: 16, 2>}, {pipeline_mode = #tpu.pipeline_mode<synchronous>, transform_indices = @transform_23, window_bounds = array<i64: 16, 1>}]} {
    %get3A = arith.constant 0 : index
    %get3A_0 = arith.constant 0 : index
    %get3A_1 = vector.load %arg2[%get3A, %get3A_0] : memref<16x256xf32, #tpu.memory_space<vmem>>, vector<16x256xf32>
    %get3A_2 = arith.constant 0 : index
    %get3A_3 = arith.constant 0 : index
    %get3A_4 = vector.load %arg4[%get3A_2, %get3A_3] : memref<256x256xf32, #tpu.memory_space<vmem>>, vector<256x256xf32>
    %dot_general3A = arith.constant dense<0.000000e+00> : vector<16x256xf32>
    %dot_general3A_5 = tpu.matmul %get3A_1, %get3A_4, %dot_general3A {dimension_numbers = #tpu.dot_dimension_numbers<[1], [0], [0], [1], [0, 0, 1, 1], [], []>, transpose_lhs_hint = false} : vector<16x256xf32>, vector<256x256xf32>, vector<16x256xf32> -> vector<16x256xf32>
    %get3A_6 = arith.constant 0 : index
    %get3A_7 = arith.constant 0 : index
    %get3A_8 = vector.load %arg5[%get3A_6, %get3A_7] : memref<1x256xf32, #tpu.memory_space<vmem>>, vector<1x256xf32>
    %add3A = vector.broadcast %get3A_8 : vector<1x256xf32> to vector<16x256xf32>
    %add3A_9 = arith.addf %dot_general3A_5, %add3A : vector<16x256xf32>
    %neg3A = arith.constant 0.000000e+00 : f32
    %neg3A_10 = vector.broadcast %neg3A : f32 to vector<16x256xf32>
    %neg3A_11 = arith.subf %neg3A_10, %add3A_9 : vector<16x256xf32>
    %exp3A = math.exp %neg3A_11 : vector<16x256xf32>
    %add3A_12 = arith.constant 1.000000e+00 : f32
    %add3A_13 = vector.broadcast %add3A_12 : f32 to vector<16x256xf32>
    %add3A_14 = arith.addf %add3A_13, %exp3A : vector<16x256xf32>
    %div3A = arith.constant 1.000000e+00 : f32
    %div3A_15 = vector.broadcast %div3A : f32 to vector<16x256xf32>
    %div3A_16 = arith.divf %div3A_15, %add3A_14 : vector<16x256xf32>
    %get3A_17 = arith.constant 0 : index
    %get3A_18 = arith.constant 0 : index
    %get3A_19 = vector.load %arg6[%get3A_17, %get3A_18] : memref<256x2xf32, #tpu.memory_space<vmem>>, vector<256x2xf32>
    %dot_general3A_20 = arith.constant dense<0.000000e+00> : vector<16x2xf32>
    %dot_general3A_21 = tpu.matmul %div3A_16, %get3A_19, %dot_general3A_20 {dimension_numbers = #tpu.dot_dimension_numbers<[1], [0], [0], [1], [0, 0, 1, 1], [], []>, transpose_lhs_hint = false} : vector<16x256xf32>, vector<256x2xf32>, vector<16x2xf32> -> vector<16x2xf32>
    %get3A_22 = arith.constant 0 : index
    %get3A_23 = arith.constant 0 : index
    %get3A_24 = vector.load %arg7[%get3A_22, %get3A_23] : memref<1x2xf32, #tpu.memory_space<vmem>>, vector<1x2xf32>
    %add3A_25 = vector.broadcast %get3A_24 : vector<1x2xf32> to vector<16x2xf32>
    %add3A_26 = arith.addf %dot_general3A_21, %add3A_25 : vector<16x2xf32>
    %reduce_max3A = arith.constant dense<0xFF800000> : vector<16xf32>
    %reduce_max3A_27 = vector.multi_reduction <maximumf>, %add3A_26, %reduce_max3A [1] : vector<16x2xf32> to vector<16xf32>
    %broadcast_in_dim3A = vector.shape_cast %reduce_max3A_27 : vector<16xf32> to vector<16x1xf32>
    %sub3A = vector.broadcast %broadcast_in_dim3A : vector<16x1xf32> to vector<16x2xf32>
    %sub3A_28 = arith.subf %add3A_26, %sub3A : vector<16x2xf32>
    %exp3A_29 = math.exp %sub3A_28 : vector<16x2xf32>
    %reduce_sum3A = arith.constant dense<0.000000e+00> : vector<16xf32>
    %reduce_sum3A_30 = vector.multi_reduction <add>, %exp3A_29, %reduce_sum3A [1] : vector<16x2xf32> to vector<16xf32>
    %broadcast_in_dim3A_31 = vector.shape_cast %reduce_sum3A_30 : vector<16xf32> to vector<16x1xf32>
    %div3A_32 = vector.broadcast %broadcast_in_dim3A_31 : vector<16x1xf32> to vector<16x2xf32>
    %div3A_33 = arith.divf %exp3A_29, %div3A_32 : vector<16x2xf32>
    %swap3A = arith.constant 0 : index
    %swap3A_34 = arith.constant 0 : index
    %swap3A_35 = vector.load %arg23[%swap3A, %swap3A_34] : memref<16x2xf32, #tpu.memory_space<vmem>>, vector<16x2xf32>
    tpu.vector_store %arg23[%swap3A, %swap3A_34], %div3A_33 {strides = array<i32>} : memref<16x2xf32, #tpu.memory_space<vmem>>, vector<16x2xf32>,
    %get3A_36 = arith.constant 0 : index
    %get3A_37 = arith.constant 0 : index
    %get3A_38 = vector.load %arg8[%get3A_36, %get3A_37] : memref<256x256xf32, #tpu.memory_space<vmem>>, vector<256x256xf32>
    %dot_general3A_39 = arith.constant dense<0.000000e+00> : vector<16x256xf32>
    %dot_general3A_40 = tpu.matmul %get3A_1, %get3A_38, %dot_general3A_39 {dimension_numbers = #tpu.dot_dimension_numbers<[1], [0], [0], [1], [0, 0, 1, 1], [], []>, transpose_lhs_hint = false} : vector<16x256xf32>, vector<256x256xf32>, vector<16x256xf32> -> vector<16x256xf32>
    %get3A_41 = arith.constant 0 : index
    %get3A_42 = arith.constant 0 : index
    %get3A_43 = vector.load %arg9[%get3A_41, %get3A_42] : memref<1x256xf32, #tpu.memory_space<vmem>>, vector<1x256xf32>
    %add3A_44 = vector.broadcast %get3A_43 : vector<1x256xf32> to vector<16x256xf32>
    %add3A_45 = arith.addf %dot_general3A_40, %add3A_44 : vector<16x256xf32>
    %neg3A_46 = arith.constant 0.000000e+00 : f32
    %neg3A_47 = vector.broadcast %neg3A_46 : f32 to vector<16x256xf32>
    %neg3A_48 = arith.subf %neg3A_47, %add3A_45 : vector<16x256xf32>
    %exp3A_49 = math.exp %neg3A_48 : vector<16x256xf32>
    %add3A_50 = arith.constant 1.000000e+00 : f32
    %add3A_51 = vector.broadcast %add3A_50 : f32 to vector<16x256xf32>
    %add3A_52 = arith.addf %add3A_51, %exp3A_49 : vector<16x256xf32>
    %div3A_53 = arith.constant 1.000000e+00 : f32
    %div3A_54 = vector.broadcast %div3A_53 : f32 to vector<16x256xf32>
    %div3A_55 = arith.divf %div3A_54, %add3A_52 : vector<16x256xf32>
    %get3A_56 = arith.constant 0 : index
    %get3A_57 = arith.constant 0 : index
    %get3A_58 = vector.load %arg10[%get3A_56, %get3A_57] : memref<256x256xf32, #tpu.memory_space<vmem>>, vector<256x256xf32>
    %dot_general3A_59 = arith.constant dense<0.000000e+00> : vector<16x256xf32>
    %dot_general3A_60 = tpu.matmul %div3A_55, %get3A_58, %dot_general3A_59 {dimension_numbers = #tpu.dot_dimension_numbers<[1], [0], [0], [1], [0, 0, 1, 1], [], []>, transpose_lhs_hint = false} : vector<16x256xf32>, vector<256x256xf32>, vector<16x256xf32> -> vector<16x256xf32>
    %get3A_61 = arith.constant 0 : index
    %get3A_62 = arith.constant 0 : index
    %get3A_63 = vector.load %arg11[%get3A_61, %get3A_62] : memref<1x256xf32, #tpu.memory_space<vmem>>, vector<1x256xf32>
    %add3A_64 = vector.broadcast %get3A_63 : vector<1x256xf32> to vector<16x256xf32>
    %add3A_65 = arith.addf %dot_general3A_60, %add3A_64 : vector<16x256xf32>
    %get3A_66 = arith.constant 0 : index
    %get3A_67 = arith.constant 0 : index
    %get3A_68 = vector.load %arg12[%get3A_66, %get3A_67] : memref<256x512xf32, #tpu.memory_space<vmem>>, vector<256x512xf32>
    %dot_general3A_69 = arith.constant dense<0.000000e+00> : vector<16x512xf32>
    %dot_general3A_70 = tpu.matmul %get3A_1, %get3A_68, %dot_general3A_69 {dimension_numbers = #tpu.dot_dimension_numbers<[1], [0], [0], [1], [0, 0, 1, 1], [], []>, transpose_lhs_hint = false} : vector<16x256xf32>, vector<256x512xf32>, vector<16x512xf32> -> vector<16x512xf32>
    %get3A_71 = arith.constant 0 : index
    %get3A_72 = arith.constant 0 : index
    %get3A_73 = vector.load %arg13[%get3A_71, %get3A_72] : memref<256x512xf32, #tpu.memory_space<vmem>>, vector<256x512xf32>
    %dot_general3A_74 = arith.constant dense<0.000000e+00> : vector<16x512xf32>
    %dot_general3A_75 = tpu.matmul %add3A_65, %get3A_73, %dot_general3A_74 {dimension_numbers = #tpu.dot_dimension_numbers<[1], [0], [0], [1], [0, 0, 1, 1], [], []>, transpose_lhs_hint = false} : vector<16x256xf32>, vector<256x512xf32>, vector<16x512xf32> -> vector<16x512xf32>
    %add3A_76 = arith.addf %dot_general3A_70, %dot_general3A_75 : vector<16x512xf32>
    %get3A_77 = arith.constant 0 : index
    %get3A_78 = arith.constant 0 : index
    %get3A_79 = vector.load %arg14[%get3A_77, %get3A_78] : memref<1x512xf32, #tpu.memory_space<vmem>>, vector<1x512xf32>
    %add3A_80 = vector.broadcast %get3A_79 : vector<1x512xf32> to vector<16x512xf32>
    %add3A_81 = arith.addf %add3A_76, %add3A_80 : vector<16x512xf32>
    %neg3A_82 = arith.constant 0.000000e+00 : f32
    %neg3A_83 = vector.broadcast %neg3A_82 : f32 to vector<16x512xf32>
    %neg3A_84 = arith.subf %neg3A_83, %add3A_81 : vector<16x512xf32>
    %exp3A_85 = math.exp %neg3A_84 : vector<16x512xf32>
    %add3A_86 = arith.constant 1.000000e+00 : f32
    %add3A_87 = vector.broadcast %add3A_86 : f32 to vector<16x512xf32>
    %add3A_88 = arith.addf %add3A_87, %exp3A_85 : vector<16x512xf32>
    %div3A_89 = arith.constant 1.000000e+00 : f32
    %div3A_90 = vector.broadcast %div3A_89 : f32 to vector<16x512xf32>
    %div3A_91 = arith.divf %div3A_90, %add3A_88 : vector<16x512xf32>
    %get3A_92 = arith.constant 0 : index
    %get3A_93 = arith.constant 0 : index
    %get3A_94 = vector.load %arg15[%get3A_92, %get3A_93] : memref<512x1xf32, #tpu.memory_space<vmem>>, vector<512x1xf32>
    %dot_general3A_95 = arith.constant dense<0.000000e+00> : vector<16x1xf32>
    %dot_general3A_96 = tpu.matmul %div3A_91, %get3A_94, %dot_general3A_95 {dimension_numbers = #tpu.dot_dimension_numbers<[1], [0], [0], [1], [0, 0, 1, 1], [], []>, transpose_lhs_hint = false} : vector<16x512xf32>, vector<512x1xf32>, vector<16x1xf32> -> vector<16x1xf32>
    %get3A_97 = arith.constant 0 : index
    %get3A_98 = arith.constant 0 : index
    %get3A_99 = vector.load %arg16[%get3A_97, %get3A_98] : memref<1x1xf32, #tpu.memory_space<vmem>>, vector<1x1xf32>
    %add3A_100 = vector.broadcast %get3A_99 : vector<1x1xf32> to vector<16x1xf32>
    %add3A_101 = arith.addf %dot_general3A_96, %add3A_100 : vector<16x1xf32>
    %neg3A_102 = arith.constant 0.000000e+00 : f32
    %neg3A_103 = vector.broadcast %neg3A_102 : f32 to vector<16x1xf32>
    %neg3A_104 = arith.subf %neg3A_103, %add3A_101 : vector<16x1xf32>
    %exp3A_105 = math.exp %neg3A_104 : vector<16x1xf32>
    %add3A_106 = arith.constant 1.000000e+00 : f32
    %add3A_107 = vector.broadcast %add3A_106 : f32 to vector<16x1xf32>
    %add3A_108 = arith.addf %add3A_107, %exp3A_105 : vector<16x1xf32>
    %div3A_109 = arith.constant 1.000000e+00 : f32
    %div3A_110 = vector.broadcast %div3A_109 : f32 to vector<16x1xf32>
    %div3A_111 = arith.divf %div3A_110, %add3A_108 : vector<16x1xf32>
    %swap3A_112 = arith.constant 0 : index
    %swap3A_113 = arith.constant 0 : index
    %swap3A_114 = vector.load %arg24[%swap3A_112, %swap3A_113] : memref<16x1xf32, #tpu.memory_space<vmem>>, vector<16x1xf32>
    tpu.vector_store %arg24[%swap3A_112, %swap3A_113], %div3A_111 {strides = array<i32>} : memref<16x1xf32, #tpu.memory_space<vmem>>, vector<16x1xf32>,
    %iota3A = tpu.iota {dimensions = array<i32: 1>} : vector<1024x16xi32>
    %get3A_115 = arith.constant 0 : index
    %get3A_116 = arith.constant 0 : index
    %get3A_117 = vector.load %arg3[%get3A_115, %get3A_116] : memref<1024x1xi32, #tpu.memory_space<vmem>>, vector<1024x1xi32>
    %eq3A = vector.broadcast %get3A_117 : vector<1024x1xi32> to vector<1024x16xi32>
    %eq3A_118 = arith.cmpi eq, %eq3A, %iota3A : vector<1024x16xi32>
    %convert_element_type3A = arith.extui %eq3A_118 : vector<1024x16xi1> to vector<1024x16xi32>
    %convert_element_type3A_119 = arith.sitofp %convert_element_type3A : vector<1024x16xi32> to vector<1024x16xf32>
    %dot_general3A_120 = arith.constant dense<0.000000e+00> : vector<1024x256xf32>
    %dot_general3A_121 = tpu.matmul %convert_element_type3A_119, %add3A_65, %dot_general3A_120 {dimension_numbers = #tpu.dot_dimension_numbers<[1], [0], [0], [1], [0, 0, 1, 1], [], []>, transpose_lhs_hint = false} : vector<1024x16xf32>, vector<16x256xf32>, vector<1024x256xf32> -> vector<1024x256xf32>
    %get3A_122 = arith.constant 0 : index
    %get3A_123 = arith.constant 0 : index
    %get3A_124 = vector.load %arg1[%get3A_122, %get3A_123] : memref<1024x256xf32, #tpu.memory_space<vmem>>, vector<1024x256xf32>
    %get3A_125 = arith.constant 0 : index
    %get3A_126 = arith.constant 0 : index
    %get3A_127 = vector.load %arg17[%get3A_125, %get3A_126] : memref<256x512xf32, #tpu.memory_space<vmem>>, vector<256x512xf32>
    %dot_general3A_128 = arith.constant dense<0.000000e+00> : vector<1024x512xf32>
    %dot_general3A_129 = tpu.matmul %get3A_124, %get3A_127, %dot_general3A_128 {dimension_numbers = #tpu.dot_dimension_numbers<[1], [0], [0], [1], [0, 0, 1, 1], [], []>, transpose_lhs_hint = false} : vector<1024x256xf32>, vector<256x512xf32>, vector<1024x512xf32> -> vector<1024x512xf32>
    %get3A_130 = arith.constant 0 : index
    %get3A_131 = arith.constant 0 : index
    %get3A_132 = vector.load %arg18[%get3A_130, %get3A_131] : memref<256x512xf32, #tpu.memory_space<vmem>>, vector<256x512xf32>
    %dot_general3A_133 = arith.constant dense<0.000000e+00> : vector<1024x512xf32>
    %dot_general3A_134 = tpu.matmul %dot_general3A_121, %get3A_132, %dot_general3A_133 {dimension_numbers = #tpu.dot_dimension_numbers<[1], [0], [0], [1], [0, 0, 1, 1], [], []>, transpose_lhs_hint = false} : vector<1024x256xf32>, vector<256x512xf32>, vector<1024x512xf32> -> vector<1024x512xf32>
    %add3A_135 = arith.addf %dot_general3A_129, %dot_general3A_134 : vector<1024x512xf32>
    %get3A_136 = arith.constant 0 : index
    %get3A_137 = arith.constant 0 : index
    %get3A_138 = vector.load %arg19[%get3A_136, %get3A_137] : memref<1x512xf32, #tpu.memory_space<vmem>>, vector<1x512xf32>
    %add3A_139 = vector.broadcast %get3A_138 : vector<1x512xf32> to vector<1024x512xf32>
    %add3A_140 = arith.addf %add3A_135, %add3A_139 : vector<1024x512xf32>
    %neg3A_141 = arith.constant 0.000000e+00 : f32
    %neg3A_142 = vector.broadcast %neg3A_141 : f32 to vector<1024x512xf32>
    %neg3A_143 = arith.subf %neg3A_142, %add3A_140 : vector<1024x512xf32>
    %exp3A_144 = math.exp %neg3A_143 : vector<1024x512xf32>
    %add3A_145 = arith.constant 1.000000e+00 : f32
    %add3A_146 = vector.broadcast %add3A_145 : f32 to vector<1024x512xf32>
    %add3A_147 = arith.addf %add3A_146, %exp3A_144 : vector<1024x512xf32>
    %div3A_148 = arith.constant 1.000000e+00 : f32
    %div3A_149 = vector.broadcast %div3A_148 : f32 to vector<1024x512xf32>
    %div3A_150 = arith.divf %div3A_149, %add3A_147 : vector<1024x512xf32>
    %get3A_151 = arith.constant 0 : index
    %get3A_152 = arith.constant 0 : index
    %get3A_153 = vector.load %arg20[%get3A_151, %get3A_152] : memref<512x1xf32, #tpu.memory_space<vmem>>, vector<512x1xf32>
    %dot_general3A_154 = arith.constant dense<0.000000e+00> : vector<1024x1xf32>
    %dot_general3A_155 = tpu.matmul %div3A_150, %get3A_153, %dot_general3A_154 {dimension_numbers = #tpu.dot_dimension_numbers<[1], [0], [0], [1], [0, 0, 1, 1], [], []>, transpose_lhs_hint = false} : vector<1024x512xf32>, vector<512x1xf32>, vector<1024x1xf32> -> vector<1024x1xf32>
    %get3A_156 = arith.constant 0 : index
    %get3A_157 = arith.constant 0 : index
    %get3A_158 = vector.load %arg21[%get3A_156, %get3A_157] : memref<1x1xf32, #tpu.memory_space<vmem>>, vector<1x1xf32>
    %add3A_159 = vector.broadcast %get3A_158 : vector<1x1xf32> to vector<1024x1xf32>
    %add3A_160 = arith.addf %dot_general3A_155, %add3A_159 : vector<1024x1xf32>
    %swap3A_161 = arith.constant 0 : index
    %swap3A_162 = arith.constant 0 : index
    %swap3A_163 = vector.load %arg22[%swap3A_161, %swap3A_162] : memref<1024x1xf32, #tpu.memory_space<vmem>>, vector<1024x1xf32>
    tpu.vector_store %arg22[%swap3A_161, %swap3A_162], %add3A_160 {strides = array<i32>} : memref<1024x1xf32, #tpu.memory_space<vmem>>, vector<1024x1xf32>,
    return
  }
  func.func @transform_0(%arg0: i32) -> (i32, i32) {
    %c0_i32 = arith.constant 0 : i32
    %c0_i32_0 = arith.constant 0 : i32
    return %arg0, %c0_i32 : i32, i32
  }
  func.func @transform_1(%arg0: i32) -> (i32, i32) {
    %c0_i32 = arith.constant 0 : i32
    %c0_i32_0 = arith.constant 0 : i32
    %c0_i32_1 = arith.constant 0 : i32
    return %c0_i32, %c0_i32_0 : i32, i32
  }
  func.func @transform_2(%arg0: i32) -> (i32, i32) {
    %c0_i32 = arith.constant 0 : i32
    %c0_i32_0 = arith.constant 0 : i32
    return %arg0, %c0_i32 : i32, i32
  }
  func.func @transform_3(%arg0: i32) -> (i32, i32) {
    %c0_i32 = arith.constant 0 : i32
    %c0_i32_0 = arith.constant 0 : i32
    %c0_i32_1 = arith.constant 0 : i32
    return %c0_i32, %c0_i32_0 : i32, i32
  }
  func.func @transform_4(%arg0: i32) -> (i32, i32) {
    %c0_i32 = arith.constant 0 : i32
    %c0_i32_0 = arith.constant 0 : i32
    %c0_i32_1 = arith.constant 0 : i32
    return %c0_i32, %c0_i32_0 : i32, i32
  }
  func.func @transform_5(%arg0: i32) -> (i32, i32) {
    %c0_i32 = arith.constant 0 : i32
    %c0_i32_0 = arith.constant 0 : i32
    %c0_i32_1 = arith.constant 0 : i32
    return %c0_i32, %c0_i32_0 : i32, i32
  }
  func.func @transform_6(%arg0: i32) -> (i32, i32) {
    %c0_i32 = arith.constant 0 : i32
    %c0_i32_0 = arith.constant 0 : i32
    %c0_i32_1 = arith.constant 0 : i32
    return %c0_i32, %c0_i32_0 : i32, i32
  }
  func.func @transform_7(%arg0: i32) -> (i32, i32) {
    %c0_i32 = arith.constant 0 : i32
    %c0_i32_0 = arith.constant 0 : i32
    %c0_i32_1 = arith.constant 0 : i32
    return %c0_i32, %c0_i32_0 : i32, i32
  }
  func.func @transform_8(%arg0: i32) -> (i32, i32) {
    %c0_i32 = arith.constant 0 : i32
    %c0_i32_0 = arith.constant 0 : i32
    %c0_i32_1 = arith.constant 0 : i32
    return %c0_i32, %c0_i32_0 : i32, i32
  }
  func.func @transform_9(%arg0: i32) -> (i32, i32) {
    %c0_i32 = arith.constant 0 : i32
    %c0_i32_0 = arith.constant 0 : i32
    %c0_i32_1 = arith.constant 0 : i32
    return %c0_i32, %c0_i32_0 : i32, i32
  }
  func.func @transform_10(%arg0: i32) -> (i32, i32) {
    %c0_i32 = arith.constant 0 : i32
    %c0_i32_0 = arith.constant 0 : i32
    %c0_i32_1 = arith.constant 0 : i32
    return %c0_i32, %c0_i32_0 : i32, i32
  }
  func.func @transform_11(%arg0: i32) -> (i32, i32) {
    %c0_i32 = arith.constant 0 : i32
    %c0_i32_0 = arith.constant 0 : i32
    %c0_i32_1 = arith.constant 0 : i32
    return %c0_i32, %c0_i32_0 : i32, i32
  }
  func.func @transform_12(%arg0: i32) -> (i32, i32) {
    %c0_i32 = arith.constant 0 : i32
    %c0_i32_0 = arith.constant 0 : i32
    %c0_i32_1 = arith.constant 0 : i32
    return %c0_i32, %c0_i32_0 : i32, i32
  }
  func.func @transform_13(%arg0: i32) -> (i32, i32) {
    %c0_i32 = arith.constant 0 : i32
    %c0_i32_0 = arith.constant 0 : i32
    %c0_i32_1 = arith.constant 0 : i32
    return %c0_i32, %c0_i32_0 : i32, i32
  }
  func.func @transform_14(%arg0: i32) -> (i32, i32) {
    %c0_i32 = arith.constant 0 : i32
    %c0_i32_0 = arith.constant 0 : i32
    %c0_i32_1 = arith.constant 0 : i32
    return %c0_i32, %c0_i32_0 : i32, i32
  }
  func.func @transform_15(%arg0: i32) -> (i32, i32) {
    %c0_i32 = arith.constant 0 : i32
    %c0_i32_0 = arith.constant 0 : i32
    %c0_i32_1 = arith.constant 0 : i32
    return %c0_i32, %c0_i32_0 : i32, i32
  }
  func.func @transform_16(%arg0: i32) -> (i32, i32) {
    %c0_i32 = arith.constant 0 : i32
    %c0_i32_0 = arith.constant 0 : i32
    %c0_i32_1 = arith.constant 0 : i32
    return %c0_i32, %c0_i32_0 : i32, i32
  }
  func.func @transform_17(%arg0: i32) -> (i32, i32) {
    %c0_i32 = arith.constant 0 : i32
    %c0_i32_0 = arith.constant 0 : i32
    %c0_i32_1 = arith.constant 0 : i32
    return %c0_i32, %c0_i32_0 : i32, i32
  }
  func.func @transform_18(%arg0: i32) -> (i32, i32) {
    %c0_i32 = arith.constant 0 : i32
    %c0_i32_0 = arith.constant 0 : i32
    %c0_i32_1 = arith.constant 0 : i32
    return %c0_i32, %c0_i32_0 : i32, i32
  }
  func.func @transform_19(%arg0: i32) -> (i32, i32) {
    %c0_i32 = arith.constant 0 : i32
    %c0_i32_0 = arith.constant 0 : i32
    %c0_i32_1 = arith.constant 0 : i32
    return %c0_i32, %c0_i32_0 : i32, i32
  }
  func.func @transform_20(%arg0: i32) -> (i32, i32) {
    %c0_i32 = arith.constant 0 : i32
    %c0_i32_0 = arith.constant 0 : i32
    %c0_i32_1 = arith.constant 0 : i32
    return %c0_i32, %c0_i32_0 : i32, i32
  }
  func.func @transform_21(%arg0: i32) -> (i32, i32) {
    %c0_i32 = arith.constant 0 : i32
    %c0_i32_0 = arith.constant 0 : i32
    return %arg0, %c0_i32 : i32, i32
  }
  func.func @transform_22(%arg0: i32) -> (i32, i32) {
    %c0_i32 = arith.constant 0 : i32
    %c0_i32_0 = arith.constant 0 : i32
    %c0_i32_1 = arith.constant 0 : i32
    return %c0_i32, %c0_i32_0 : i32, i32
  }
  func.func @transform_23(%arg0: i32) -> (i32, i32) {
    %c0_i32 = arith.constant 0 : i32
    %c0_i32_0 = arith.constant 0 : i32
    %c0_i32_1 = arith.constant 0 : i32
    return %c0_i32, %c0_i32_0 : i32, i32
  }
}

module attributes {stable_mosaic.version = 14 : i64} {
  func.func @_softmax_body(%arg0: memref<10240x1xf32, #tpu.memory_space<vmem>>, %arg1: memref<10240x1xi32, #tpu.memory_space<vmem>>, %arg2: memref<10240x1xf32, #tpu.memory_space<vmem>>) attributes {dimension_semantics = [], scalar_prefetch = 0 : i64, scratch_operands = 0 : i64, tpu.core_type = #tpu.core_type<tc>} {
    %get3A = arith.constant 0 : index
    %get3A_0 = arith.constant 0 : index
    %get3A_1 = vector.load %arg0[%get3A, %get3A_0] : memref<10240x1xf32, #tpu.memory_space<vmem>>, vector<10240x1xf32>
    %iota3A = tpu.iota {dimensions = array<i32: 1>} : vector<10240x16xi32>
    %get3A_2 = arith.constant 0 : index
    %get3A_3 = arith.constant 0 : index
    %get3A_4 = vector.load %arg1[%get3A_2, %get3A_3] : memref<10240x1xi32, #tpu.memory_space<vmem>>, vector<10240x1xi32>
    %eq3A = vector.broadcast %get3A_4 : vector<10240x1xi32> to vector<10240x16xi32>
    %eq3A_5 = arith.cmpi eq, %eq3A, %iota3A : vector<10240x16xi32>
    %convert_element_type3A = arith.extui %eq3A_5 : vector<10240x16xi1> to vector<10240x16xi32>
    %convert_element_type3A_6 = arith.sitofp %convert_element_type3A : vector<10240x16xi32> to vector<10240x16xf32>
    %jit3A = arith.constant -1.000000e+30 : f32
    %broadcast_in_dim3A = vector.shape_cast %get3A_1 : vector<10240x1xf32> to vector<10240x1xf32>
    %broadcast_in_dim3A_7 = vector.broadcast %broadcast_in_dim3A : vector<10240x1xf32> to vector<10240x16xf32>
    %broadcast_in_dim3A_8 = vector.broadcast %jit3A : f32 to vector<10240x16xf32>
    %select_n3A = arith.select %eq3A_5, %broadcast_in_dim3A_7, %broadcast_in_dim3A_8 : vector<10240x16xi1>, vector<10240x16xf32>
    %reduce_max3A = arith.constant dense<0xFF800000> : vector<16xf32>
    %reduce_max3A_9 = vector.multi_reduction <maximumf>, %select_n3A, %reduce_max3A [0] : vector<10240x16xf32> to vector<16xf32>
    %broadcast_in_dim3A_10 = vector.shape_cast %reduce_max3A_9 : vector<16xf32> to vector<1x16xf32>
    %dot_general3A = arith.constant dense<0.000000e+00> : vector<10240x1xf32>
    %dot_general3A_11 = tpu.matmul %convert_element_type3A_6, %broadcast_in_dim3A_10, %dot_general3A {dimension_numbers = #tpu.dot_dimension_numbers<[1], [1], [0], [0], [0, 0, 1, 0], [], []>, transpose_lhs_hint = false} : vector<10240x16xf32>, vector<1x16xf32>, vector<10240x1xf32> -> vector<10240x1xf32>
    %sub3A = arith.subf %get3A_1, %dot_general3A_11 : vector<10240x1xf32>
    %exp3A = math.exp %sub3A : vector<10240x1xf32>
    %dot_general3A_12 = arith.constant dense<0.000000e+00> : vector<1x16xf32>
    %dot_general3A_13 = tpu.matmul %exp3A, %convert_element_type3A_6, %dot_general3A_12 {dimension_numbers = #tpu.dot_dimension_numbers<[0], [0], [1], [1], [0, 1, 1, 1], [], []>, transpose_lhs_hint = false} : vector<10240x1xf32>, vector<10240x16xf32>, vector<1x16xf32> -> vector<1x16xf32>
    %dot_general3A_14 = arith.constant dense<0.000000e+00> : vector<10240x1xf32>
    %dot_general3A_15 = tpu.matmul %convert_element_type3A_6, %dot_general3A_13, %dot_general3A_14 {dimension_numbers = #tpu.dot_dimension_numbers<[1], [1], [0], [0], [0, 0, 1, 0], [], []>, transpose_lhs_hint = false} : vector<10240x16xf32>, vector<1x16xf32>, vector<10240x1xf32> -> vector<10240x1xf32>
    %div3A = arith.divf %exp3A, %dot_general3A_15 : vector<10240x1xf32>
    %swap3A = arith.constant 0 : index
    %swap3A_16 = arith.constant 0 : index
    %swap3A_17 = vector.load %arg2[%swap3A, %swap3A_16] : memref<10240x1xf32, #tpu.memory_space<vmem>>, vector<10240x1xf32>
    tpu.vector_store %arg2[%swap3A, %swap3A_16], %div3A {strides = array<i32>} : memref<10240x1xf32, #tpu.memory_space<vmem>>, vector<10240x1xf32>,
    return
  }
}

</mosaic_0001>

<sc_bundles>
// kernel: kernel.11.cloned.1.call-start
scs
__scs_entry_jumppad:
0x0: {  	(pc) =	sbr.rel $0x88, $3  }
0x1: {  	(tag) =	ssettag $0x0;
	lr =	simm.s32 $0x1  }
0x2: {  	[smem:$0x3F8A] =	sst lr;
	_ =	strace $0xD0000000  }
0x3: {  	_ = 	snop  }
0x4: {  	_ = 	snop  }
0x5: {  	_ = 	snop  }
0x6: {  	_ = 	snop  }
0x7: {  	_ = 	snop  }
__scs_overlays_trampoline_lowered:
0x8: {  	[smem:$0x3F99] =	sst s0  }
0x9: {  	[smem:$0x3F9A] =	sst s1  }
0xa: {  	[smem:$0x3F9B] =	sst s2  }
0xb: {  	[smem:$0x3F9C] =	sst s3  }
0xc: {  	[smem:$0x3F9D] =	sst s4  }
0xd: {  	[smem:$0x3F9E] =	sst s5  }
0xe: {  	[smem:$0x3F9F] =	sst s6  }
0xf: {  	[smem:$0x3FA0] =	sst s7  }
0x10: {  	[smem:$0x3FA1] =	sst s8  }
0x11: {  	[smem:$0x3FA2] =	sst s9;
	s0 =	simm.s32 @!p0 $0x0  }
0x12: {  	s1 =	sld [smem:$0x3F88];
	s0 =	simm.s32 @p0 $0x1  }
0x13: {  	[smem:$0x3FA3] =	sst s0;
	s0 =	simm.s32 @!p1 $0x0  }
0x14: {  	s2 =	sld [smem:$0x3F87];
	s0 =	simm.s32 @p1 $0x1  }
0x15: {  	[smem:$0x3FA4] =	sst s0;
	s0 =	simm.s32 @!p2 $0x0  }
0x16: {  	s3 =	sld [smem:$0x3FDB];
	s0 =	simm.s32 @p2 $0x1  }
0x17: {  	s4 =	simm.s32 $0x1BF5;
	[smem:$0x3FA6] =	sst s0  }
0x18: {  	s0 =	sld [smem:$0x3F89];
	_ =	swait.ge [sflag:s4], $0x0  }
0x19: {  	s7 =	sld [smem:$0x3F8A]  }
0x1a: {  	s8 =	sadd.s32 $0xFFFFE003, lr  }
0x1b: {  	s9 =	sadd.s32 $0xFFFFFEF7, lr;
	s5 =	simm.s32 $0xFFFFFFFF;
	p2 =	slt.u32 s8, $0xFFFFF086  }
0x1c: {  	p1 =	slt.u32 s9, $0xF7A;
	s5 =	simm.s32 @!p2 $0x0  }
0x1d: {  	s5 =	simm.s32 @p1 $0x1;
	p0 =	seq.s32 s7, s2  }
0x1e: {  	s7 =	smul.u32 @!p0 $0xF7A, s2;
	p2 =	seq.s32 @!p0 s5, $0x0  }
0x1f: {  	s9 =	smul.u32 $0xF7A, s1;
	s8 =	simm.s32 @!p0 $0x1BF5;
	p2 =	por !p2, p0  }
0x20: {  	[sflag:s8] =	ssyncset.s32 @!p0 $0xFFFFF086;
	s6 =	sadd.s32 @!p0 s3, s7;
	s7 =	simm.s32 @!p0 $0x108  }
0x21: {  	s3 =	sadd.s32 s3, s9;
	s6 =	sadd.s32 @!p0 $0x88, s6;
	s7 =	simm.s32 @p2 $0x1082  }
0x22: {  	[simem:s7], [sflag:s8] =	dma.local @!p0 [hbm:s6], $0xF7A  }
0x23: {  	s9 =	sor.u32 $0xD0000000, s2;
	s6 =	simm.s32 $0x108;
	_ =	swait.ge @!p0 [sflag:s8], $0x0  }
0x24: {  	s3 =	sadd.s32 $0x88, s3;
	s6 =	simm.s32 @!p1 $0x1082;
	[sflag:s4] =	ssyncset.s32 $0xFFFFF086  }
0x25: {  	[simem:s6], [sflag:s4] =	dma.local [hbm:s3], $0xF7A  }
0x26: {  	[smem:$0x3F8A] =	sst s1;
	(tag) =	ssettag s2;
	_ =	strace s9  }
0x27: {  	s1 =	sld [smem:$0x3F9A]  }
0x28: {  	s2 =	sld [smem:$0x3F9B]  }
0x29: {  	s4 =	sld [smem:$0x3F9D]  }
0x2a: {  	p0 =	seq.s32 s5, $0x0;
	s5 =	sld [smem:$0x3F9E]  }
0x2b: {  	s6 =	sld [smem:$0x3F9F]  }
0x2c: {  	s7 =	sld [smem:$0x3FA0]  }
0x2d: {  	s3 =	simm.s32 $0x108;
	s8 =	sld [smem:$0x3FA1]  }
0x2e: {  	s3 =	simm.s32 @!p0 $0x1082;
	s9 =	sld [smem:$0x3FA2]  }
0x2f: {  	lr =	sadd.s32 s0, s3;
	s0 =	sld [smem:$0x3F99]  }
0x30: {  	s3 =	sld [smem:$0x3F9C]  }
0x31: {  	[smem:$0x3FA5] =	sst s10  }
0x32: {  	s10 =	sld [smem:$0x3FA3];
	_ =	sdelay $0x3  }
0x33: {  	p0 =	seq.s32 s10, $0x1;
	s10 =	sld [smem:$0x3FA5];
	_ =	sdelay $0x3  }
0x34: {  	[smem:$0x3FA5] =	sst s10  }
0x35: {  	s10 =	sld [smem:$0x3FA4];
	_ =	sdelay $0x3  }
0x36: {  	p1 =	seq.s32 s10, $0x1;
	s10 =	sld [smem:$0x3FA5];
	_ =	sdelay $0x3  }
0x37: {  	[smem:$0x3FA5] =	sst s10  }
0x38: {  	s10 =	sld [smem:$0x3FA6]  }
0x39: {  	_ = 	snop;
	(pc) =	sbr.ind lr, $3  }
0x3a: {  	_ = 	snop  }
0x3b: {  	_ = 	snop  }
0x3c: {  	p2 =	seq.s32 s10, $0x1;
	s10 =	sld [smem:$0x3FA5]  }
0x3d: {  	_ =	shalt  }
0x3e: {  	_ =	shalt  }
0x3f: {  	_ =	shalt  }
0x40: {  	_ =	shalt  }
0x41: {  	_ =	shalt  }
0x42: {  	_ =	shalt  }
0x43: {  	_ =	shalt  }
0x44: {  	_ =	shalt  }
0x45: {  	_ =	shalt  }
0x46: {  	_ =	shalt  }
0x47: {  	_ =	shalt  }
0x48: {  	_ =	shalt  }
0x49: {  	_ =	shalt  }
0x4a: {  	_ =	shalt  }
0x4b: {  	_ =	shalt  }
0x4c: {  	_ =	shalt  }
0x4d: {  	_ =	shalt  }
0x4e: {  	_ =	shalt  }
0x4f: {  	_ =	shalt  }
0x50: {  	_ =	shalt  }
0x51: {  	_ =	shalt  }
0x52: {  	_ =	shalt  }
0x53: {  	_ =	shalt  }
0x54: {  	_ =	shalt  }
0x55: {  	_ =	shalt  }
0x56: {  	_ =	shalt  }
0x57: {  	_ =	shalt  }
0x58: {  	_ =	shalt  }
0x59: {  	_ =	shalt  }
0x5a: {  	_ =	shalt  }
0x5b: {  	_ =	shalt  }
0x5c: {  	_ =	shalt  }
0x5d: {  	_ =	shalt  }
0x5e: {  	_ =	shalt  }
0x5f: {  	_ =	shalt  }
0x60: {  	_ =	shalt  }
0x61: {  	_ =	shalt  }
0x62: {  	_ =	shalt  }
0x63: {  	_ =	shalt  }
0x64: {  	_ =	shalt  }
0x65: {  	_ =	shalt  }
0x66: {  	_ =	shalt  }
0x67: {  	_ =	shalt  }
0x68: {  	_ =	shalt  }
0x69: {  	_ =	shalt  }
0x6a: {  	_ =	shalt  }
0x6b: {  	_ =	shalt  }
0x6c: {  	_ =	shalt  }
0x6d: {  	_ =	shalt  }
0x6e: {  	_ =	shalt  }
0x6f: {  	_ =	shalt  }
0x70: {  	_ =	shalt  }
0x71: {  	_ =	shalt  }
0x72: {  	_ =	shalt  }
0x73: {  	_ =	shalt  }
0x74: {  	_ =	shalt  }
0x75: {  	_ =	shalt  }
0x76: {  	_ =	shalt  }
0x77: {  	_ =	shalt  }
0x78: {  	_ =	shalt  }
0x79: {  	_ =	shalt  }
0x7a: {  	_ =	shalt  }
0x7b: {  	_ =	shalt  }
0x7c: {  	_ =	shalt  }
0x7d: {  	_ =	shalt  }
0x7e: {  	_ =	shalt  }
0x7f: {  	_ =	shalt  }
0x80: {  	_ =	shalt  }
0x81: {  	_ =	shalt  }
0x82: {  	_ =	shalt  }
0x83: {  	_ =	shalt  }
0x84: {  	_ =	shalt  }
0x85: {  	_ =	shalt  }
0x86: {  	_ =	shalt  }
0x87: {  	_ =	shalt  }
.Lfunc_end0:
.L_simem_size_0:
called_computation.1_lowered:
.L_overlay_start_0:
0x88: {  	s2 =	sld [smem:$0x3FD9]  }
0x89: {  	s3 =	sld [smem:$0x3FFE];
	_ =	sdelay $0x1  }
0x8a: {  	s1 =	srdreg.scid  }
0x8b: {  	s0 =	sand.u32 $0x1, s1  }
0x8c: {  	s16 =	sshll.u32 s0, $0xA;
	s2 =	sadd.s32 s3, s2  }
0x8d: {  	s2 =	sadd.s32 s2, s16  }
0x8e: {  	[smem:$0x3FB1] =	sst s2  }
0x8f: {  	_ = 	snop  }
0x90: {  	(tm) =	ssettm $0x1  }
0x91: {  	s17 =	sld [smem:$0x3FFB];
	_ =	sdelay $0x3  }
0x92: {  	_ =	strace s17  }
0x93: {  	s2 =	sld [smem:$0x3FFC];
	_ =	sdelay $0x3  }
0x94: {  	_ =	strace s2  }
0x95: {  	s2 =	sld [smem:$0x3FFD];
	_ =	sdelay $0x3  }
0x96: {  	_ =	strace s2  }
0x97: {  	_ =	strace $0x8FFFFFFF  }
0x98: {  	s18 =	sld [smem:$0x3FDB];
	_ =	sdelay $0x1  }
0x99: {  	s19 =	simm.s32 $_scs_section_size  }
0x9a: {  	s4 =	simm.s32 $_size__tile_overlayer_lowered;
	s5 =	simm.s32 $_tile_overlayer_lowered  }
0x9b: {  	s22 =	simm.s32 $0x1BFF;
	s21 =	sshll.u32 s5, $0x1;
	s2 =	sadd.s32 s19, s18  }
0x9c: {  	s6 =	simm.s32 $0x0;
	s20 =	sshll.u32 s4, $0x1;
	s4 =	sadd.s32 s21, s2  }
0x9d: {  	[timem:s6], [sflag:s22] =	dma.local [hbm:s4], s20  }
0x9e: {  	_ =	swait.ge [sflag:s22], s20  }
0x9f: {  	s3 =	ssub.s32 $0x0, s20;
	[sflag:s22] =	ssyncset.done $0x0  }
0xa0: {  	[sflag:s22] =	ssyncadd.s32 s3;
	_ =	sdelay $0x1  }
0xa1: {  	s23 =	simm.s32 $0x1B8B  }
0xa2: {  	_ =	swait.ge [sflag:s23], $0x1  }
0xa3: {  	[sflag:s23] =	ssyncset.done $0x0  }
0xa4: {  	s25 =	simm.s32 $0x1B8E;
	s24 =	sld [smem:$0x3FFE];
	[sflag:s23] =	ssyncadd.s32 $0xFFFFFFFF  }
0xa5: {  	s26 =	simm.s32 $execute0_lowered;
	[smem:$0x3FD2] =	sst s25  }
0xa6: {  	s4 =	sshll.u32 s26, $0x1;
	_ =	strace $0x80000049;
	[dreg:$0x1] =	wrdreg $0xFFFFFFFF  }
0xa7: {  	s28 =	simm.s32 $_size_execute0_lowered;
	s2 =	sadd.s32 s2, s4;
	[dreg:$0x0] =	wrdreg $0x0  }
0xa8: {  	s4 =	sshll.u32 s28, $0x1;
	[dreg:$0x2] =	wrdreg s2  }
0xa9: {  	[dreg:$0x3] =	wrdreg s4  }
0xaa: {  	[dreg:$0x4] =	wrdreg $0xC0  }
0xab: {  	_ =	task [dreg:s6], $0x5FFFF  }
0xac: {  	[dreg:$0x1] =	wrdreg $0xFFFFFFFF  }
0xad: {  	[dreg:$0x0] =	wrdreg $0x60  }
0xae: {  	[dreg:$0x2] =	wrdreg s24  }
0xaf: {  	[dreg:$0x3] =	wrdreg $0x84000  }
0xb0: {  	[dreg:$0x4] =	wrdreg $0x9  }
0xb1: {  	_ =	task.clear_ibuf [dreg:s6], $0x5FFFF;
	_ =	strace $0x90000049  }
0xb2: {  	s29 =	simm.s32 $0x9;
	_ =	strace $0x8000004B  }
0xb3: {  	_ =	swait.ge [sflag:s29], $0x1  }
0xb4: {  	[sflag:s29] =	ssyncadd.s32 $0xFFFFFFFF  }
0xb5: {  	_ =	strace $0x9000004B  }
0xb6: {  	_ =	sfence  }
0xb7: {  	s30 =	sld [smem:$0x0];
	_ =	sdelay $0x2  }
0xb8: {  	s31 =	sshll.u32 s1, $0xD;
	s1 =	sshrl.u32 s1, $0x2  }
0xb9: {  	s3 =	sand.u32 $0x4000, s31;
	s1 =	sadd.s32 s1, s30  }
0xba: {  	s0 =	sor.u32 s3, s0;
	s1 =	sshll.u32 s1, $0x11  }
0xbb: {  	s0 =	sor.u32 s1, s0  }
0xbc: {  	s0 =	sadd.s32 $0x8F2B, s0  }
0xbd: {  	[sflag:s0] =	ssyncadd.remote.s32 $0x1  }
0xbe: {  	_ =	sfence.sel $0xFFFF  }
0xbf: {  	[dreg:$0x0] =	wrdreg $0xFFFFFFFF;
	(pc) =	sbr.abs _section_cstart, $3  }
0xc0: {  	[dreg:$0x1] =	wrdreg $0xFFFFFFFF  }
0xc1: {  	_ =	task.clear_ibuf [dreg:s6], $0x2FFFF;
	_ =	strace $0x9FFFFFFF  }
0xc2: {  	(tm) =	ssettm $0x7FFFFFFF  }
0xc3: {  	_ =	shalt  }
tec
execute0_lowered:
.L_overlay_start_1:
0x0: {  	(tag) =	ssettag $0x1  }
0x1: {  	s0 =	rddreg [dreg:$0x0]  }
0x2: {  	s2 =	rddreg [dreg:$0x1];
	s3 =	simm.s32 $0x0;
	s10 =	stileid.u32  }
0x3: {  	s5 =	srdreg.scid;
	s15 =	simm.s32 $0x9;
	s16 =	simm.s32 $0x100  }
0x4: {  	s17 =	simm.s32 $0x1;
	s18 =	simm.s32 $0x80;
	s19 =	simm.s32 $0x400  }
0x5: {  	s20 =	simm.s32 $0x5;
	s21 =	simm.s32 $0x200;
	s22 =	simm.s32 $0x2  }
0x6: {  	s23 =	simm.s32 $0x4400;
	s24 =	simm.s32 $0x6;
	s28 =	simm.s32 $0x300  }
0x7: {  	s29 =	simm.s32 $0x3;
	s30 =	simm.s32 $0x280;
	s31 =	simm.s32 $0x8  }
0x8: {  	[smem:$0x7FF] =	sst s3;
	s1 =	smul.u32 $0xA00, s10;
	s4 =	sadd.s32 $0x4600, s0  }
0x9: {  	s7 =	smul.u32 $0x2800, s10;
	s6 =	sadd.s32 $0x84A00, s0;
	s5 =	sand.u32 $0x1, s5  }
0xa: {  	s9 =	smul.u32 $0x50000, s10;
	s11 =	sadd.s32 $0xACA00, s0;
	s10 =	sshll.u32 s10, $0x6  }
0xb: {  	_ =	strace $0x8000004A;
	s8 =	ssub.s32 $0x2, s5;
	[dreg:$0x4] =	wrdreg s11  }
0xc: {  	s10 =	sor.u32 $0x1C09, s10;
	p0 =	seq.s32 s5, $0x1;
	s1 =	sadd.s32 s1, s0  }
0xd: {  	[dreg:$0x3] =	wrdreg s7;
	s7 =	sadd.s32 s7, s0;
	s0 =	sadd.s32 $0xD4A00, s0  }
0xe: {  	s25 =	sshrl.u32 s8, $0x1;
	s26 =	sshrl.u32 s9, $0x2;
	[dreg:$0x5] =	wrdreg s0  }
.Ltmp0:
0xf: {  	s0 =	ssub.s32 s8, s25;
	s8 =	sadd.s32 s26, s2;
	(pc) =	sbr.rel .LBB2_1-.Ltmp0, $4  }
0x10: {  	s7 =	sadd.s32 $0x5CA00, s7;
	s11 =	sadd.s32 $0x52A00, s1;
	s1 =	sadd.s32 $0x52A20, s1  }
0x11: {  	s25 =	simm.s32 $0x180;
	s26 =	simm.s32 $0x7;
	[dreg:$0x6] =	wrdreg s7  }
0x12: {  	[dreg:$0x7] =	wrdreg s1;
	s13 =	smax.u32 s0, $0x1;
	s14 =	sshrl.u32 s8, $0x3  }
0x13: {  	s0 =	simm.s32 $0x4;
	s1 =	simm.s32 $0x380;
	s7 =	simm.s32 $0x0  }
.LBB2_8:
0x14: {  	s5 =	rddreg [dreg:$0x5]  }
.LBB2_9:
0x15: {  	_ =	swait.ge [sflag:s31], $0x4000  }
0x16: {  	s7 =	sadd.s32 $0x1, s7;
	[sflag:s31] =	ssyncset.done $0x0  }
0x17: {  	s8 =	rddreg [dreg:$0x3];
	p1 =	sne.s32 s7, s13;
	[sflag:s31] =	ssyncadd.s32 $0xFFFFC000  }
.Ltmp1:
0x18: {  	s5 =	sadd.s32 s5, s8;
	[bflag:$0x0] =	sbarrier.arrive $0xFFFF;
	(pc) =	sbr.rel @!p1 .LBB2_10-.Ltmp1, $4  }
0x19: {  	[hbm:s5], [sflag:s10] =	dma.local [spmem:s14], $0x2800  }
0x1a: {  	_ =	swait.ge [sflag:s15], $0x2800  }
0x1b: {  	[sflag:s15] =	ssyncset.done $0x0  }
0x1c: {  	[sflag:s15] =	ssyncadd.s32 $0xFFFFD800  }
.LBB2_1:
0x1d: {  	s5 =	rddreg [dreg:$0x6]  }
0x1e: {  	[spmem:s14], [sflag:s10] =	dma.local [hbm:s5], $0x2800  }
0x1f: {  	_ =	swait.ge [sflag:s15], $0x2800  }
0x20: {  	[sflag:s15] =	ssyncset.done $0x0  }
0x21: {  	[sflag:s15] =	ssyncadd.s32 $0xFFFFD800  }
0x22: {  	[bflag:$0x0] =	sbarrier.arrive $0xFFFF  }
0x23: {  	[tilespmem:s3], [sflag:$0x1] =	stream.linear.gather [hbm4b:s11+s3], $0x100, $0x38;
	[tilespmem:$0x1C400] =	vst v63  }
.Ltmp2:
0x24: {  	s12 =	rddreg [dreg:$0x7];
	(pc) =	sbr.rel @!p0 .LBB2_2-.Ltmp2, $4  }
0x25: {  	[tilespmem:s16], [sflag:$0x2] =	stream.linear.gather [hbm4b:s12+s3], $0x100, $0x38;
	[tilespmem:$0x1C400] =	vst v63  }
0x26: {  	_ =	swait.ge [sflag:s17], $0x100  }
0x27: {  	[sflag:s17] =	ssyncset.done $0x0  }
0x28: {  	s8 =	simm.s32 $0x0;
	[sflag:s17] =	ssyncadd.s32 $0xFFFFFF00  }
0x29: {  	[tilespmem:s19], [sflag:$0x5] =	stream.indirect.gather [hbm4b:s6+s18], $0x80, s8, s18, $0xb8;
	[tilespmem:$0x1C400] =	vst v63  }
.LBB2_7:
0x2a: {  	_ =	swait.ge [sflag:s20], $0x4000  }
0x2b: {  	p1 =	seq.s32 s8, $0x0;
	[sflag:s20] =	ssyncset.done $0x0  }
0x2c: {  	s9 =	simm.s32 @!p1 $0x8;
	[sflag:s20] =	ssyncadd.s32 $0xFFFFC000  }
0x2d: {  	[spmem:s2] =	stream.indirect.scatter.add.f32 [tilespmem:s19], [sflag:$0x7], $0x80, s18, s18, $0xb8;
	[tilespmem:$0x1C400] =	vst v63  }
0x2e: {  	_ =	swait.ge @!p1 [sflag:s9], $0x4000  }
0x2f: {  	s5 =	sadd.s32 s8, s11;
	[sflag:s9] =	ssyncset.done @!p1 $0x0  }
0x30: {  	s12 =	sadd.s32 $0x40, s5;
	[sflag:s9] =	ssyncadd.s32 @!p1 $0xFFFFC000  }
0x31: {  	[tilespmem:s21], [sflag:$0x3] =	stream.linear.gather [hbm4b:s12+s3], $0x100, $0x38;
	[tilespmem:$0x1C400] =	vst v63  }
0x32: {  	_ =	swait.ge [sflag:s22], $0x100  }
0x33: {  	[sflag:s22] =	ssyncset.done $0x0  }
0x34: {  	[sflag:s22] =	ssyncadd.s32 $0xFFFFFF00  }
0x35: {  	[tilespmem:s23], [sflag:$0x6] =	stream.indirect.gather [hbm4b:s6+s18], $0x80, s16, s18, $0xb8;
	[tilespmem:$0x1C400] =	vst v63  }
0x36: {  	_ =	swait.ge [sflag:s24], $0x4000  }
0x37: {  	[sflag:s24] =	ssyncset.done $0x0  }
0x38: {  	[sflag:s24] =	ssyncadd.s32 $0xFFFFC000  }
0x39: {  	[spmem:s2] =	stream.indirect.scatter.add.f32 [tilespmem:s23], [sflag:$0x8], $0x80, s25, s18, $0xb8;
	[tilespmem:$0x1C400] =	vst v63  }
0x3a: {  	_ =	swait.ge [sflag:s26], $0x4000  }
0x3b: {  	[sflag:s26] =	ssyncset.done $0x0  }
0x3c: {  	s12 =	sadd.s32 $0x60, s5;
	[sflag:s26] =	ssyncadd.s32 $0xFFFFC000  }
0x3d: {  	[tilespmem:s28], [sflag:$0x4] =	stream.linear.gather [hbm4b:s12+s3], $0x100, $0x38;
	[tilespmem:$0x1C400] =	vst v63  }
0x3e: {  	_ =	swait.ge [sflag:s29], $0x100  }
0x3f: {  	[sflag:s29] =	ssyncset.done $0x0  }
0x40: {  	[sflag:s29] =	ssyncadd.s32 $0xFFFFFF00  }
0x41: {  	[tilespmem:s19], [sflag:$0x5] =	stream.indirect.gather [hbm4b:s6+s18], $0x80, s21, s18, $0xb8;
	[tilespmem:$0x1C400] =	vst v63  }
0x42: {  	_ =	swait.ge [sflag:s20], $0x4000  }
0x43: {  	[sflag:s20] =	ssyncset.done $0x0  }
0x44: {  	[sflag:s20] =	ssyncadd.s32 $0xFFFFC000  }
0x45: {  	[spmem:s2] =	stream.indirect.scatter.add.f32 [tilespmem:s19], [sflag:$0x7], $0x80, s30, s18, $0xb8;
	[tilespmem:$0x1C400] =	vst v63  }
0x46: {  	p1 =	seq.s32 s8, $0x980;
	_ =	swait.ge [sflag:s31], $0x4000  }
0x47: {  	s9 =	sadd.s32 @!p1 s8, s11;
	[sflag:s31] =	ssyncset.done $0x0  }
0x48: {  	s9 =	sadd.s32 @!p1 $0x80, s9;
	s12 =	simm.s32 @!p1 $0x0;
	[sflag:s31] =	ssyncadd.s32 $0xFFFFC000  }
0x49: {  	[tilespmem:s12], [sflag:$0x1] =	stream.linear.gather @!p1 [hbm4b:s9+s12], $0x100, $0x38;
	[tilespmem:$0x1C400] =	vst v63  }
0x4a: {  	_ =	swait.ge [sflag:s0], $0x100  }
0x4b: {  	[sflag:s0] =	ssyncset.done $0x0  }
0x4c: {  	[sflag:s0] =	ssyncadd.s32 $0xFFFFFF00  }
0x4d: {  	[tilespmem:s23], [sflag:$0x6] =	stream.indirect.gather [hbm4b:s6+s18], $0x80, s28, s18, $0xb8;
	[tilespmem:$0x1C400] =	vst v63  }
0x4e: {  	_ =	swait.ge [sflag:s24], $0x4000  }
0x4f: {  	[sflag:s24] =	ssyncset.done $0x0  }
.Ltmp3:
0x50: {  	[sflag:s24] =	ssyncadd.s32 $0xFFFFC000;
	(pc) =	sbr.rel @p1 .LBB2_8-.Ltmp3, $4  }
0x51: {  	[spmem:s2] =	stream.indirect.scatter.add.f32 [tilespmem:s23], [sflag:$0x8], $0x80, s1, s18, $0xb8;
	[tilespmem:$0x1C400] =	vst v63  }
0x52: {  	_ =	swait.ge [sflag:s26], $0x4000  }
0x53: {  	[sflag:s26] =	ssyncset.done $0x0  }
0x54: {  	[sflag:s26] =	ssyncadd.s32 $0xFFFFC000  }
0x55: {  	s5 =	sadd.s32 $0xA0, s5  }
0x56: {  	[tilespmem:s16], [sflag:$0x2] =	stream.linear.gather [hbm4b:s5+s3], $0x100, $0x38;
	[tilespmem:$0x1C400] =	vst v63  }
.Ltmp4:
0x57: {  	_ = 	snop;
	(pc) =	sbr.rel .LBB2_7-.Ltmp4, $4  }
0x58: {  	_ =	swait.ge [sflag:s17], $0x100  }
0x59: {  	[sflag:s17] =	ssyncset.done $0x0  }
0x5a: {  	s8 =	sadd.s32 $0x80, s8;
	[sflag:s17] =	ssyncadd.s32 $0xFFFFFF00  }
0x5b: {  	[tilespmem:s19], [sflag:$0x5] =	stream.indirect.gather [hbm4b:s6+s18], $0x80, s3, s18, $0xb8;
	[tilespmem:$0x1C400] =	vst v63  }
.LBB2_2:
0x5c: {  	[tilespmem:s19], [sflag:$0x5] =	stream.indirect.gather [hbm4b:s4+s18], $0x80, s8, s18, $0xb8;
	[tilespmem:$0x1C400] =	vst v63  }
.LBB2_3:
0x5d: {  	_ =	swait.ge [sflag:s20], $0x4000  }
0x5e: {  	p1 =	seq.s32 s8, $0x0;
	[sflag:s20] =	ssyncset.done $0x0  }
0x5f: {  	s9 =	simm.s32 @!p1 $0x8;
	[sflag:s20] =	ssyncadd.s32 $0xFFFFC000  }
0x60: {  	[spmem:s2] =	stream.indirect.scatter.add.f32 [tilespmem:s19], [sflag:$0x7], $0x80, s18, s18, $0xb8;
	[tilespmem:$0x1C400] =	vst v63  }
0x61: {  	_ =	swait.ge @!p1 [sflag:s9], $0x4000  }
0x62: {  	s5 =	sadd.s32 s8, s11;
	[sflag:s9] =	ssyncset.done @!p1 $0x0  }
0x63: {  	s12 =	sadd.s32 $0x40, s5;
	[sflag:s9] =	ssyncadd.s32 @!p1 $0xFFFFC000  }
0x64: {  	[tilespmem:s21], [sflag:$0x3] =	stream.linear.gather [hbm4b:s12+s3], $0x100, $0x38;
	[tilespmem:$0x1C400] =	vst v63  }
0x65: {  	_ =	swait.ge [sflag:s22], $0x100  }
0x66: {  	[sflag:s22] =	ssyncset.done $0x0  }
0x67: {  	[sflag:s22] =	ssyncadd.s32 $0xFFFFFF00  }
0x68: {  	[tilespmem:s23], [sflag:$0x6] =	stream.indirect.gather [hbm4b:s4+s18], $0x80, s16, s18, $0xb8;
	[tilespmem:$0x1C400] =	vst v63  }
0x69: {  	_ =	swait.ge [sflag:s24], $0x4000  }
0x6a: {  	[sflag:s24] =	ssyncset.done $0x0  }
0x6b: {  	[sflag:s24] =	ssyncadd.s32 $0xFFFFC000  }
0x6c: {  	[spmem:s2] =	stream.indirect.scatter.add.f32 [tilespmem:s23], [sflag:$0x8], $0x80, s25, s18, $0xb8;
	[tilespmem:$0x1C400] =	vst v63  }
0x6d: {  	_ =	swait.ge [sflag:s26], $0x4000  }
0x6e: {  	[sflag:s26] =	ssyncset.done $0x0  }
0x6f: {  	s12 =	sadd.s32 $0x60, s5;
	[sflag:s26] =	ssyncadd.s32 $0xFFFFC000  }
0x70: {  	[tilespmem:s28], [sflag:$0x4] =	stream.linear.gather [hbm4b:s12+s3], $0x100, $0x38;
	[tilespmem:$0x1C400] =	vst v63  }
0x71: {  	_ =	swait.ge [sflag:s29], $0x100  }
0x72: {  	[sflag:s29] =	ssyncset.done $0x0  }
0x73: {  	[sflag:s29] =	ssyncadd.s32 $0xFFFFFF00  }
0x74: {  	[tilespmem:s19], [sflag:$0x5] =	stream.indirect.gather [hbm4b:s4+s18], $0x80, s21, s18, $0xb8;
	[tilespmem:$0x1C400] =	vst v63  }
0x75: {  	_ =	swait.ge [sflag:s20], $0x4000  }
0x76: {  	[sflag:s20] =	ssyncset.done $0x0  }
0x77: {  	[sflag:s20] =	ssyncadd.s32 $0xFFFFC000  }
0x78: {  	[spmem:s2] =	stream.indirect.scatter.add.f32 [tilespmem:s19], [sflag:$0x7], $0x80, s30, s18, $0xb8;
	[tilespmem:$0x1C400] =	vst v63  }
0x79: {  	p1 =	seq.s32 s8, $0x980;
	_ =	swait.ge [sflag:s31], $0x4000  }
0x7a: {  	s9 =	sadd.s32 @!p1 s8, s11;
	[sflag:s31] =	ssyncset.done $0x0  }
0x7b: {  	s9 =	sadd.s32 @!p1 $0x80, s9;
	s12 =	simm.s32 @!p1 $0x0;
	[sflag:s31] =	ssyncadd.s32 $0xFFFFC000  }
0x7c: {  	[tilespmem:s12], [sflag:$0x1] =	stream.linear.gather @!p1 [hbm4b:s9+s12], $0x100, $0x38;
	[tilespmem:$0x1C400] =	vst v63  }
0x7d: {  	_ =	swait.ge [sflag:s0], $0x100  }
0x7e: {  	[sflag:s0] =	ssyncset.done $0x0  }
0x7f: {  	[sflag:s0] =	ssyncadd.s32 $0xFFFFFF00  }
0x80: {  	[tilespmem:s23], [sflag:$0x6] =	stream.indirect.gather [hbm4b:s4+s18], $0x80, s28, s18, $0xb8;
	[tilespmem:$0x1C400] =	vst v63  }
0x81: {  	_ =	swait.ge [sflag:s24], $0x4000  }
0x82: {  	[sflag:s24] =	ssyncset.done $0x0  }
.Ltmp5:
0x83: {  	[sflag:s24] =	ssyncadd.s32 $0xFFFFC000;
	(pc) =	sbr.rel @p1 .LBB2_4-.Ltmp5, $4  }
0x84: {  	[spmem:s2] =	stream.indirect.scatter.add.f32 [tilespmem:s23], [sflag:$0x8], $0x80, s1, s18, $0xb8;
	[tilespmem:$0x1C400] =	vst v63  }
0x85: {  	_ =	swait.ge [sflag:s26], $0x4000  }
0x86: {  	[sflag:s26] =	ssyncset.done $0x0  }
0x87: {  	[sflag:s26] =	ssyncadd.s32 $0xFFFFC000  }
0x88: {  	s5 =	sadd.s32 $0xA0, s5  }
0x89: {  	[tilespmem:s16], [sflag:$0x2] =	stream.linear.gather [hbm4b:s5+s3], $0x100, $0x38;
	[tilespmem:$0x1C400] =	vst v63  }
.Ltmp6:
0x8a: {  	_ = 	snop;
	(pc) =	sbr.rel .LBB2_3-.Ltmp6, $4  }
0x8b: {  	_ =	swait.ge [sflag:s17], $0x100  }
0x8c: {  	[sflag:s17] =	ssyncset.done $0x0  }
0x8d: {  	s8 =	sadd.s32 $0x80, s8;
	[sflag:s17] =	ssyncadd.s32 $0xFFFFFF00  }
0x8e: {  	[tilespmem:s19], [sflag:$0x5] =	stream.indirect.gather [hbm4b:s4+s18], $0x80, s3, s18, $0xb8;
	[tilespmem:$0x1C400] =	vst v63  }
.LBB2_4:
.Ltmp7:
0x8f: {  	(pc) =	sbr.rel .LBB2_9-.Ltmp7, $2  }
0x90: {  	_ =	sdelay $0x2  }
0x91: {  	s5 =	rddreg [dreg:$0x4]  }
.LBB2_10:
0x92: {  	_ =	sfence.sel $0x180000  }
0x93: {  	[bflag:$0x0] =	sbarrier.arrive $0xFFFF  }
0x94: {  	_ =	strace $0x9000004A  }
0x95: {  	s0 =	stileid.u32;
	[bflag:$0x2] =	sbarrier.arrive $0xFFFF  }
0x96: {  	p0 =	sne.s32 s0, $0x0;
	s0 =	rddreg [dreg:$0x2]  }
0x97: {  	s0 =	sadd.s32 @!p0 $0x100000, s0  }
0x98: {  	[sflag:s0] =	ssyncadd.tile.s32 @!p0 $0x1;
	_ =	shalt  }
.Lfunc_end2:
_tile_overlayer_lowered:
.L_overlay_start_2:
0x99: {  	(tag) =	ssettag $0x2  }
0x9a: {  	s0 =	rddreg [dreg:$0x0];
	s2 =	stileid.u32  }
0x9b: {  	s1 =	rddreg [dreg:$0x1];
	p0 =	sne.s32 s2, $0x0  }
0x9c: {  	s3 =	rddreg [dreg:$0x2];
	[bflag:$0x3] =	sbarrier.arrive $0xFFFF;
	s2 =	simm.s32 @!p0 $0x1C09  }
0x9d: {  	[timem:s3], [sflag:s2] =	dma.local @!p0 [hbm:s0], s1  }
0x9e: {  	s0 =	simm.s32 @!p0 $0x9  }
0x9f: {  	_ =	swait.ge @!p0 [sflag:s0], s1  }
0xa0: {  	s1 =	ssub.s32 @!p0 $0x0, s1;
	[sflag:s0] =	ssyncset.done @!p0 $0x0  }
0xa1: {  	[sflag:s0] =	ssyncadd.s32 @!p0 s1  }
0xa2: {  	[bflag:$0x3] =	sbarrier.arrive $0xFFFF  }
0xa3: {  	_ =	shalt  }

// kernel: kernel.8.cloned.1.call-start
scs
__scs_entry_jumppad:
0x0: {  	(pc) =	sbr.rel $0x88, $3  }
0x1: {  	(tag) =	ssettag $0x0;
	lr =	simm.s32 $0x1  }
0x2: {  	[smem:$0x3F8A] =	sst lr;
	_ =	strace $0xD0000000  }
0x3: {  	_ = 	snop  }
0x4: {  	_ = 	snop  }
0x5: {  	_ = 	snop  }
0x6: {  	_ = 	snop  }
0x7: {  	_ = 	snop  }
__scs_overlays_trampoline_lowered:
0x8: {  	[smem:$0x3F99] =	sst s0  }
0x9: {  	[smem:$0x3F9A] =	sst s1  }
0xa: {  	[smem:$0x3F9B] =	sst s2  }
0xb: {  	[smem:$0x3F9C] =	sst s3  }
0xc: {  	[smem:$0x3F9D] =	sst s4  }
0xd: {  	[smem:$0x3F9E] =	sst s5  }
0xe: {  	[smem:$0x3F9F] =	sst s6  }
0xf: {  	[smem:$0x3FA0] =	sst s7  }
0x10: {  	[smem:$0x3FA1] =	sst s8  }
0x11: {  	[smem:$0x3FA2] =	sst s9;
	s0 =	simm.s32 @!p0 $0x0  }
0x12: {  	s1 =	sld [smem:$0x3F88];
	s0 =	simm.s32 @p0 $0x1  }
0x13: {  	[smem:$0x3FA3] =	sst s0;
	s0 =	simm.s32 @!p1 $0x0  }
0x14: {  	s2 =	sld [smem:$0x3F87];
	s0 =	simm.s32 @p1 $0x1  }
0x15: {  	[smem:$0x3FA4] =	sst s0;
	s0 =	simm.s32 @!p2 $0x0  }
0x16: {  	s3 =	sld [smem:$0x3FDB];
	s0 =	simm.s32 @p2 $0x1  }
0x17: {  	s4 =	simm.s32 $0x1BF5;
	[smem:$0x3FA6] =	sst s0  }
0x18: {  	s0 =	sld [smem:$0x3F89];
	_ =	swait.ge [sflag:s4], $0x0  }
0x19: {  	s7 =	sld [smem:$0x3F8A]  }
0x1a: {  	s8 =	sadd.s32 $0xFFFFE003, lr  }
0x1b: {  	s9 =	sadd.s32 $0xFFFFFEF7, lr;
	s5 =	simm.s32 $0xFFFFFFFF;
	p2 =	slt.u32 s8, $0xFFFFF086  }
0x1c: {  	p1 =	slt.u32 s9, $0xF7A;
	s5 =	simm.s32 @!p2 $0x0  }
0x1d: {  	s5 =	simm.s32 @p1 $0x1;
	p0 =	seq.s32 s7, s2  }
0x1e: {  	s7 =	smul.u32 @!p0 $0xF7A, s2;
	p2 =	seq.s32 @!p0 s5, $0x0  }
0x1f: {  	s9 =	smul.u32 $0xF7A, s1;
	s8 =	simm.s32 @!p0 $0x1BF5;
	p2 =	por !p2, p0  }
0x20: {  	[sflag:s8] =	ssyncset.s32 @!p0 $0xFFFFF086;
	s6 =	sadd.s32 @!p0 s3, s7;
	s7 =	simm.s32 @!p0 $0x108  }
0x21: {  	s3 =	sadd.s32 s3, s9;
	s6 =	sadd.s32 @!p0 $0x88, s6;
	s7 =	simm.s32 @p2 $0x1082  }
0x22: {  	[simem:s7], [sflag:s8] =	dma.local @!p0 [hbm:s6], $0xF7A  }
0x23: {  	s9 =	sor.u32 $0xD0000000, s2;
	s6 =	simm.s32 $0x108;
	_ =	swait.ge @!p0 [sflag:s8], $0x0  }
0x24: {  	s3 =	sadd.s32 $0x88, s3;
	s6 =	simm.s32 @!p1 $0x1082;
	[sflag:s4] =	ssyncset.s32 $0xFFFFF086  }
0x25: {  	[simem:s6], [sflag:s4] =	dma.local [hbm:s3], $0xF7A  }
0x26: {  	[smem:$0x3F8A] =	sst s1;
	(tag) =	ssettag s2;
	_ =	strace s9  }
0x27: {  	s1 =	sld [smem:$0x3F9A]  }
0x28: {  	s2 =	sld [smem:$0x3F9B]  }
0x29: {  	s4 =	sld [smem:$0x3F9D]  }
0x2a: {  	p0 =	seq.s32 s5, $0x0;
	s5 =	sld [smem:$0x3F9E]  }
0x2b: {  	s6 =	sld [smem:$0x3F9F]  }
0x2c: {  	s7 =	sld [smem:$0x3FA0]  }
0x2d: {  	s3 =	simm.s32 $0x108;
	s8 =	sld [smem:$0x3FA1]  }
0x2e: {  	s3 =	simm.s32 @!p0 $0x1082;
	s9 =	sld [smem:$0x3FA2]  }
0x2f: {  	lr =	sadd.s32 s0, s3;
	s0 =	sld [smem:$0x3F99]  }
0x30: {  	s3 =	sld [smem:$0x3F9C]  }
0x31: {  	[smem:$0x3FA5] =	sst s10  }
0x32: {  	s10 =	sld [smem:$0x3FA3];
	_ =	sdelay $0x3  }
0x33: {  	p0 =	seq.s32 s10, $0x1;
	s10 =	sld [smem:$0x3FA5];
	_ =	sdelay $0x3  }
0x34: {  	[smem:$0x3FA5] =	sst s10  }
0x35: {  	s10 =	sld [smem:$0x3FA4];
	_ =	sdelay $0x3  }
0x36: {  	p1 =	seq.s32 s10, $0x1;
	s10 =	sld [smem:$0x3FA5];
	_ =	sdelay $0x3  }
0x37: {  	[smem:$0x3FA5] =	sst s10  }
0x38: {  	s10 =	sld [smem:$0x3FA6]  }
0x39: {  	_ = 	snop;
	(pc) =	sbr.ind lr, $3  }
0x3a: {  	_ = 	snop  }
0x3b: {  	_ = 	snop  }
0x3c: {  	p2 =	seq.s32 s10, $0x1;
	s10 =	sld [smem:$0x3FA5]  }
0x3d: {  	_ =	shalt  }
0x3e: {  	_ =	shalt  }
0x3f: {  	_ =	shalt  }
0x40: {  	_ =	shalt  }
0x41: {  	_ =	shalt  }
0x42: {  	_ =	shalt  }
0x43: {  	_ =	shalt  }
0x44: {  	_ =	shalt  }
0x45: {  	_ =	shalt  }
0x46: {  	_ =	shalt  }
0x47: {  	_ =	shalt  }
0x48: {  	_ =	shalt  }
0x49: {  	_ =	shalt  }
0x4a: {  	_ =	shalt  }
0x4b: {  	_ =	shalt  }
0x4c: {  	_ =	shalt  }
0x4d: {  	_ =	shalt  }
0x4e: {  	_ =	shalt  }
0x4f: {  	_ =	shalt  }
0x50: {  	_ =	shalt  }
0x51: {  	_ =	shalt  }
0x52: {  	_ =	shalt  }
0x53: {  	_ =	shalt  }
0x54: {  	_ =	shalt  }
0x55: {  	_ =	shalt  }
0x56: {  	_ =	shalt  }
0x57: {  	_ =	shalt  }
0x58: {  	_ =	shalt  }
0x59: {  	_ =	shalt  }
0x5a: {  	_ =	shalt  }
0x5b: {  	_ =	shalt  }
0x5c: {  	_ =	shalt  }
0x5d: {  	_ =	shalt  }
0x5e: {  	_ =	shalt  }
0x5f: {  	_ =	shalt  }
0x60: {  	_ =	shalt  }
0x61: {  	_ =	shalt  }
0x62: {  	_ =	shalt  }
0x63: {  	_ =	shalt  }
0x64: {  	_ =	shalt  }
0x65: {  	_ =	shalt  }
0x66: {  	_ =	shalt  }
0x67: {  	_ =	shalt  }
0x68: {  	_ =	shalt  }
0x69: {  	_ =	shalt  }
0x6a: {  	_ =	shalt  }
0x6b: {  	_ =	shalt  }
0x6c: {  	_ =	shalt  }
0x6d: {  	_ =	shalt  }
0x6e: {  	_ =	shalt  }
0x6f: {  	_ =	shalt  }
0x70: {  	_ =	shalt  }
0x71: {  	_ =	shalt  }
0x72: {  	_ =	shalt  }
0x73: {  	_ =	shalt  }
0x74: {  	_ =	shalt  }
0x75: {  	_ =	shalt  }
0x76: {  	_ =	shalt  }
0x77: {  	_ =	shalt  }
0x78: {  	_ =	shalt  }
0x79: {  	_ =	shalt  }
0x7a: {  	_ =	shalt  }
0x7b: {  	_ =	shalt  }
0x7c: {  	_ =	shalt  }
0x7d: {  	_ =	shalt  }
0x7e: {  	_ =	shalt  }
0x7f: {  	_ =	shalt  }
0x80: {  	_ =	shalt  }
0x81: {  	_ =	shalt  }
0x82: {  	_ =	shalt  }
0x83: {  	_ =	shalt  }
0x84: {  	_ =	shalt  }
0x85: {  	_ =	shalt  }
0x86: {  	_ =	shalt  }
0x87: {  	_ =	shalt  }
.Lfunc_end0:
.L_simem_size_0:
called_computation_lowered:
.L_overlay_start_0:
0x88: {  	s2 =	sld [smem:$0x3FD9]  }
0x89: {  	s3 =	sld [smem:$0x3FFE];
	_ =	sdelay $0x1  }
0x8a: {  	s1 =	srdreg.scid  }
0x8b: {  	s0 =	sand.u32 $0x1, s1  }
0x8c: {  	s16 =	sshll.u32 s0, $0xA;
	s2 =	sadd.s32 s3, s2  }
0x8d: {  	s2 =	sadd.s32 s2, s16  }
0x8e: {  	[smem:$0x3FB1] =	sst s2  }
0x8f: {  	_ = 	snop  }
0x90: {  	(tm) =	ssettm $0x1  }
0x91: {  	s17 =	sld [smem:$0x3FFB];
	_ =	sdelay $0x3  }
0x92: {  	_ =	strace s17  }
0x93: {  	s2 =	sld [smem:$0x3FFC];
	_ =	sdelay $0x3  }
0x94: {  	_ =	strace s2  }
0x95: {  	s2 =	sld [smem:$0x3FFD];
	_ =	sdelay $0x3  }
0x96: {  	_ =	strace s2  }
0x97: {  	_ =	strace $0x8FFFFFFF  }
0x98: {  	s18 =	sld [smem:$0x3FDB];
	_ =	sdelay $0x1  }
0x99: {  	s19 =	simm.s32 $_scs_section_size  }
0x9a: {  	s4 =	simm.s32 $_size__tile_overlayer_lowered;
	s5 =	simm.s32 $_tile_overlayer_lowered  }
0x9b: {  	s22 =	simm.s32 $0x1BFF;
	s21 =	sshll.u32 s5, $0x1;
	s2 =	sadd.s32 s19, s18  }
0x9c: {  	s6 =	simm.s32 $0x0;
	s20 =	sshll.u32 s4, $0x1;
	s4 =	sadd.s32 s21, s2  }
0x9d: {  	[timem:s6], [sflag:s22] =	dma.local [hbm:s4], s20  }
0x9e: {  	_ =	swait.ge [sflag:s22], s20  }
0x9f: {  	s3 =	ssub.s32 $0x0, s20;
	[sflag:s22] =	ssyncset.done $0x0  }
0xa0: {  	[sflag:s22] =	ssyncadd.s32 s3;
	_ =	sdelay $0x1  }
0xa1: {  	s23 =	simm.s32 $0x1B8B  }
0xa2: {  	_ =	swait.ge [sflag:s23], $0x1  }
0xa3: {  	[sflag:s23] =	ssyncset.done $0x0  }
0xa4: {  	s25 =	simm.s32 $0x1B8E;
	s24 =	sld [smem:$0x3FFE];
	[sflag:s23] =	ssyncadd.s32 $0xFFFFFFFF  }
0xa5: {  	s26 =	simm.s32 $execute0_lowered;
	[smem:$0x3FD2] =	sst s25  }
0xa6: {  	s4 =	sshll.u32 s26, $0x1;
	_ =	strace $0x80000046;
	[dreg:$0x1] =	wrdreg $0xFFFFFFFF  }
0xa7: {  	s28 =	simm.s32 $_size_execute0_lowered;
	s2 =	sadd.s32 s2, s4;
	[dreg:$0x0] =	wrdreg $0x0  }
0xa8: {  	s4 =	sshll.u32 s28, $0x1;
	[dreg:$0x2] =	wrdreg s2  }
0xa9: {  	[dreg:$0x3] =	wrdreg s4  }
0xaa: {  	[dreg:$0x4] =	wrdreg $0xC0  }
0xab: {  	_ =	task [dreg:s6], $0x5FFFF  }
0xac: {  	[dreg:$0x1] =	wrdreg $0xFFFFFFFF  }
0xad: {  	[dreg:$0x0] =	wrdreg $0x60  }
0xae: {  	[dreg:$0x2] =	wrdreg s24  }
0xaf: {  	[dreg:$0x3] =	wrdreg $0x84000  }
0xb0: {  	[dreg:$0x4] =	wrdreg $0x9  }
0xb1: {  	_ =	task.clear_ibuf [dreg:s6], $0x5FFFF;
	_ =	strace $0x90000046  }
0xb2: {  	s29 =	simm.s32 $0x9;
	_ =	strace $0x80000048  }
0xb3: {  	_ =	swait.ge [sflag:s29], $0x1  }
0xb4: {  	[sflag:s29] =	ssyncadd.s32 $0xFFFFFFFF  }
0xb5: {  	_ =	strace $0x90000048  }
0xb6: {  	_ =	sfence  }
0xb7: {  	s30 =	sld [smem:$0x0];
	_ =	sdelay $0x2  }
0xb8: {  	s31 =	sshll.u32 s1, $0xD;
	s1 =	sshrl.u32 s1, $0x2  }
0xb9: {  	s3 =	sand.u32 $0x4000, s31;
	s1 =	sadd.s32 s1, s30  }
0xba: {  	s0 =	sor.u32 s3, s0;
	s1 =	sshll.u32 s1, $0x11  }
0xbb: {  	s0 =	sor.u32 s1, s0  }
0xbc: {  	s0 =	sadd.s32 $0x8F2B, s0  }
0xbd: {  	[sflag:s0] =	ssyncadd.remote.s32 $0x1  }
0xbe: {  	_ =	sfence.sel $0xFFFF  }
0xbf: {  	[dreg:$0x0] =	wrdreg $0xFFFFFFFF;
	(pc) =	sbr.abs _section_cstart, $3  }
0xc0: {  	[dreg:$0x1] =	wrdreg $0xFFFFFFFF  }
0xc1: {  	_ =	task.clear_ibuf [dreg:s6], $0x2FFFF;
	_ =	strace $0x9FFFFFFF  }
0xc2: {  	(tm) =	ssettm $0x7FFFFFFF  }
0xc3: {  	_ =	shalt  }
tec
execute0_lowered:
.L_overlay_start_1:
0x0: {  	(tag) =	ssettag $0x1  }
0x1: {  	s0 =	rddreg [dreg:$0x0]  }
0x2: {  	s2 =	rddreg [dreg:$0x1];
	s3 =	simm.s32 $0x0;
	s10 =	stileid.u32  }
0x3: {  	s5 =	srdreg.scid;
	s15 =	simm.s32 $0x9;
	s16 =	simm.s32 $0x100  }
0x4: {  	s17 =	simm.s32 $0x1;
	s18 =	simm.s32 $0x80;
	s19 =	simm.s32 $0x400  }
0x5: {  	s20 =	simm.s32 $0x5;
	s21 =	simm.s32 $0x200;
	s22 =	simm.s32 $0x2  }
0x6: {  	s23 =	simm.s32 $0x4400;
	s24 =	simm.s32 $0x6;
	s28 =	simm.s32 $0x300  }
0x7: {  	s29 =	simm.s32 $0x3;
	s30 =	simm.s32 $0x280;
	s31 =	simm.s32 $0x8  }
0x8: {  	[smem:$0x7FF] =	sst s3;
	s1 =	smul.u32 $0xA00, s10;
	s4 =	sadd.s32 $0x2B800, s0  }
0x9: {  	s7 =	smul.u32 $0x2800, s10;
	s6 =	sadd.s32 $0x4600, s0;
	s5 =	sand.u32 $0x1, s5  }
0xa: {  	s9 =	smul.u32 $0x50000, s10;
	s11 =	sadd.s32 $0x84A00, s0;
	s10 =	sshll.u32 s10, $0x6  }
0xb: {  	_ =	strace $0x80000047;
	s8 =	ssub.s32 $0x2, s5;
	[dreg:$0x4] =	wrdreg s11  }
0xc: {  	s10 =	sor.u32 $0x1C09, s10;
	p0 =	seq.s32 s5, $0x1;
	s1 =	sadd.s32 s1, s0  }
0xd: {  	[dreg:$0x3] =	wrdreg s7;
	s7 =	sadd.s32 s7, s0;
	s0 =	sadd.s32 $0xACA00, s0  }
0xe: {  	s25 =	sshrl.u32 s8, $0x1;
	s26 =	sshrl.u32 s9, $0x2;
	[dreg:$0x5] =	wrdreg s0  }
.Ltmp0:
0xf: {  	s0 =	ssub.s32 s8, s25;
	s8 =	sadd.s32 s26, s2;
	(pc) =	sbr.rel .LBB2_1-.Ltmp0, $4  }
0x10: {  	s7 =	sadd.s32 $0x5CA00, s7;
	s11 =	sadd.s32 $0x52A00, s1;
	s1 =	sadd.s32 $0x52A20, s1  }
0x11: {  	s25 =	simm.s32 $0x180;
	s26 =	simm.s32 $0x7;
	[dreg:$0x6] =	wrdreg s7  }
0x12: {  	[dreg:$0x7] =	wrdreg s1;
	s13 =	smax.u32 s0, $0x1;
	s14 =	sshrl.u32 s8, $0x3  }
0x13: {  	s0 =	simm.s32 $0x4;
	s1 =	simm.s32 $0x380;
	s7 =	simm.s32 $0x0  }
.LBB2_8:
0x14: {  	s5 =	rddreg [dreg:$0x5]  }
.LBB2_9:
0x15: {  	_ =	swait.ge [sflag:s31], $0x4000  }
0x16: {  	s7 =	sadd.s32 $0x1, s7;
	[sflag:s31] =	ssyncset.done $0x0  }
0x17: {  	s8 =	rddreg [dreg:$0x3];
	p1 =	sne.s32 s7, s13;
	[sflag:s31] =	ssyncadd.s32 $0xFFFFC000  }
.Ltmp1:
0x18: {  	s5 =	sadd.s32 s5, s8;
	[bflag:$0x0] =	sbarrier.arrive $0xFFFF;
	(pc) =	sbr.rel @!p1 .LBB2_10-.Ltmp1, $4  }
0x19: {  	[hbm:s5], [sflag:s10] =	dma.local [spmem:s14], $0x2800  }
0x1a: {  	_ =	swait.ge [sflag:s15], $0x2800  }
0x1b: {  	[sflag:s15] =	ssyncset.done $0x0  }
0x1c: {  	[sflag:s15] =	ssyncadd.s32 $0xFFFFD800  }
.LBB2_1:
0x1d: {  	s5 =	rddreg [dreg:$0x6]  }
0x1e: {  	[spmem:s14], [sflag:s10] =	dma.local [hbm:s5], $0x2800  }
0x1f: {  	_ =	swait.ge [sflag:s15], $0x2800  }
0x20: {  	[sflag:s15] =	ssyncset.done $0x0  }
0x21: {  	[sflag:s15] =	ssyncadd.s32 $0xFFFFD800  }
0x22: {  	[bflag:$0x0] =	sbarrier.arrive $0xFFFF  }
0x23: {  	[tilespmem:s3], [sflag:$0x1] =	stream.linear.gather [hbm4b:s11+s3], $0x100, $0x38;
	[tilespmem:$0x1C400] =	vst v63  }
.Ltmp2:
0x24: {  	s12 =	rddreg [dreg:$0x7];
	(pc) =	sbr.rel @!p0 .LBB2_2-.Ltmp2, $4  }
0x25: {  	[tilespmem:s16], [sflag:$0x2] =	stream.linear.gather [hbm4b:s12+s3], $0x100, $0x38;
	[tilespmem:$0x1C400] =	vst v63  }
0x26: {  	_ =	swait.ge [sflag:s17], $0x100  }
0x27: {  	[sflag:s17] =	ssyncset.done $0x0  }
0x28: {  	s8 =	simm.s32 $0x0;
	[sflag:s17] =	ssyncadd.s32 $0xFFFFFF00  }
0x29: {  	[tilespmem:s19], [sflag:$0x5] =	stream.indirect.gather [hbm4b:s6+s18], $0x80, s8, s18, $0xb8;
	[tilespmem:$0x1C400] =	vst v63  }
.LBB2_7:
0x2a: {  	_ =	swait.ge [sflag:s20], $0x4000  }
0x2b: {  	p1 =	seq.s32 s8, $0x0;
	[sflag:s20] =	ssyncset.done $0x0  }
0x2c: {  	s9 =	simm.s32 @!p1 $0x8;
	[sflag:s20] =	ssyncadd.s32 $0xFFFFC000  }
0x2d: {  	[spmem:s2] =	stream.indirect.scatter.add.f32 [tilespmem:s19], [sflag:$0x7], $0x80, s18, s18, $0xb8;
	[tilespmem:$0x1C400] =	vst v63  }
0x2e: {  	_ =	swait.ge @!p1 [sflag:s9], $0x4000  }
0x2f: {  	s5 =	sadd.s32 s8, s11;
	[sflag:s9] =	ssyncset.done @!p1 $0x0  }
0x30: {  	s12 =	sadd.s32 $0x40, s5;
	[sflag:s9] =	ssyncadd.s32 @!p1 $0xFFFFC000  }
0x31: {  	[tilespmem:s21], [sflag:$0x3] =	stream.linear.gather [hbm4b:s12+s3], $0x100, $0x38;
	[tilespmem:$0x1C400] =	vst v63  }
0x32: {  	_ =	swait.ge [sflag:s22], $0x100  }
0x33: {  	[sflag:s22] =	ssyncset.done $0x0  }
0x34: {  	[sflag:s22] =	ssyncadd.s32 $0xFFFFFF00  }
0x35: {  	[tilespmem:s23], [sflag:$0x6] =	stream.indirect.gather [hbm4b:s6+s18], $0x80, s16, s18, $0xb8;
	[tilespmem:$0x1C400] =	vst v63  }
0x36: {  	_ =	swait.ge [sflag:s24], $0x4000  }
0x37: {  	[sflag:s24] =	ssyncset.done $0x0  }
0x38: {  	[sflag:s24] =	ssyncadd.s32 $0xFFFFC000  }
0x39: {  	[spmem:s2] =	stream.indirect.scatter.add.f32 [tilespmem:s23], [sflag:$0x8], $0x80, s25, s18, $0xb8;
	[tilespmem:$0x1C400] =	vst v63  }
0x3a: {  	_ =	swait.ge [sflag:s26], $0x4000  }
0x3b: {  	[sflag:s26] =	ssyncset.done $0x0  }
0x3c: {  	s12 =	sadd.s32 $0x60, s5;
	[sflag:s26] =	ssyncadd.s32 $0xFFFFC000  }
0x3d: {  	[tilespmem:s28], [sflag:$0x4] =	stream.linear.gather [hbm4b:s12+s3], $0x100, $0x38;
	[tilespmem:$0x1C400] =	vst v63  }
0x3e: {  	_ =	swait.ge [sflag:s29], $0x100  }
0x3f: {  	[sflag:s29] =	ssyncset.done $0x0  }
0x40: {  	[sflag:s29] =	ssyncadd.s32 $0xFFFFFF00  }
0x41: {  	[tilespmem:s19], [sflag:$0x5] =	stream.indirect.gather [hbm4b:s6+s18], $0x80, s21, s18, $0xb8;
	[tilespmem:$0x1C400] =	vst v63  }
0x42: {  	_ =	swait.ge [sflag:s20], $0x4000  }
0x43: {  	[sflag:s20] =	ssyncset.done $0x0  }
0x44: {  	[sflag:s20] =	ssyncadd.s32 $0xFFFFC000  }
0x45: {  	[spmem:s2] =	stream.indirect.scatter.add.f32 [tilespmem:s19], [sflag:$0x7], $0x80, s30, s18, $0xb8;
	[tilespmem:$0x1C400] =	vst v63  }
0x46: {  	p1 =	seq.s32 s8, $0x980;
	_ =	swait.ge [sflag:s31], $0x4000  }
0x47: {  	s9 =	sadd.s32 @!p1 s8, s11;
	[sflag:s31] =	ssyncset.done $0x0  }
0x48: {  	s9 =	sadd.s32 @!p1 $0x80, s9;
	s12 =	simm.s32 @!p1 $0x0;
	[sflag:s31] =	ssyncadd.s32 $0xFFFFC000  }
0x49: {  	[tilespmem:s12], [sflag:$0x1] =	stream.linear.gather @!p1 [hbm4b:s9+s12], $0x100, $0x38;
	[tilespmem:$0x1C400] =	vst v63  }
0x4a: {  	_ =	swait.ge [sflag:s0], $0x100  }
0x4b: {  	[sflag:s0] =	ssyncset.done $0x0  }
0x4c: {  	[sflag:s0] =	ssyncadd.s32 $0xFFFFFF00  }
0x4d: {  	[tilespmem:s23], [sflag:$0x6] =	stream.indirect.gather [hbm4b:s6+s18], $0x80, s28, s18, $0xb8;
	[tilespmem:$0x1C400] =	vst v63  }
0x4e: {  	_ =	swait.ge [sflag:s24], $0x4000  }
0x4f: {  	[sflag:s24] =	ssyncset.done $0x0  }
.Ltmp3:
0x50: {  	[sflag:s24] =	ssyncadd.s32 $0xFFFFC000;
	(pc) =	sbr.rel @p1 .LBB2_8-.Ltmp3, $4  }
0x51: {  	[spmem:s2] =	stream.indirect.scatter.add.f32 [tilespmem:s23], [sflag:$0x8], $0x80, s1, s18, $0xb8;
	[tilespmem:$0x1C400] =	vst v63  }
0x52: {  	_ =	swait.ge [sflag:s26], $0x4000  }
0x53: {  	[sflag:s26] =	ssyncset.done $0x0  }
0x54: {  	[sflag:s26] =	ssyncadd.s32 $0xFFFFC000  }
0x55: {  	s5 =	sadd.s32 $0xA0, s5  }
0x56: {  	[tilespmem:s16], [sflag:$0x2] =	stream.linear.gather [hbm4b:s5+s3], $0x100, $0x38;
	[tilespmem:$0x1C400] =	vst v63  }
.Ltmp4:
0x57: {  	_ = 	snop;
	(pc) =	sbr.rel .LBB2_7-.Ltmp4, $4  }
0x58: {  	_ =	swait.ge [sflag:s17], $0x100  }
0x59: {  	[sflag:s17] =	ssyncset.done $0x0  }
0x5a: {  	s8 =	sadd.s32 $0x80, s8;
	[sflag:s17] =	ssyncadd.s32 $0xFFFFFF00  }
0x5b: {  	[tilespmem:s19], [sflag:$0x5] =	stream.indirect.gather [hbm4b:s6+s18], $0x80, s3, s18, $0xb8;
	[tilespmem:$0x1C400] =	vst v63  }
.LBB2_2:
0x5c: {  	[tilespmem:s19], [sflag:$0x5] =	stream.indirect.gather [hbm4b:s4+s18], $0x80, s8, s18, $0xb8;
	[tilespmem:$0x1C400] =	vst v63  }
.LBB2_3:
0x5d: {  	_ =	swait.ge [sflag:s20], $0x4000  }
0x5e: {  	p1 =	seq.s32 s8, $0x0;
	[sflag:s20] =	ssyncset.done $0x0  }
0x5f: {  	s9 =	simm.s32 @!p1 $0x8;
	[sflag:s20] =	ssyncadd.s32 $0xFFFFC000  }
0x60: {  	[spmem:s2] =	stream.indirect.scatter.add.f32 [tilespmem:s19], [sflag:$0x7], $0x80, s18, s18, $0xb8;
	[tilespmem:$0x1C400] =	vst v63  }
0x61: {  	_ =	swait.ge @!p1 [sflag:s9], $0x4000  }
0x62: {  	s5 =	sadd.s32 s8, s11;
	[sflag:s9] =	ssyncset.done @!p1 $0x0  }
0x63: {  	s12 =	sadd.s32 $0x40, s5;
	[sflag:s9] =	ssyncadd.s32 @!p1 $0xFFFFC000  }
0x64: {  	[tilespmem:s21], [sflag:$0x3] =	stream.linear.gather [hbm4b:s12+s3], $0x100, $0x38;
	[tilespmem:$0x1C400] =	vst v63  }
0x65: {  	_ =	swait.ge [sflag:s22], $0x100  }
0x66: {  	[sflag:s22] =	ssyncset.done $0x0  }
0x67: {  	[sflag:s22] =	ssyncadd.s32 $0xFFFFFF00  }
0x68: {  	[tilespmem:s23], [sflag:$0x6] =	stream.indirect.gather [hbm4b:s4+s18], $0x80, s16, s18, $0xb8;
	[tilespmem:$0x1C400] =	vst v63  }
0x69: {  	_ =	swait.ge [sflag:s24], $0x4000  }
0x6a: {  	[sflag:s24] =	ssyncset.done $0x0  }
0x6b: {  	[sflag:s24] =	ssyncadd.s32 $0xFFFFC000  }
0x6c: {  	[spmem:s2] =	stream.indirect.scatter.add.f32 [tilespmem:s23], [sflag:$0x8], $0x80, s25, s18, $0xb8;
	[tilespmem:$0x1C400] =	vst v63  }
0x6d: {  	_ =	swait.ge [sflag:s26], $0x4000  }
0x6e: {  	[sflag:s26] =	ssyncset.done $0x0  }
0x6f: {  	s12 =	sadd.s32 $0x60, s5;
	[sflag:s26] =	ssyncadd.s32 $0xFFFFC000  }
0x70: {  	[tilespmem:s28], [sflag:$0x4] =	stream.linear.gather [hbm4b:s12+s3], $0x100, $0x38;
	[tilespmem:$0x1C400] =	vst v63  }
0x71: {  	_ =	swait.ge [sflag:s29], $0x100  }
0x72: {  	[sflag:s29] =	ssyncset.done $0x0  }
0x73: {  	[sflag:s29] =	ssyncadd.s32 $0xFFFFFF00  }
0x74: {  	[tilespmem:s19], [sflag:$0x5] =	stream.indirect.gather [hbm4b:s4+s18], $0x80, s21, s18, $0xb8;
	[tilespmem:$0x1C400] =	vst v63  }
0x75: {  	_ =	swait.ge [sflag:s20], $0x4000  }
0x76: {  	[sflag:s20] =	ssyncset.done $0x0  }
0x77: {  	[sflag:s20] =	ssyncadd.s32 $0xFFFFC000  }
0x78: {  	[spmem:s2] =	stream.indirect.scatter.add.f32 [tilespmem:s19], [sflag:$0x7], $0x80, s30, s18, $0xb8;
	[tilespmem:$0x1C400] =	vst v63  }
0x79: {  	p1 =	seq.s32 s8, $0x980;
	_ =	swait.ge [sflag:s31], $0x4000  }
0x7a: {  	s9 =	sadd.s32 @!p1 s8, s11;
	[sflag:s31] =	ssyncset.done $0x0  }
0x7b: {  	s9 =	sadd.s32 @!p1 $0x80, s9;
	s12 =	simm.s32 @!p1 $0x0;
	[sflag:s31] =	ssyncadd.s32 $0xFFFFC000  }
0x7c: {  	[tilespmem:s12], [sflag:$0x1] =	stream.linear.gather @!p1 [hbm4b:s9+s12], $0x100, $0x38;
	[tilespmem:$0x1C400] =	vst v63  }
0x7d: {  	_ =	swait.ge [sflag:s0], $0x100  }
0x7e: {  	[sflag:s0] =	ssyncset.done $0x0  }
0x7f: {  	[sflag:s0] =	ssyncadd.s32 $0xFFFFFF00  }
0x80: {  	[tilespmem:s23], [sflag:$0x6] =	stream.indirect.gather [hbm4b:s4+s18], $0x80, s28, s18, $0xb8;
	[tilespmem:$0x1C400] =	vst v63  }
0x81: {  	_ =	swait.ge [sflag:s24], $0x4000  }
0x82: {  	[sflag:s24] =	ssyncset.done $0x0  }
.Ltmp5:
0x83: {  	[sflag:s24] =	ssyncadd.s32 $0xFFFFC000;
	(pc) =	sbr.rel @p1 .LBB2_4-.Ltmp5, $4  }
0x84: {  	[spmem:s2] =	stream.indirect.scatter.add.f32 [tilespmem:s23], [sflag:$0x8], $0x80, s1, s18, $0xb8;
	[tilespmem:$0x1C400] =	vst v63  }
0x85: {  	_ =	swait.ge [sflag:s26], $0x4000  }
0x86: {  	[sflag:s26] =	ssyncset.done $0x0  }
0x87: {  	[sflag:s26] =	ssyncadd.s32 $0xFFFFC000  }
0x88: {  	s5 =	sadd.s32 $0xA0, s5  }
0x89: {  	[tilespmem:s16], [sflag:$0x2] =	stream.linear.gather [hbm4b:s5+s3], $0x100, $0x38;
	[tilespmem:$0x1C400] =	vst v63  }
.Ltmp6:
0x8a: {  	_ = 	snop;
	(pc) =	sbr.rel .LBB2_3-.Ltmp6, $4  }
0x8b: {  	_ =	swait.ge [sflag:s17], $0x100  }
0x8c: {  	[sflag:s17] =	ssyncset.done $0x0  }
0x8d: {  	s8 =	sadd.s32 $0x80, s8;
	[sflag:s17] =	ssyncadd.s32 $0xFFFFFF00  }
0x8e: {  	[tilespmem:s19], [sflag:$0x5] =	stream.indirect.gather [hbm4b:s4+s18], $0x80, s3, s18, $0xb8;
	[tilespmem:$0x1C400] =	vst v63  }
.LBB2_4:
.Ltmp7:
0x8f: {  	(pc) =	sbr.rel .LBB2_9-.Ltmp7, $2  }
0x90: {  	_ =	sdelay $0x2  }
0x91: {  	s5 =	rddreg [dreg:$0x4]  }
.LBB2_10:
0x92: {  	_ =	sfence.sel $0x180000  }
0x93: {  	[bflag:$0x0] =	sbarrier.arrive $0xFFFF  }
0x94: {  	_ =	strace $0x90000047  }
0x95: {  	s0 =	stileid.u32;
	[bflag:$0x2] =	sbarrier.arrive $0xFFFF  }
0x96: {  	p0 =	sne.s32 s0, $0x0;
	s0 =	rddreg [dreg:$0x2]  }
0x97: {  	s0 =	sadd.s32 @!p0 $0x100000, s0  }
0x98: {  	[sflag:s0] =	ssyncadd.tile.s32 @!p0 $0x1;
	_ =	shalt  }
.Lfunc_end2:
_tile_overlayer_lowered:
.L_overlay_start_2:
0x99: {  	(tag) =	ssettag $0x2  }
0x9a: {  	s0 =	rddreg [dreg:$0x0];
	s2 =	stileid.u32  }
0x9b: {  	s1 =	rddreg [dreg:$0x1];
	p0 =	sne.s32 s2, $0x0  }
0x9c: {  	s3 =	rddreg [dreg:$0x2];
	[bflag:$0x3] =	sbarrier.arrive $0xFFFF;
	s2 =	simm.s32 @!p0 $0x1C09  }
0x9d: {  	[timem:s3], [sflag:s2] =	dma.local @!p0 [hbm:s0], s1  }
0x9e: {  	s0 =	simm.s32 @!p0 $0x9  }
0x9f: {  	_ =	swait.ge @!p0 [sflag:s0], s1  }
0xa0: {  	s1 =	ssub.s32 @!p0 $0x0, s1;
	[sflag:s0] =	ssyncset.done @!p0 $0x0  }
0xa1: {  	[sflag:s0] =	ssyncadd.s32 @!p0 s1  }
0xa2: {  	[bflag:$0x3] =	sbarrier.arrive $0xFFFF  }
0xa3: {  	_ =	shalt  }

</sc_bundles>
